<compile_context>
chip_gen: v7x
topology: tpu7x:2x2x1
jax: 0.10.2.dev20260603
libtpu: 0.0.44.dev20260713+nightly
codegen_flags: <defaults>
</compile_context>

<pallas_src>
import jax
import jax.numpy as jnp
from jax import lax
from jax.experimental import pallas as pl
from jax.experimental.pallas import tpu as pltpu
from jax.experimental.pallas import tpu_sc as plsc

N_NODES = 10000
N_EDGES = 320000
D = 128

NC = 2
NS = 16
NW = NC * NS
L = 16

NPAD = 10240
E2 = N_EDGES // NW
C = 80
NROWS = NPAD // NS


def _sc_body(src_hbm, dst_hbm, sa_hbm, sb_hbm, msg_hbm,
             part_hbm, lsums_hbm,
             sa_v, sb_v, lsum_v, srcc_v, dstc_v, coef_v, rows_v,
             acc_sh, sem):
  cid = lax.axis_index("c")
  sid = lax.axis_index("s")
  wid = cid * NS + sid

  zeros16 = jnp.zeros((L,), jnp.float32)

  pltpu.sync_copy(sa_hbm, sa_v)
  pltpu.sync_copy(sb_hbm, sb_v)

  def zero_lsum(i, carry):
    lsum_v[pl.ds(i * L, L)] = zeros16
    return carry
  lax.fori_loop(0, NPAD // L, zero_lsum, 0)

  def zero_rows(i, carry):
    rows_v[i // (D // L), pl.ds((i % (D // L)) * L, L)] = zeros16
    return carry
  lax.fori_loop(0, C * D // L, zero_rows, 0)

  ab = sid * NROWS
  for k in range(NROWS // C):
    pltpu.sync_copy(rows_v, acc_sh.at[pl.ds(ab + k * C, C)])
  plsc.subcore_barrier()

  base2 = wid * E2

  def ch_body(k, carry):
    eb = base2 + k * C
    pltpu.sync_copy(src_hbm.at[pl.ds(eb, C)], srcc_v)
    pltpu.sync_copy(dst_hbm.at[pl.ds(eb, C)], dstc_v)
    cp = pltpu.async_copy(msg_hbm.at[srcc_v], rows_v, sem)
    def coef_body(g, carry2):
      s16 = srcc_v[pl.ds(g * L, L)]
      d16 = dstc_v[pl.ds(g * L, L)]
      a = plsc.load_gather(sa_v, [s16])
      b = plsc.load_gather(sb_v, [d16])
      x = a + b
      lr = jnp.where(x >= 0.0, x, 0.01 * x)
      p = jnp.exp(lr)
      plsc.addupdate_scatter(lsum_v, [d16], p)
      coef_v[pl.ds(g * L, L)] = p
      return carry2
    lax.fori_loop(0, C // L, coef_body, 0)
    cp.wait()

    def scale_group(g, carry2):
      cvec = coef_v[pl.ds(g * L, L)]
      for i in range(L):
        c = cvec[i]
        e = g * L + i
        for j in range(D // L):
          rows_v[e, pl.ds(j * L, L)] = rows_v[e, pl.ds(j * L, L)] * c
      return carry2
    lax.fori_loop(0, C // L, scale_group, 0)

    pltpu.sync_copy(rows_v, acc_sh.at[dstc_v], add=True)
    return carry
  lax.fori_loop(0, E2 // C, ch_body, 0)

  pltpu.sync_copy(lsum_v, lsums_hbm.at[wid])
  plsc.subcore_barrier()
  pltpu.sync_copy(acc_sh.at[pl.ds(ab, NROWS)],
                  part_hbm.at[cid, pl.ds(ab, NROWS)])


_sc_aggregate = pl.kernel(
    _sc_body,
    out_type=[
        jax.ShapeDtypeStruct((NC, NPAD, D), jnp.float32),
        jax.ShapeDtypeStruct((NW, NPAD), jnp.float32),
    ],
    mesh=plsc.VectorSubcoreMesh(core_axis_name="c", subcore_axis_name="s",
                                num_cores=NC, num_subcores=NS),
    compiler_params=pltpu.CompilerParams(needs_layout_passes=False),
    scratch_types=[
        pltpu.VMEM((N_NODES,), jnp.float32),
        pltpu.VMEM((N_NODES,), jnp.float32),
        pltpu.VMEM((NPAD,), jnp.float32),
        pltpu.VMEM((C,), jnp.int32),
        pltpu.VMEM((C,), jnp.int32),
        pltpu.VMEM((C,), jnp.float32),
        pltpu.VMEM((C, D), jnp.float32),
        pltpu.VMEM_SHARED((NPAD, D), jnp.float32),
        pltpu.SemaphoreType.DMA,
    ],
)


def _tc1_body(x_ref, w_ref, a_ref, m_ref, s_ref):
  x = x_ref[...]
  m = lax.dot_general(x, w_ref[...], (((1,), (1,)), ((), ())),
                      preferred_element_type=jnp.float32)
  m_ref[...] = m
  s_ref[...] = lax.dot_general(m, a_ref[...], (((1,), (0,)), ((), ())),
                               preferred_element_type=jnp.float32)


_tc_messages = pl.pallas_call(
    _tc1_body,
    out_shape=[
        jax.ShapeDtypeStruct((N_NODES, D), jnp.float32),
        jax.ShapeDtypeStruct((N_NODES, 8), jnp.float32),
    ],
)


def _tc2_body(part_ref, ls_ref, x_ref, c_ref, o_ref):
  sig = jax.nn.sigmoid(c_ref[0])
  sums = jnp.sum(ls_ref[...], axis=0)[0:N_NODES]
  sums = jnp.where(sums == 0.0, 1.0, sums)
  merged = (part_ref[0, 0:N_NODES, :] + part_ref[1, 0:N_NODES, :]) / sums[:, None]
  o_ref[...] = jnp.maximum(merged, 0.0) + x_ref[...] * sig


_tc_finish = pl.pallas_call(
    _tc2_body,
    in_specs=[
        pl.BlockSpec(),
        pl.BlockSpec(),
        pl.BlockSpec(),
        pl.BlockSpec(memory_space=pltpu.SMEM),
    ],
    out_shape=jax.ShapeDtypeStruct((N_NODES, D), jnp.float32),
)


@jax.jit
def kernel(in_states, edges, W_msg, att_w, passthrough_coef):
  src = edges[0]
  dst = edges[1]
  a_pad = jnp.zeros((D, 8), jnp.float32)
  a_pad = a_pad.at[:, 0].set(att_w[0, :D]).at[:, 1].set(att_w[0, D:])
  messages, s = _tc_messages(in_states, W_msg, a_pad)
  sa = s[:, 0]
  sb = s[:, 1]
  parts, lsums = _sc_aggregate(src, dst, sa, sb, messages)
  out = _tc_finish(parts, lsums, in_states, passthrough_coef.reshape(1))
  return out

# --- scband reference (transcript-rebuilt; emitter-appended) ---
"""Pipeline reference for scband-gatlayer-3556232922574 (READ-ONLY COPY).

The authoritative reference and input builder live on the scoring server;
editing this copy changes nothing except your own understanding.
"""

import jax, jax.numpy as jnp
import numpy as np

N_NODES = 10000
N_EDGES = 320000
D_FEAT = 128


def setup_inputs(seed: int = 0) -> dict:
    key = jax.random.key(seed)
    k1, k2, k3, k4 = jax.random.split(key, 4)
    in_states = jax.random.normal(k1, (N_NODES, D_FEAT), dtype=jnp.float32)
    edges = jax.random.randint(k2, (2, N_EDGES), 0, N_NODES, dtype=jnp.int32)
    # Learned parameters (dropout treated as identity / eval mode)
    W_msg = jax.random.normal(k3, (D_FEAT, D_FEAT), dtype=jnp.float32) * 0.05
    att_w = jax.random.normal(k4, (1, 2 * D_FEAT), dtype=jnp.float32) * 0.05
    passthrough_coef = jnp.array(1.0, dtype=jnp.float32)
    return {
        'in_states': in_states,
        'edges': edges,
        'W_msg': W_msg,
        'att_w': att_w,
        'passthrough_coef': passthrough_coef,
    }


def _leaky_relu(x, negative_slope=0.01):
    return jnp.where(x >= 0, x, negative_slope * x)


def reference(in_states, edges, W_msg, att_w, passthrough_coef):
    n_nodes = in_states.shape[0]
    src = edges[0]
    dst = edges[1]
    # GATMessage: linear (no bias); dropout is identity in eval mode
    messages = in_states @ W_msg.T
    # gather endpoints
    m_from = messages[src, :]
    m_to = messages[dst, :]
    m_stack = jnp.concatenate([m_from, m_to], axis=-1)
    # GATAttentionCoefficients: linear (no bias) + LeakyReLU + squeeze
    attention_coef = _leaky_relu(m_stack @ att_w.T).squeeze(-1)
    # indexed_softmax over destination node index
    max_per_index = jax.ops.segment_max(attention_coef, dst, num_segments=n_nodes)
    values_exp = jnp.exp(attention_coef - max_per_index[dst])
    sum_per_index = jax.ops.segment_sum(values_exp, dst, num_segments=n_nodes)
    softmax_attention_coef = values_exp / sum_per_index[dst]
    # attention dropout identity in eval mode
    scaled_messages = softmax_attention_coef[:, None] * messages[src]
    merged_msgs = jax.ops.segment_sum(scaled_messages, dst, num_segments=n_nodes)
    new_states_res = jax.nn.relu(merged_msgs)
    # residual_proj is a frozen identity matrix -> identity map
    W_res = jnp.eye(in_states.shape[1], dtype=in_states.dtype)
    old_states_passthrough = (in_states @ W_res.T) * jax.nn.sigmoid(passthrough_coef)
    new_states = old_states_passthrough + new_states_res
    return new_states

if __name__ == "__main__":
    import jax
    _d = setup_inputs()
    print(jax.jit(kernel)(*tuple(_d.values())))

</pallas_src>

<mosaic_0001>
#map = affine_map<(d0, d1) -> (0)>
#map1 = affine_map<(d0, d1) -> (0, 0)>
#map2 = affine_map<(d0, d1) -> (0, 0, 0)>
module attributes {stable_mosaic.version = 14 : i64} {
  func.func @_sc_body(%arg0: i32, %arg1: i32, %arg2: memref<320000xi32, #tpu.memory_space<hbm>>, %arg3: memref<320000xi32, #tpu.memory_space<hbm>>, %arg4: memref<10000xf32, #tpu.memory_space<hbm>>, %arg5: memref<10000xf32, #tpu.memory_space<hbm>>, %arg6: memref<10000x128xf32, #tpu.memory_space<hbm>>, %arg7: memref<2x10240x128xf32, #tpu.memory_space<hbm>>, %arg8: memref<32x10240xf32, #tpu.memory_space<hbm>>, %arg9: memref<10000xf32, #tpu.memory_space<vmem>>, %arg10: memref<10000xf32, #tpu.memory_space<vmem>>, %arg11: memref<10240xf32, #tpu.memory_space<vmem>>, %arg12: memref<80xi32, #tpu.memory_space<vmem>>, %arg13: memref<80xi32, #tpu.memory_space<vmem>>, %arg14: memref<80xf32, #tpu.memory_space<vmem>>, %arg15: memref<80x128xf32, #tpu.memory_space<vmem>>, %arg16: memref<10240x128xf32, #tpu.memory_space<vmem_shared>>, %arg17: memref<!tpu.dma_semaphore, #tpu.memory_space<semaphore_mem>>) attributes {dimension_semantics = [#tpu.dimension_semantics<core_parallel>, #tpu.dimension_semantics<subcore_parallel>], iteration_bounds = array<i64: 2, 16>, scalar_prefetch = 0 : i64, scratch_operands = 9 : i64, tpu.core_type = #tpu.core_type<sc_vector_subcore>, window_params = [{transform_indices = #map}, {transform_indices = #map}, {transform_indices = #map}, {transform_indices = #map}, {transform_indices = #map1}, {transform_indices = #map2}, {transform_indices = #map1}]} {
    %mul3A = arith.constant 16 : i32
    %mul3A_0 = arith.muli %arg0, %mul3A : i32
    %add3A = arith.addi %mul3A_0, %arg1 : i32
    %broadcast_in_dim3A = arith.constant 0.000000e+00 : f32
    %broadcast_in_dim3A_1 = vector.broadcast %broadcast_in_dim3A : f32 to vector<16xf32>
    "tpu.region"() ({
      %run_scoped3A = tpu.sem_alloc : memref<!tpu.dma_semaphore, #tpu.memory_space<semaphore_mem>>
      tpu.enqueue_dma source(%arg4 : memref<10000xf32, #tpu.memory_space<hbm>>) target(%arg9 : memref<10000xf32, #tpu.memory_space<vmem>>) target_semaphore(%run_scoped3A : memref<!tpu.dma_semaphore, #tpu.memory_space<semaphore_mem>>)
      tpu.wait_dma2 semaphore(%run_scoped3A : memref<!tpu.dma_semaphore, #tpu.memory_space<semaphore_mem>>) src(%arg4 : memref<10000xf32, #tpu.memory_space<hbm>>) dst(%arg9 : memref<10000xf32, #tpu.memory_space<vmem>>)
      tpu.yield
    }) : () -> ()
    "tpu.region"() ({
      %run_scoped3A = tpu.sem_alloc : memref<!tpu.dma_semaphore, #tpu.memory_space<semaphore_mem>>
      tpu.enqueue_dma source(%arg5 : memref<10000xf32, #tpu.memory_space<hbm>>) target(%arg10 : memref<10000xf32, #tpu.memory_space<vmem>>) target_semaphore(%run_scoped3A : memref<!tpu.dma_semaphore, #tpu.memory_space<semaphore_mem>>)
      tpu.wait_dma2 semaphore(%run_scoped3A : memref<!tpu.dma_semaphore, #tpu.memory_space<semaphore_mem>>) src(%arg5 : memref<10000xf32, #tpu.memory_space<hbm>>) dst(%arg10 : memref<10000xf32, #tpu.memory_space<vmem>>)
      tpu.yield
    }) : () -> ()
    %scan3A = arith.constant 0 : i32
    %scan3A_2 = arith.constant 0 : i32
    %scan3A_3 = arith.constant 640 : i32
    %scan3A_4 = arith.addi %scan3A_2, %scan3A_3 : i32
    %scan3A_5 = arith.constant 1 : i32
    scf.for %scan3A_40 = %scan3A_2 to %scan3A_4 step %scan3A_5  : i32 {
      %mul3A_41 = arith.constant 16 : i32
      %mul3A_42 = arith.muli %scan3A_40, %mul3A_41 : i32
      %swap3A = arith.index_cast %mul3A_42 : i32 to index
      %swap3A_43 = tpu.vector_load %arg11[%swap3A] {strides = array<i32>} : memref<10240xf32, #tpu.memory_space<vmem>>, vector<16xf32>,
      tpu.vector_store %arg11[%swap3A], %broadcast_in_dim3A_1 {strides = array<i32>} : memref<10240xf32, #tpu.memory_space<vmem>>, vector<16xf32>,
    }
    %scan3A_6 = arith.constant 640 : i32
    %scan3A_7 = arith.constant 0 : i32
    %scan3A_8 = arith.constant 0 : i32
    %scan3A_9 = arith.constant 640 : i32
    %scan3A_10 = arith.addi %scan3A_8, %scan3A_9 : i32
    %scan3A_11 = arith.constant 1 : i32
    scf.for %scan3A_40 = %scan3A_8 to %scan3A_10 step %scan3A_11  : i32 {
      %jit3A = arith.constant 8 : i32
      %div3A = arith.divsi %scan3A_40, %jit3A : i32
      %sign3A = arith.constant 0 : i32
      %sign3A_41 = arith.cmpi sgt, %scan3A_40, %sign3A : i32
      %sign3A_42 = arith.extui %sign3A_41 : i1 to i32
      %sign3A_43 = arith.constant 0 : i32
      %sign3A_44 = arith.cmpi slt, %scan3A_40, %sign3A_43 : i32
      %sign3A_45 = arith.extui %sign3A_44 : i1 to i32
      %sign3A_46 = arith.subi %sign3A_42, %sign3A_45 : i32
      %sign3A_47 = arith.constant 0 : i32
      %sign3A_48 = arith.cmpi sgt, %jit3A, %sign3A_47 : i32
      %sign3A_49 = arith.extui %sign3A_48 : i1 to i32
      %sign3A_50 = arith.constant 0 : i32
      %sign3A_51 = arith.cmpi slt, %jit3A, %sign3A_50 : i32
      %sign3A_52 = arith.extui %sign3A_51 : i1 to i32
      %sign3A_53 = arith.subi %sign3A_49, %sign3A_52 : i32
      %ne3A = arith.cmpi ne, %sign3A_46, %sign3A_53 : i32
      %rem3A = arith.remsi %scan3A_40, %jit3A : i32
      %ne3A_54 = arith.constant 0 : i32
      %ne3A_55 = arith.cmpi ne, %rem3A, %ne3A_54 : i32
      %and3A = arith.andi %ne3A, %ne3A_55 : i1
      %sub3A = arith.constant 1 : i32
      %sub3A_56 = arith.subi %div3A, %sub3A : i32
      %select_n3A = arith.select %and3A, %sub3A_56, %div3A : i32
      %jit3A_57 = arith.constant 8 : i32
      %eq3A = arith.constant 0 : i32
      %eq3A_58 = arith.cmpi eq, %jit3A_57, %eq3A : i32
      %jit3A_59 = arith.constant 1 : i32
      %select_n3A_60 = arith.select %eq3A_58, %jit3A_59, %jit3A_57 : i32
      %rem3A_61 = arith.remsi %scan3A_40, %select_n3A_60 : i32
      %ne3A_62 = arith.constant 0 : i32
      %ne3A_63 = arith.cmpi ne, %rem3A_61, %ne3A_62 : i32
      %lt3A = arith.constant 0 : i32
      %lt3A_64 = arith.cmpi slt, %rem3A_61, %lt3A : i32
      %lt3A_65 = arith.constant 0 : i32
      %lt3A_66 = arith.cmpi slt, %select_n3A_60, %lt3A_65 : i32
      %ne3A_67 = arith.xori %lt3A_64, %lt3A_66 : i1
      %and3A_68 = arith.andi %ne3A_67, %ne3A_63 : i1
      %add3A_69 = arith.addi %rem3A_61, %select_n3A_60 : i32
      %select_n3A_70 = arith.select %and3A_68, %add3A_69, %rem3A_61 : i32
      %mul3A_71 = arith.constant 16 : i32
      %mul3A_72 = arith.muli %select_n3A_70, %mul3A_71 : i32
      %swap3A = arith.index_cast %select_n3A : i32 to index
      %swap3A_73 = arith.index_cast %mul3A_72 : i32 to index
      %swap3A_74 = tpu.vector_load %arg15[%swap3A, %swap3A_73] {strides = array<i32>} : memref<80x128xf32, #tpu.memory_space<vmem>>, vector<16xf32>,
      tpu.vector_store %arg15[%swap3A, %swap3A_73], %broadcast_in_dim3A_1 {strides = array<i32>} : memref<80x128xf32, #tpu.memory_space<vmem>>, vector<16xf32>,
    }
    %scan3A_12 = arith.constant 640 : i32
    %mul3A_13 = arith.constant 640 : i32
    %mul3A_14 = arith.muli %arg1, %mul3A_13 : i32
    %add3A_15 = arith.constant 0 : i32
    %add3A_16 = arith.addi %mul3A_14, %add3A_15 : i32
    "tpu.region"() ({
      %run_scoped3A = tpu.sem_alloc : memref<!tpu.dma_semaphore, #tpu.memory_space<semaphore_mem>>
      %dma_start3A = arith.constant 0 : i32
      %dma_start3A_40 = tpu.memref_slice %arg16[%add3A_16, %dma_start3A] : memref<10240x128xf32, #tpu.memory_space<vmem_shared>> -> memref<80x128xf32, #tpu.memory_space<vmem_shared>>
      %dma_start3A_41 = arith.constant 0 : i32
      %dma_start3A_42 = tpu.memref_slice %arg16[%add3A_16, %dma_start3A_41] : memref<10240x128xf32, #tpu.memory_space<vmem_shared>> -> memref<80x128xf32, #tpu.memory_space<vmem_shared>>
      tpu.enqueue_dma source(%arg15 : memref<80x128xf32, #tpu.memory_space<vmem>>) target(%dma_start3A_42 : memref<80x128xf32, #tpu.memory_space<vmem_shared>>) target_semaphore(%run_scoped3A : memref<!tpu.dma_semaphore, #tpu.memory_space<semaphore_mem>>)
      %dma_wait3A = arith.constant 0 : i32
      %dma_wait3A_43 = tpu.memref_slice %arg16[%add3A_16, %dma_wait3A] : memref<10240x128xf32, #tpu.memory_space<vmem_shared>> -> memref<80x128xf32, #tpu.memory_space<vmem_shared>>
      %dma_wait3A_44 = arith.constant 0 : i32
      %dma_wait3A_45 = tpu.memref_slice %arg16[%add3A_16, %dma_wait3A_44] : memref<10240x128xf32, #tpu.memory_space<vmem_shared>> -> memref<80x128xf32, #tpu.memory_space<vmem_shared>>
      tpu.wait_dma2 semaphore(%run_scoped3A : memref<!tpu.dma_semaphore, #tpu.memory_space<semaphore_mem>>) src(%arg15 : memref<80x128xf32, #tpu.memory_space<vmem>>) dst(%dma_wait3A_45 : memref<80x128xf32, #tpu.memory_space<vmem_shared>>)
      tpu.yield
    }) : () -> ()
    %add3A_17 = arith.constant 80 : i32
    %add3A_18 = arith.addi %mul3A_14, %add3A_17 : i32
    "tpu.region"() ({
      %run_scoped3A = tpu.sem_alloc : memref<!tpu.dma_semaphore, #tpu.memory_space<semaphore_mem>>
      %dma_start3A = arith.constant 0 : i32
      %dma_start3A_40 = tpu.memref_slice %arg16[%add3A_18, %dma_start3A] : memref<10240x128xf32, #tpu.memory_space<vmem_shared>> -> memref<80x128xf32, #tpu.memory_space<vmem_shared>>
      %dma_start3A_41 = arith.constant 0 : i32
      %dma_start3A_42 = tpu.memref_slice %arg16[%add3A_18, %dma_start3A_41] : memref<10240x128xf32, #tpu.memory_space<vmem_shared>> -> memref<80x128xf32, #tpu.memory_space<vmem_shared>>
      tpu.enqueue_dma source(%arg15 : memref<80x128xf32, #tpu.memory_space<vmem>>) target(%dma_start3A_42 : memref<80x128xf32, #tpu.memory_space<vmem_shared>>) target_semaphore(%run_scoped3A : memref<!tpu.dma_semaphore, #tpu.memory_space<semaphore_mem>>)
      %dma_wait3A = arith.constant 0 : i32
      %dma_wait3A_43 = tpu.memref_slice %arg16[%add3A_18, %dma_wait3A] : memref<10240x128xf32, #tpu.memory_space<vmem_shared>> -> memref<80x128xf32, #tpu.memory_space<vmem_shared>>
      %dma_wait3A_44 = arith.constant 0 : i32
      %dma_wait3A_45 = tpu.memref_slice %arg16[%add3A_18, %dma_wait3A_44] : memref<10240x128xf32, #tpu.memory_space<vmem_shared>> -> memref<80x128xf32, #tpu.memory_space<vmem_shared>>
      tpu.wait_dma2 semaphore(%run_scoped3A : memref<!tpu.dma_semaphore, #tpu.memory_space<semaphore_mem>>) src(%arg15 : memref<80x128xf32, #tpu.memory_space<vmem>>) dst(%dma_wait3A_45 : memref<80x128xf32, #tpu.memory_space<vmem_shared>>)
      tpu.yield
    }) : () -> ()
    %add3A_19 = arith.constant 160 : i32
    %add3A_20 = arith.addi %mul3A_14, %add3A_19 : i32
    "tpu.region"() ({
      %run_scoped3A = tpu.sem_alloc : memref<!tpu.dma_semaphore, #tpu.memory_space<semaphore_mem>>
      %dma_start3A = arith.constant 0 : i32
      %dma_start3A_40 = tpu.memref_slice %arg16[%add3A_20, %dma_start3A] : memref<10240x128xf32, #tpu.memory_space<vmem_shared>> -> memref<80x128xf32, #tpu.memory_space<vmem_shared>>
      %dma_start3A_41 = arith.constant 0 : i32
      %dma_start3A_42 = tpu.memref_slice %arg16[%add3A_20, %dma_start3A_41] : memref<10240x128xf32, #tpu.memory_space<vmem_shared>> -> memref<80x128xf32, #tpu.memory_space<vmem_shared>>
      tpu.enqueue_dma source(%arg15 : memref<80x128xf32, #tpu.memory_space<vmem>>) target(%dma_start3A_42 : memref<80x128xf32, #tpu.memory_space<vmem_shared>>) target_semaphore(%run_scoped3A : memref<!tpu.dma_semaphore, #tpu.memory_space<semaphore_mem>>)
      %dma_wait3A = arith.constant 0 : i32
      %dma_wait3A_43 = tpu.memref_slice %arg16[%add3A_20, %dma_wait3A] : memref<10240x128xf32, #tpu.memory_space<vmem_shared>> -> memref<80x128xf32, #tpu.memory_space<vmem_shared>>
      %dma_wait3A_44 = arith.constant 0 : i32
      %dma_wait3A_45 = tpu.memref_slice %arg16[%add3A_20, %dma_wait3A_44] : memref<10240x128xf32, #tpu.memory_space<vmem_shared>> -> memref<80x128xf32, #tpu.memory_space<vmem_shared>>
      tpu.wait_dma2 semaphore(%run_scoped3A : memref<!tpu.dma_semaphore, #tpu.memory_space<semaphore_mem>>) src(%arg15 : memref<80x128xf32, #tpu.memory_space<vmem>>) dst(%dma_wait3A_45 : memref<80x128xf32, #tpu.memory_space<vmem_shared>>)
      tpu.yield
    }) : () -> ()
    %add3A_21 = arith.constant 240 : i32
    %add3A_22 = arith.addi %mul3A_14, %add3A_21 : i32
    "tpu.region"() ({
      %run_scoped3A = tpu.sem_alloc : memref<!tpu.dma_semaphore, #tpu.memory_space<semaphore_mem>>
      %dma_start3A = arith.constant 0 : i32
      %dma_start3A_40 = tpu.memref_slice %arg16[%add3A_22, %dma_start3A] : memref<10240x128xf32, #tpu.memory_space<vmem_shared>> -> memref<80x128xf32, #tpu.memory_space<vmem_shared>>
      %dma_start3A_41 = arith.constant 0 : i32
      %dma_start3A_42 = tpu.memref_slice %arg16[%add3A_22, %dma_start3A_41] : memref<10240x128xf32, #tpu.memory_space<vmem_shared>> -> memref<80x128xf32, #tpu.memory_space<vmem_shared>>
      tpu.enqueue_dma source(%arg15 : memref<80x128xf32, #tpu.memory_space<vmem>>) target(%dma_start3A_42 : memref<80x128xf32, #tpu.memory_space<vmem_shared>>) target_semaphore(%run_scoped3A : memref<!tpu.dma_semaphore, #tpu.memory_space<semaphore_mem>>)
      %dma_wait3A = arith.constant 0 : i32
      %dma_wait3A_43 = tpu.memref_slice %arg16[%add3A_22, %dma_wait3A] : memref<10240x128xf32, #tpu.memory_space<vmem_shared>> -> memref<80x128xf32, #tpu.memory_space<vmem_shared>>
      %dma_wait3A_44 = arith.constant 0 : i32
      %dma_wait3A_45 = tpu.memref_slice %arg16[%add3A_22, %dma_wait3A_44] : memref<10240x128xf32, #tpu.memory_space<vmem_shared>> -> memref<80x128xf32, #tpu.memory_space<vmem_shared>>
      tpu.wait_dma2 semaphore(%run_scoped3A : memref<!tpu.dma_semaphore, #tpu.memory_space<semaphore_mem>>) src(%arg15 : memref<80x128xf32, #tpu.memory_space<vmem>>) dst(%dma_wait3A_45 : memref<80x128xf32, #tpu.memory_space<vmem_shared>>)
      tpu.yield
    }) : () -> ()
    %add3A_23 = arith.constant 320 : i32
    %add3A_24 = arith.addi %mul3A_14, %add3A_23 : i32
    "tpu.region"() ({
      %run_scoped3A = tpu.sem_alloc : memref<!tpu.dma_semaphore, #tpu.memory_space<semaphore_mem>>
      %dma_start3A = arith.constant 0 : i32
      %dma_start3A_40 = tpu.memref_slice %arg16[%add3A_24, %dma_start3A] : memref<10240x128xf32, #tpu.memory_space<vmem_shared>> -> memref<80x128xf32, #tpu.memory_space<vmem_shared>>
      %dma_start3A_41 = arith.constant 0 : i32
      %dma_start3A_42 = tpu.memref_slice %arg16[%add3A_24, %dma_start3A_41] : memref<10240x128xf32, #tpu.memory_space<vmem_shared>> -> memref<80x128xf32, #tpu.memory_space<vmem_shared>>
      tpu.enqueue_dma source(%arg15 : memref<80x128xf32, #tpu.memory_space<vmem>>) target(%dma_start3A_42 : memref<80x128xf32, #tpu.memory_space<vmem_shared>>) target_semaphore(%run_scoped3A : memref<!tpu.dma_semaphore, #tpu.memory_space<semaphore_mem>>)
      %dma_wait3A = arith.constant 0 : i32
      %dma_wait3A_43 = tpu.memref_slice %arg16[%add3A_24, %dma_wait3A] : memref<10240x128xf32, #tpu.memory_space<vmem_shared>> -> memref<80x128xf32, #tpu.memory_space<vmem_shared>>
      %dma_wait3A_44 = arith.constant 0 : i32
      %dma_wait3A_45 = tpu.memref_slice %arg16[%add3A_24, %dma_wait3A_44] : memref<10240x128xf32, #tpu.memory_space<vmem_shared>> -> memref<80x128xf32, #tpu.memory_space<vmem_shared>>
      tpu.wait_dma2 semaphore(%run_scoped3A : memref<!tpu.dma_semaphore, #tpu.memory_space<semaphore_mem>>) src(%arg15 : memref<80x128xf32, #tpu.memory_space<vmem>>) dst(%dma_wait3A_45 : memref<80x128xf32, #tpu.memory_space<vmem_shared>>)
      tpu.yield
    }) : () -> ()
    %add3A_25 = arith.constant 400 : i32
    %add3A_26 = arith.addi %mul3A_14, %add3A_25 : i32
    "tpu.region"() ({
      %run_scoped3A = tpu.sem_alloc : memref<!tpu.dma_semaphore, #tpu.memory_space<semaphore_mem>>
      %dma_start3A = arith.constant 0 : i32
      %dma_start3A_40 = tpu.memref_slice %arg16[%add3A_26, %dma_start3A] : memref<10240x128xf32, #tpu.memory_space<vmem_shared>> -> memref<80x128xf32, #tpu.memory_space<vmem_shared>>
      %dma_start3A_41 = arith.constant 0 : i32
      %dma_start3A_42 = tpu.memref_slice %arg16[%add3A_26, %dma_start3A_41] : memref<10240x128xf32, #tpu.memory_space<vmem_shared>> -> memref<80x128xf32, #tpu.memory_space<vmem_shared>>
      tpu.enqueue_dma source(%arg15 : memref<80x128xf32, #tpu.memory_space<vmem>>) target(%dma_start3A_42 : memref<80x128xf32, #tpu.memory_space<vmem_shared>>) target_semaphore(%run_scoped3A : memref<!tpu.dma_semaphore, #tpu.memory_space<semaphore_mem>>)
      %dma_wait3A = arith.constant 0 : i32
      %dma_wait3A_43 = tpu.memref_slice %arg16[%add3A_26, %dma_wait3A] : memref<10240x128xf32, #tpu.memory_space<vmem_shared>> -> memref<80x128xf32, #tpu.memory_space<vmem_shared>>
      %dma_wait3A_44 = arith.constant 0 : i32
      %dma_wait3A_45 = tpu.memref_slice %arg16[%add3A_26, %dma_wait3A_44] : memref<10240x128xf32, #tpu.memory_space<vmem_shared>> -> memref<80x128xf32, #tpu.memory_space<vmem_shared>>
      tpu.wait_dma2 semaphore(%run_scoped3A : memref<!tpu.dma_semaphore, #tpu.memory_space<semaphore_mem>>) src(%arg15 : memref<80x128xf32, #tpu.memory_space<vmem>>) dst(%dma_wait3A_45 : memref<80x128xf32, #tpu.memory_space<vmem_shared>>)
      tpu.yield
    }) : () -> ()
    %add3A_27 = arith.constant 480 : i32
    %add3A_28 = arith.addi %mul3A_14, %add3A_27 : i32
    "tpu.region"() ({
      %run_scoped3A = tpu.sem_alloc : memref<!tpu.dma_semaphore, #tpu.memory_space<semaphore_mem>>
      %dma_start3A = arith.constant 0 : i32
      %dma_start3A_40 = tpu.memref_slice %arg16[%add3A_28, %dma_start3A] : memref<10240x128xf32, #tpu.memory_space<vmem_shared>> -> memref<80x128xf32, #tpu.memory_space<vmem_shared>>
      %dma_start3A_41 = arith.constant 0 : i32
      %dma_start3A_42 = tpu.memref_slice %arg16[%add3A_28, %dma_start3A_41] : memref<10240x128xf32, #tpu.memory_space<vmem_shared>> -> memref<80x128xf32, #tpu.memory_space<vmem_shared>>
      tpu.enqueue_dma source(%arg15 : memref<80x128xf32, #tpu.memory_space<vmem>>) target(%dma_start3A_42 : memref<80x128xf32, #tpu.memory_space<vmem_shared>>) target_semaphore(%run_scoped3A : memref<!tpu.dma_semaphore, #tpu.memory_space<semaphore_mem>>)
      %dma_wait3A = arith.constant 0 : i32
      %dma_wait3A_43 = tpu.memref_slice %arg16[%add3A_28, %dma_wait3A] : memref<10240x128xf32, #tpu.memory_space<vmem_shared>> -> memref<80x128xf32, #tpu.memory_space<vmem_shared>>
      %dma_wait3A_44 = arith.constant 0 : i32
      %dma_wait3A_45 = tpu.memref_slice %arg16[%add3A_28, %dma_wait3A_44] : memref<10240x128xf32, #tpu.memory_space<vmem_shared>> -> memref<80x128xf32, #tpu.memory_space<vmem_shared>>
      tpu.wait_dma2 semaphore(%run_scoped3A : memref<!tpu.dma_semaphore, #tpu.memory_space<semaphore_mem>>) src(%arg15 : memref<80x128xf32, #tpu.memory_space<vmem>>) dst(%dma_wait3A_45 : memref<80x128xf32, #tpu.memory_space<vmem_shared>>)
      tpu.yield
    }) : () -> ()
    %add3A_29 = arith.constant 560 : i32
    %add3A_30 = arith.addi %mul3A_14, %add3A_29 : i32
    "tpu.region"() ({
      %run_scoped3A = tpu.sem_alloc : memref<!tpu.dma_semaphore, #tpu.memory_space<semaphore_mem>>
      %dma_start3A = arith.constant 0 : i32
      %dma_start3A_40 = tpu.memref_slice %arg16[%add3A_30, %dma_start3A] : memref<10240x128xf32, #tpu.memory_space<vmem_shared>> -> memref<80x128xf32, #tpu.memory_space<vmem_shared>>
      %dma_start3A_41 = arith.constant 0 : i32
      %dma_start3A_42 = tpu.memref_slice %arg16[%add3A_30, %dma_start3A_41] : memref<10240x128xf32, #tpu.memory_space<vmem_shared>> -> memref<80x128xf32, #tpu.memory_space<vmem_shared>>
      tpu.enqueue_dma source(%arg15 : memref<80x128xf32, #tpu.memory_space<vmem>>) target(%dma_start3A_42 : memref<80x128xf32, #tpu.memory_space<vmem_shared>>) target_semaphore(%run_scoped3A : memref<!tpu.dma_semaphore, #tpu.memory_space<semaphore_mem>>)
      %dma_wait3A = arith.constant 0 : i32
      %dma_wait3A_43 = tpu.memref_slice %arg16[%add3A_30, %dma_wait3A] : memref<10240x128xf32, #tpu.memory_space<vmem_shared>> -> memref<80x128xf32, #tpu.memory_space<vmem_shared>>
      %dma_wait3A_44 = arith.constant 0 : i32
      %dma_wait3A_45 = tpu.memref_slice %arg16[%add3A_30, %dma_wait3A_44] : memref<10240x128xf32, #tpu.memory_space<vmem_shared>> -> memref<80x128xf32, #tpu.memory_space<vmem_shared>>
      tpu.wait_dma2 semaphore(%run_scoped3A : memref<!tpu.dma_semaphore, #tpu.memory_space<semaphore_mem>>) src(%arg15 : memref<80x128xf32, #tpu.memory_space<vmem>>) dst(%dma_wait3A_45 : memref<80x128xf32, #tpu.memory_space<vmem_shared>>)
      tpu.yield
    }) : () -> ()
    %barrier3A = arith.constant 0 : index
    tpu.barrier barrier_id(%barrier3A)
    %mul3A_31 = arith.constant 10000 : i32
    %mul3A_32 = arith.muli %add3A, %mul3A_31 : i32
    %scan3A_33 = arith.constant 0 : i32
    %scan3A_34 = arith.constant 0 : i32
    %scan3A_35 = arith.constant 125 : i32
    %scan3A_36 = arith.addi %scan3A_34, %scan3A_35 : i32
    %scan3A_37 = arith.constant 1 : i32
    scf.for %scan3A_40 = %scan3A_34 to %scan3A_36 step %scan3A_37  : i32 {
      %mul3A_41 = arith.constant 80 : i32
      %mul3A_42 = arith.muli %scan3A_40, %mul3A_41 : i32
      %add3A_43 = arith.addi %mul3A_32, %mul3A_42 : i32
      "tpu.region"() ({
        %run_scoped3A = tpu.sem_alloc : memref<!tpu.dma_semaphore, #tpu.memory_space<semaphore_mem>>
        %dma_start3A_60 = tpu.memref_slice %arg2[%add3A_43] : memref<320000xi32, #tpu.memory_space<hbm>> -> memref<80xi32, #tpu.memory_space<hbm>>
        %dma_start3A_61 = tpu.memref_slice %arg2[%add3A_43] : memref<320000xi32, #tpu.memory_space<hbm>> -> memref<80xi32, #tpu.memory_space<hbm>>
        tpu.enqueue_dma source(%dma_start3A_61 : memref<80xi32, #tpu.memory_space<hbm>>) target(%arg12 : memref<80xi32, #tpu.memory_space<vmem>>) target_semaphore(%run_scoped3A : memref<!tpu.dma_semaphore, #tpu.memory_space<semaphore_mem>>)
        %dma_wait3A_62 = tpu.memref_slice %arg2[%add3A_43] : memref<320000xi32, #tpu.memory_space<hbm>> -> memref<80xi32, #tpu.memory_space<hbm>>
        %dma_wait3A_63 = tpu.memref_slice %arg2[%add3A_43] : memref<320000xi32, #tpu.memory_space<hbm>> -> memref<80xi32, #tpu.memory_space<hbm>>
        tpu.wait_dma2 semaphore(%run_scoped3A : memref<!tpu.dma_semaphore, #tpu.memory_space<semaphore_mem>>) src(%dma_wait3A_63 : memref<80xi32, #tpu.memory_space<hbm>>) dst(%arg12 : memref<80xi32, #tpu.memory_space<vmem>>)
        tpu.yield
      }) : () -> ()
      "tpu.region"() ({
        %run_scoped3A = tpu.sem_alloc : memref<!tpu.dma_semaphore, #tpu.memory_space<semaphore_mem>>
        %dma_start3A_60 = tpu.memref_slice %arg3[%add3A_43] : memref<320000xi32, #tpu.memory_space<hbm>> -> memref<80xi32, #tpu.memory_space<hbm>>
        %dma_start3A_61 = tpu.memref_slice %arg3[%add3A_43] : memref<320000xi32, #tpu.memory_space<hbm>> -> memref<80xi32, #tpu.memory_space<hbm>>
        tpu.enqueue_dma source(%dma_start3A_61 : memref<80xi32, #tpu.memory_space<hbm>>) target(%arg13 : memref<80xi32, #tpu.memory_space<vmem>>) target_semaphore(%run_scoped3A : memref<!tpu.dma_semaphore, #tpu.memory_space<semaphore_mem>>)
        %dma_wait3A_62 = tpu.memref_slice %arg3[%add3A_43] : memref<320000xi32, #tpu.memory_space<hbm>> -> memref<80xi32, #tpu.memory_space<hbm>>
        %dma_wait3A_63 = tpu.memref_slice %arg3[%add3A_43] : memref<320000xi32, #tpu.memory_space<hbm>> -> memref<80xi32, #tpu.memory_space<hbm>>
        tpu.wait_dma2 semaphore(%run_scoped3A : memref<!tpu.dma_semaphore, #tpu.memory_space<semaphore_mem>>) src(%dma_wait3A_63 : memref<80xi32, #tpu.memory_space<hbm>>) dst(%arg13 : memref<80xi32, #tpu.memory_space<vmem>>)
        tpu.yield
      }) : () -> ()
      %dma_start3A = arith.constant 0 : i32
      %dma_start3A_44 = arith.constant 0 : i32
      %dma_start3A_45 = tpu.memref_slice %arg6[%dma_start3A, %dma_start3A_44] : memref<10000x128xf32, #tpu.memory_space<hbm>> -> memref<10000x128xf32, #tpu.memory_space<hbm>>
      tpu.enqueue_indirect_dma source(%dma_start3A_45 : memref<10000x128xf32, #tpu.memory_space<hbm>>) target(%arg15 : memref<80x128xf32, #tpu.memory_space<vmem>>) offsets(%arg12 : memref<80xi32, #tpu.memory_space<vmem>>) semaphore(%arg17 : memref<!tpu.dma_semaphore, #tpu.memory_space<semaphore_mem>>)
      %scan3A_46 = arith.constant 0 : i32
      %scan3A_47 = arith.constant 0 : i32
      %scan3A_48 = arith.constant 5 : i32
      %scan3A_49 = arith.addi %scan3A_47, %scan3A_48 : i32
      %scan3A_50 = arith.constant 1 : i32
      scf.for %scan3A_60 = %scan3A_47 to %scan3A_49 step %scan3A_50  : i32 {
        %mul3A_61 = arith.constant 16 : i32
        %mul3A_62 = arith.muli %scan3A_60, %mul3A_61 : i32
        %get3A = arith.index_cast %mul3A_62 : i32 to index
        %get3A_63 = tpu.vector_load %arg12[%get3A] {strides = array<i32>} : memref<80xi32, #tpu.memory_space<vmem>>, vector<16xi32>,
        %mul3A_64 = arith.constant 16 : i32
        %mul3A_65 = arith.muli %scan3A_60, %mul3A_64 : i32
        %get3A_66 = arith.index_cast %mul3A_65 : i32 to index
        %get3A_67 = tpu.vector_load %arg13[%get3A_66] {strides = array<i32>} : memref<80xi32, #tpu.memory_space<vmem>>, vector<16xi32>,
        %gather3A = tpu.vector_load_idx %arg9[%get3A_63] : memref<10000xf32, #tpu.memory_space<vmem>>[vector<16xi32>], vector<16xf32>,
        %gather3A_68 = tpu.vector_load_idx %arg10[%get3A_67] : memref<10000xf32, #tpu.memory_space<vmem>>[vector<16xi32>], vector<16xf32>,
        %add3A_69 = arith.addf %gather3A, %gather3A_68 : vector<16xf32>
        %ge3A = arith.constant 0.000000e+00 : f32
        %ge3A_70 = vector.broadcast %ge3A : f32 to vector<16xf32>
        %ge3A_71 = arith.cmpf oge, %add3A_69, %ge3A_70 : vector<16xf32>
        %mul3A_72 = arith.constant 0.00999999977 : f32
        %mul3A_73 = vector.broadcast %mul3A_72 : f32 to vector<16xf32>
        %mul3A_74 = arith.mulf %mul3A_73, %add3A_69 : vector<16xf32>
        %select_n3A = arith.select %ge3A_71, %add3A_69, %mul3A_74 : vector<16xi1>, vector<16xf32>
        %exp3A = math.exp %select_n3A : vector<16xf32>
        tpu.vector_store_idx %arg11[%get3A_67], %exp3A {add = true} : memref<10240xf32, #tpu.memory_space<vmem>>[vector<16xi32>], vector<16xf32>,
        %mul3A_75 = arith.constant 16 : i32
        %mul3A_76 = arith.muli %scan3A_60, %mul3A_75 : i32
        %swap3A = arith.index_cast %mul3A_76 : i32 to index
        %swap3A_77 = tpu.vector_load %arg14[%swap3A] {strides = array<i32>} : memref<80xf32, #tpu.memory_space<vmem>>, vector<16xf32>,
        tpu.vector_store %arg14[%swap3A], %exp3A {strides = array<i32>} : memref<80xf32, #tpu.memory_space<vmem>>, vector<16xf32>,
      }
      %scan3A_51 = arith.constant 5 : i32
      %dma_wait3A = arith.constant 0 : i32
      %dma_wait3A_52 = arith.constant 0 : i32
      %dma_wait3A_53 = tpu.memref_slice %arg6[%dma_wait3A, %dma_wait3A_52] : memref<10000x128xf32, #tpu.memory_space<hbm>> -> memref<10000x128xf32, #tpu.memory_space<hbm>>
      tpu.wait_indirect_dma semaphore(%arg17 : memref<!tpu.dma_semaphore, #tpu.memory_space<semaphore_mem>>) src(%dma_wait3A_53 : memref<10000x128xf32, #tpu.memory_space<hbm>>) dst(%arg15 : memref<80x128xf32, #tpu.memory_space<vmem>>)
      %scan3A_54 = arith.constant 0 : i32
      %scan3A_55 = arith.constant 0 : i32
      %scan3A_56 = arith.constant 5 : i32
      %scan3A_57 = arith.addi %scan3A_55, %scan3A_56 : i32
      %scan3A_58 = arith.constant 1 : i32
      scf.for %scan3A_60 = %scan3A_55 to %scan3A_57 step %scan3A_58  : i32 {
        %mul3A_61 = arith.constant 16 : i32
        %mul3A_62 = arith.muli %scan3A_60, %mul3A_61 : i32
        %get3A = arith.index_cast %mul3A_62 : i32 to index
        %get3A_63 = tpu.vector_load %arg14[%get3A] {strides = array<i32>} : memref<80xf32, #tpu.memory_space<vmem>>, vector<16xf32>,
        %slice3A = vector.extract_strided_slice %get3A_63 {offsets = [0], sizes = [1], strides = [1]} : vector<16xf32> to vector<1xf32>
        %squeeze3A = vector.extract %slice3A[0] : f32 from vector<1xf32>
        %mul3A_64 = arith.constant 16 : i32
        %mul3A_65 = arith.muli %scan3A_60, %mul3A_64 : i32
        %add3A_66 = arith.constant 0 : i32
        %add3A_67 = arith.addi %mul3A_65, %add3A_66 : i32
        %get3A_68 = arith.index_cast %add3A_67 : i32 to index
        %get3A_69 = arith.constant 0 : index
        %get3A_70 = tpu.vector_load %arg15[%get3A_68, %get3A_69] {strides = array<i32>} : memref<80x128xf32, #tpu.memory_space<vmem>>, vector<16xf32>,
        %mul3A_71 = vector.broadcast %squeeze3A : f32 to vector<16xf32>
        %mul3A_72 = arith.mulf %get3A_70, %mul3A_71 : vector<16xf32>
        %swap3A = arith.index_cast %add3A_67 : i32 to index
        %swap3A_73 = arith.constant 0 : index
        %swap3A_74 = tpu.vector_load %arg15[%swap3A, %swap3A_73] {strides = array<i32>} : memref<80x128xf32, #tpu.memory_space<vmem>>, vector<16xf32>,
        tpu.vector_store %arg15[%swap3A, %swap3A_73], %mul3A_72 {strides = array<i32>} : memref<80x128xf32, #tpu.memory_space<vmem>>, vector<16xf32>,
        %get3A_75 = arith.index_cast %add3A_67 : i32 to index
        %get3A_76 = arith.constant 16 : index
        %get3A_77 = tpu.vector_load %arg15[%get3A_75, %get3A_76] {strides = array<i32>} : memref<80x128xf32, #tpu.memory_space<vmem>>, vector<16xf32>,
        %mul3A_78 = vector.broadcast %squeeze3A : f32 to vector<16xf32>
        %mul3A_79 = arith.mulf %get3A_77, %mul3A_78 : vector<16xf32>
        %swap3A_80 = arith.index_cast %add3A_67 : i32 to index
        %swap3A_81 = arith.constant 16 : index
        %swap3A_82 = tpu.vector_load %arg15[%swap3A_80, %swap3A_81] {strides = array<i32>} : memref<80x128xf32, #tpu.memory_space<vmem>>, vector<16xf32>,
        tpu.vector_store %arg15[%swap3A_80, %swap3A_81], %mul3A_79 {strides = array<i32>} : memref<80x128xf32, #tpu.memory_space<vmem>>, vector<16xf32>,
        %get3A_83 = arith.index_cast %add3A_67 : i32 to index
        %get3A_84 = arith.constant 32 : index
        %get3A_85 = tpu.vector_load %arg15[%get3A_83, %get3A_84] {strides = array<i32>} : memref<80x128xf32, #tpu.memory_space<vmem>>, vector<16xf32>,
        %mul3A_86 = vector.broadcast %squeeze3A : f32 to vector<16xf32>
        %mul3A_87 = arith.mulf %get3A_85, %mul3A_86 : vector<16xf32>
        %swap3A_88 = arith.index_cast %add3A_67 : i32 to index
        %swap3A_89 = arith.constant 32 : index
        %swap3A_90 = tpu.vector_load %arg15[%swap3A_88, %swap3A_89] {strides = array<i32>} : memref<80x128xf32, #tpu.memory_space<vmem>>, vector<16xf32>,
        tpu.vector_store %arg15[%swap3A_88, %swap3A_89], %mul3A_87 {strides = array<i32>} : memref<80x128xf32, #tpu.memory_space<vmem>>, vector<16xf32>,
        %get3A_91 = arith.index_cast %add3A_67 : i32 to index
        %get3A_92 = arith.constant 48 : index
        %get3A_93 = tpu.vector_load %arg15[%get3A_91, %get3A_92] {strides = array<i32>} : memref<80x128xf32, #tpu.memory_space<vmem>>, vector<16xf32>,
        %mul3A_94 = vector.broadcast %squeeze3A : f32 to vector<16xf32>
        %mul3A_95 = arith.mulf %get3A_93, %mul3A_94 : vector<16xf32>
        %swap3A_96 = arith.index_cast %add3A_67 : i32 to index
        %swap3A_97 = arith.constant 48 : index
        %swap3A_98 = tpu.vector_load %arg15[%swap3A_96, %swap3A_97] {strides = array<i32>} : memref<80x128xf32, #tpu.memory_space<vmem>>, vector<16xf32>,
        tpu.vector_store %arg15[%swap3A_96, %swap3A_97], %mul3A_95 {strides = array<i32>} : memref<80x128xf32, #tpu.memory_space<vmem>>, vector<16xf32>,
        %get3A_99 = arith.index_cast %add3A_67 : i32 to index
        %get3A_100 = arith.constant 64 : index
        %get3A_101 = tpu.vector_load %arg15[%get3A_99, %get3A_100] {strides = array<i32>} : memref<80x128xf32, #tpu.memory_space<vmem>>, vector<16xf32>,
        %mul3A_102 = vector.broadcast %squeeze3A : f32 to vector<16xf32>
        %mul3A_103 = arith.mulf %get3A_101, %mul3A_102 : vector<16xf32>
        %swap3A_104 = arith.index_cast %add3A_67 : i32 to index
        %swap3A_105 = arith.constant 64 : index
        %swap3A_106 = tpu.vector_load %arg15[%swap3A_104, %swap3A_105] {strides = array<i32>} : memref<80x128xf32, #tpu.memory_space<vmem>>, vector<16xf32>,
        tpu.vector_store %arg15[%swap3A_104, %swap3A_105], %mul3A_103 {strides = array<i32>} : memref<80x128xf32, #tpu.memory_space<vmem>>, vector<16xf32>,
        %get3A_107 = arith.index_cast %add3A_67 : i32 to index
        %get3A_108 = arith.constant 80 : index
        %get3A_109 = tpu.vector_load %arg15[%get3A_107, %get3A_108] {strides = array<i32>} : memref<80x128xf32, #tpu.memory_space<vmem>>, vector<16xf32>,
        %mul3A_110 = vector.broadcast %squeeze3A : f32 to vector<16xf32>
        %mul3A_111 = arith.mulf %get3A_109, %mul3A_110 : vector<16xf32>
        %swap3A_112 = arith.index_cast %add3A_67 : i32 to index
        %swap3A_113 = arith.constant 80 : index
        %swap3A_114 = tpu.vector_load %arg15[%swap3A_112, %swap3A_113] {strides = array<i32>} : memref<80x128xf32, #tpu.memory_space<vmem>>, vector<16xf32>,
        tpu.vector_store %arg15[%swap3A_112, %swap3A_113], %mul3A_111 {strides = array<i32>} : memref<80x128xf32, #tpu.memory_space<vmem>>, vector<16xf32>,
        %get3A_115 = arith.index_cast %add3A_67 : i32 to index
        %get3A_116 = arith.constant 96 : index
        %get3A_117 = tpu.vector_load %arg15[%get3A_115, %get3A_116] {strides = array<i32>} : memref<80x128xf32, #tpu.memory_space<vmem>>, vector<16xf32>,
        %mul3A_118 = vector.broadcast %squeeze3A : f32 to vector<16xf32>
        %mul3A_119 = arith.mulf %get3A_117, %mul3A_118 : vector<16xf32>
        %swap3A_120 = arith.index_cast %add3A_67 : i32 to index
        %swap3A_121 = arith.constant 96 : index
        %swap3A_122 = tpu.vector_load %arg15[%swap3A_120, %swap3A_121] {strides = array<i32>} : memref<80x128xf32, #tpu.memory_space<vmem>>, vector<16xf32>,
        tpu.vector_store %arg15[%swap3A_120, %swap3A_121], %mul3A_119 {strides = array<i32>} : memref<80x128xf32, #tpu.memory_space<vmem>>, vector<16xf32>,
        %get3A_123 = arith.index_cast %add3A_67 : i32 to index
        %get3A_124 = arith.constant 112 : index
        %get3A_125 = tpu.vector_load %arg15[%get3A_123, %get3A_124] {strides = array<i32>} : memref<80x128xf32, #tpu.memory_space<vmem>>, vector<16xf32>,
        %mul3A_126 = vector.broadcast %squeeze3A : f32 to vector<16xf32>
        %mul3A_127 = arith.mulf %get3A_125, %mul3A_126 : vector<16xf32>
        %swap3A_128 = arith.index_cast %add3A_67 : i32 to index
        %swap3A_129 = arith.constant 112 : index
        %swap3A_130 = tpu.vector_load %arg15[%swap3A_128, %swap3A_129] {strides = array<i32>} : memref<80x128xf32, #tpu.memory_space<vmem>>, vector<16xf32>,
        tpu.vector_store %arg15[%swap3A_128, %swap3A_129], %mul3A_127 {strides = array<i32>} : memref<80x128xf32, #tpu.memory_space<vmem>>, vector<16xf32>,
        %slice3A_131 = vector.extract_strided_slice %get3A_63 {offsets = [1], sizes = [1], strides = [1]} : vector<16xf32> to vector<1xf32>
        %squeeze3A_132 = vector.extract %slice3A_131[0] : f32 from vector<1xf32>
        %mul3A_133 = arith.constant 16 : i32
        %mul3A_134 = arith.muli %scan3A_60, %mul3A_133 : i32
        %add3A_135 = arith.constant 1 : i32
        %add3A_136 = arith.addi %mul3A_134, %add3A_135 : i32
        %get3A_137 = arith.index_cast %add3A_136 : i32 to index
        %get3A_138 = arith.constant 0 : index
        %get3A_139 = tpu.vector_load %arg15[%get3A_137, %get3A_138] {strides = array<i32>} : memref<80x128xf32, #tpu.memory_space<vmem>>, vector<16xf32>,
        %mul3A_140 = vector.broadcast %squeeze3A_132 : f32 to vector<16xf32>
        %mul3A_141 = arith.mulf %get3A_139, %mul3A_140 : vector<16xf32>
        %swap3A_142 = arith.index_cast %add3A_136 : i32 to index
        %swap3A_143 = arith.constant 0 : index
        %swap3A_144 = tpu.vector_load %arg15[%swap3A_142, %swap3A_143] {strides = array<i32>} : memref<80x128xf32, #tpu.memory_space<vmem>>, vector<16xf32>,
        tpu.vector_store %arg15[%swap3A_142, %swap3A_143], %mul3A_141 {strides = array<i32>} : memref<80x128xf32, #tpu.memory_space<vmem>>, vector<16xf32>,
        %get3A_145 = arith.index_cast %add3A_136 : i32 to index
        %get3A_146 = arith.constant 16 : index
        %get3A_147 = tpu.vector_load %arg15[%get3A_145, %get3A_146] {strides = array<i32>} : memref<80x128xf32, #tpu.memory_space<vmem>>, vector<16xf32>,
        %mul3A_148 = vector.broadcast %squeeze3A_132 : f32 to vector<16xf32>
        %mul3A_149 = arith.mulf %get3A_147, %mul3A_148 : vector<16xf32>
        %swap3A_150 = arith.index_cast %add3A_136 : i32 to index
        %swap3A_151 = arith.constant 16 : index
        %swap3A_152 = tpu.vector_load %arg15[%swap3A_150, %swap3A_151] {strides = array<i32>} : memref<80x128xf32, #tpu.memory_space<vmem>>, vector<16xf32>,
        tpu.vector_store %arg15[%swap3A_150, %swap3A_151], %mul3A_149 {strides = array<i32>} : memref<80x128xf32, #tpu.memory_space<vmem>>, vector<16xf32>,
        %get3A_153 = arith.index_cast %add3A_136 : i32 to index
        %get3A_154 = arith.constant 32 : index
        %get3A_155 = tpu.vector_load %arg15[%get3A_153, %get3A_154] {strides = array<i32>} : memref<80x128xf32, #tpu.memory_space<vmem>>, vector<16xf32>,
        %mul3A_156 = vector.broadcast %squeeze3A_132 : f32 to vector<16xf32>
        %mul3A_157 = arith.mulf %get3A_155, %mul3A_156 : vector<16xf32>
        %swap3A_158 = arith.index_cast %add3A_136 : i32 to index
        %swap3A_159 = arith.constant 32 : index
        %swap3A_160 = tpu.vector_load %arg15[%swap3A_158, %swap3A_159] {strides = array<i32>} : memref<80x128xf32, #tpu.memory_space<vmem>>, vector<16xf32>,
        tpu.vector_store %arg15[%swap3A_158, %swap3A_159], %mul3A_157 {strides = array<i32>} : memref<80x128xf32, #tpu.memory_space<vmem>>, vector<16xf32>,
        %get3A_161 = arith.index_cast %add3A_136 : i32 to index
        %get3A_162 = arith.constant 48 : index
        %get3A_163 = tpu.vector_load %arg15[%get3A_161, %get3A_162] {strides = array<i32>} : memref<80x128xf32, #tpu.memory_space<vmem>>, vector<16xf32>,
        %mul3A_164 = vector.broadcast %squeeze3A_132 : f32 to vector<16xf32>
        %mul3A_165 = arith.mulf %get3A_163, %mul3A_164 : vector<16xf32>
        %swap3A_166 = arith.index_cast %add3A_136 : i32 to index
        %swap3A_167 = arith.constant 48 : index
        %swap3A_168 = tpu.vector_load %arg15[%swap3A_166, %swap3A_167] {strides = array<i32>} : memref<80x128xf32, #tpu.memory_space<vmem>>, vector<16xf32>,
        tpu.vector_store %arg15[%swap3A_166, %swap3A_167], %mul3A_165 {strides = array<i32>} : memref<80x128xf32, #tpu.memory_space<vmem>>, vector<16xf32>,
        %get3A_169 = arith.index_cast %add3A_136 : i32 to index
        %get3A_170 = arith.constant 64 : index
        %get3A_171 = tpu.vector_load %arg15[%get3A_169, %get3A_170] {strides = array<i32>} : memref<80x128xf32, #tpu.memory_space<vmem>>, vector<16xf32>,
        %mul3A_172 = vector.broadcast %squeeze3A_132 : f32 to vector<16xf32>
        %mul3A_173 = arith.mulf %get3A_171, %mul3A_172 : vector<16xf32>
        %swap3A_174 = arith.index_cast %add3A_136 : i32 to index
        %swap3A_175 = arith.constant 64 : index
        %swap3A_176 = tpu.vector_load %arg15[%swap3A_174, %swap3A_175] {strides = array<i32>} : memref<80x128xf32, #tpu.memory_space<vmem>>, vector<16xf32>,
        tpu.vector_store %arg15[%swap3A_174, %swap3A_175], %mul3A_173 {strides = array<i32>} : memref<80x128xf32, #tpu.memory_space<vmem>>, vector<16xf32>,
        %get3A_177 = arith.index_cast %add3A_136 : i32 to index
        %get3A_178 = arith.constant 80 : index
        %get3A_179 = tpu.vector_load %arg15[%get3A_177, %get3A_178] {strides = array<i32>} : memref<80x128xf32, #tpu.memory_space<vmem>>, vector<16xf32>,
        %mul3A_180 = vector.broadcast %squeeze3A_132 : f32 to vector<16xf32>
        %mul3A_181 = arith.mulf %get3A_179, %mul3A_180 : vector<16xf32>
        %swap3A_182 = arith.index_cast %add3A_136 : i32 to index
        %swap3A_183 = arith.constant 80 : index
        %swap3A_184 = tpu.vector_load %arg15[%swap3A_182, %swap3A_183] {strides = array<i32>} : memref<80x128xf32, #tpu.memory_space<vmem>>, vector<16xf32>,
        tpu.vector_store %arg15[%swap3A_182, %swap3A_183], %mul3A_181 {strides = array<i32>} : memref<80x128xf32, #tpu.memory_space<vmem>>, vector<16xf32>,
        %get3A_185 = arith.index_cast %add3A_136 : i32 to index
        %get3A_186 = arith.constant 96 : index
        %get3A_187 = tpu.vector_load %arg15[%get3A_185, %get3A_186] {strides = array<i32>} : memref<80x128xf32, #tpu.memory_space<vmem>>, vector<16xf32>,
        %mul3A_188 = vector.broadcast %squeeze3A_132 : f32 to vector<16xf32>
        %mul3A_189 = arith.mulf %get3A_187, %mul3A_188 : vector<16xf32>
        %swap3A_190 = arith.index_cast %add3A_136 : i32 to index
        %swap3A_191 = arith.constant 96 : index
        %swap3A_192 = tpu.vector_load %arg15[%swap3A_190, %swap3A_191] {strides = array<i32>} : memref<80x128xf32, #tpu.memory_space<vmem>>, vector<16xf32>,
        tpu.vector_store %arg15[%swap3A_190, %swap3A_191], %mul3A_189 {strides = array<i32>} : memref<80x128xf32, #tpu.memory_space<vmem>>, vector<16xf32>,
        %get3A_193 = arith.index_cast %add3A_136 : i32 to index
        %get3A_194 = arith.constant 112 : index
        %get3A_195 = tpu.vector_load %arg15[%get3A_193, %get3A_194] {strides = array<i32>} : memref<80x128xf32, #tpu.memory_space<vmem>>, vector<16xf32>,
        %mul3A_196 = vector.broadcast %squeeze3A_132 : f32 to vector<16xf32>
        %mul3A_197 = arith.mulf %get3A_195, %mul3A_196 : vector<16xf32>
        %swap3A_198 = arith.index_cast %add3A_136 : i32 to index
        %swap3A_199 = arith.constant 112 : index
        %swap3A_200 = tpu.vector_load %arg15[%swap3A_198, %swap3A_199] {strides = array<i32>} : memref<80x128xf32, #tpu.memory_space<vmem>>, vector<16xf32>,
        tpu.vector_store %arg15[%swap3A_198, %swap3A_199], %mul3A_197 {strides = array<i32>} : memref<80x128xf32, #tpu.memory_space<vmem>>, vector<16xf32>,
        %slice3A_201 = vector.extract_strided_slice %get3A_63 {offsets = [2], sizes = [1], strides = [1]} : vector<16xf32> to vector<1xf32>
        %squeeze3A_202 = vector.extract %slice3A_201[0] : f32 from vector<1xf32>
        %mul3A_203 = arith.constant 16 : i32
        %mul3A_204 = arith.muli %scan3A_60, %mul3A_203 : i32
        %add3A_205 = arith.constant 2 : i32
        %add3A_206 = arith.addi %mul3A_204, %add3A_205 : i32
        %get3A_207 = arith.index_cast %add3A_206 : i32 to index
        %get3A_208 = arith.constant 0 : index
        %get3A_209 = tpu.vector_load %arg15[%get3A_207, %get3A_208] {strides = array<i32>} : memref<80x128xf32, #tpu.memory_space<vmem>>, vector<16xf32>,
        %mul3A_210 = vector.broadcast %squeeze3A_202 : f32 to vector<16xf32>
        %mul3A_211 = arith.mulf %get3A_209, %mul3A_210 : vector<16xf32>
        %swap3A_212 = arith.index_cast %add3A_206 : i32 to index
        %swap3A_213 = arith.constant 0 : index
        %swap3A_214 = tpu.vector_load %arg15[%swap3A_212, %swap3A_213] {strides = array<i32>} : memref<80x128xf32, #tpu.memory_space<vmem>>, vector<16xf32>,
        tpu.vector_store %arg15[%swap3A_212, %swap3A_213], %mul3A_211 {strides = array<i32>} : memref<80x128xf32, #tpu.memory_space<vmem>>, vector<16xf32>,
        %get3A_215 = arith.index_cast %add3A_206 : i32 to index
        %get3A_216 = arith.constant 16 : index
        %get3A_217 = tpu.vector_load %arg15[%get3A_215, %get3A_216] {strides = array<i32>} : memref<80x128xf32, #tpu.memory_space<vmem>>, vector<16xf32>,
        %mul3A_218 = vector.broadcast %squeeze3A_202 : f32 to vector<16xf32>
        %mul3A_219 = arith.mulf %get3A_217, %mul3A_218 : vector<16xf32>
        %swap3A_220 = arith.index_cast %add3A_206 : i32 to index
        %swap3A_221 = arith.constant 16 : index
        %swap3A_222 = tpu.vector_load %arg15[%swap3A_220, %swap3A_221] {strides = array<i32>} : memref<80x128xf32, #tpu.memory_space<vmem>>, vector<16xf32>,
        tpu.vector_store %arg15[%swap3A_220, %swap3A_221], %mul3A_219 {strides = array<i32>} : memref<80x128xf32, #tpu.memory_space<vmem>>, vector<16xf32>,
        %get3A_223 = arith.index_cast %add3A_206 : i32 to index
        %get3A_224 = arith.constant 32 : index
        %get3A_225 = tpu.vector_load %arg15[%get3A_223, %get3A_224] {strides = array<i32>} : memref<80x128xf32, #tpu.memory_space<vmem>>, vector<16xf32>,
        %mul3A_226 = vector.broadcast %squeeze3A_202 : f32 to vector<16xf32>
        %mul3A_227 = arith.mulf %get3A_225, %mul3A_226 : vector<16xf32>
        %swap3A_228 = arith.index_cast %add3A_206 : i32 to index
        %swap3A_229 = arith.constant 32 : index
        %swap3A_230 = tpu.vector_load %arg15[%swap3A_228, %swap3A_229] {strides = array<i32>} : memref<80x128xf32, #tpu.memory_space<vmem>>, vector<16xf32>,
        tpu.vector_store %arg15[%swap3A_228, %swap3A_229], %mul3A_227 {strides = array<i32>} : memref<80x128xf32, #tpu.memory_space<vmem>>, vector<16xf32>,
        %get3A_231 = arith.index_cast %add3A_206 : i32 to index
        %get3A_232 = arith.constant 48 : index
        %get3A_233 = tpu.vector_load %arg15[%get3A_231, %get3A_232] {strides = array<i32>} : memref<80x128xf32, #tpu.memory_space<vmem>>, vector<16xf32>,
        %mul3A_234 = vector.broadcast %squeeze3A_202 : f32 to vector<16xf32>
        %mul3A_235 = arith.mulf %get3A_233, %mul3A_234 : vector<16xf32>
        %swap3A_236 = arith.index_cast %add3A_206 : i32 to index
        %swap3A_237 = arith.constant 48 : index
        %swap3A_238 = tpu.vector_load %arg15[%swap3A_236, %swap3A_237] {strides = array<i32>} : memref<80x128xf32, #tpu.memory_space<vmem>>, vector<16xf32>,
        tpu.vector_store %arg15[%swap3A_236, %swap3A_237], %mul3A_235 {strides = array<i32>} : memref<80x128xf32, #tpu.memory_space<vmem>>, vector<16xf32>,
        %get3A_239 = arith.index_cast %add3A_206 : i32 to index
        %get3A_240 = arith.constant 64 : index
        %get3A_241 = tpu.vector_load %arg15[%get3A_239, %get3A_240] {strides = array<i32>} : memref<80x128xf32, #tpu.memory_space<vmem>>, vector<16xf32>,
        %mul3A_242 = vector.broadcast %squeeze3A_202 : f32 to vector<16xf32>
        %mul3A_243 = arith.mulf %get3A_241, %mul3A_242 : vector<16xf32>
        %swap3A_244 = arith.index_cast %add3A_206 : i32 to index
        %swap3A_245 = arith.constant 64 : index
        %swap3A_246 = tpu.vector_load %arg15[%swap3A_244, %swap3A_245] {strides = array<i32>} : memref<80x128xf32, #tpu.memory_space<vmem>>, vector<16xf32>,
        tpu.vector_store %arg15[%swap3A_244, %swap3A_245], %mul3A_243 {strides = array<i32>} : memref<80x128xf32, #tpu.memory_space<vmem>>, vector<16xf32>,
        %get3A_247 = arith.index_cast %add3A_206 : i32 to index
        %get3A_248 = arith.constant 80 : index
        %get3A_249 = tpu.vector_load %arg15[%get3A_247, %get3A_248] {strides = array<i32>} : memref<80x128xf32, #tpu.memory_space<vmem>>, vector<16xf32>,
        %mul3A_250 = vector.broadcast %squeeze3A_202 : f32 to vector<16xf32>
        %mul3A_251 = arith.mulf %get3A_249, %mul3A_250 : vector<16xf32>
        %swap3A_252 = arith.index_cast %add3A_206 : i32 to index
        %swap3A_253 = arith.constant 80 : index
        %swap3A_254 = tpu.vector_load %arg15[%swap3A_252, %swap3A_253] {strides = array<i32>} : memref<80x128xf32, #tpu.memory_space<vmem>>, vector<16xf32>,
        tpu.vector_store %arg15[%swap3A_252, %swap3A_253], %mul3A_251 {strides = array<i32>} : memref<80x128xf32, #tpu.memory_space<vmem>>, vector<16xf32>,
        %get3A_255 = arith.index_cast %add3A_206 : i32 to index
        %get3A_256 = arith.constant 96 : index
        %get3A_257 = tpu.vector_load %arg15[%get3A_255, %get3A_256] {strides = array<i32>} : memref<80x128xf32, #tpu.memory_space<vmem>>, vector<16xf32>,
        %mul3A_258 = vector.broadcast %squeeze3A_202 : f32 to vector<16xf32>
        %mul3A_259 = arith.mulf %get3A_257, %mul3A_258 : vector<16xf32>
        %swap3A_260 = arith.index_cast %add3A_206 : i32 to index
        %swap3A_261 = arith.constant 96 : index
        %swap3A_262 = tpu.vector_load %arg15[%swap3A_260, %swap3A_261] {strides = array<i32>} : memref<80x128xf32, #tpu.memory_space<vmem>>, vector<16xf32>,
        tpu.vector_store %arg15[%swap3A_260, %swap3A_261], %mul3A_259 {strides = array<i32>} : memref<80x128xf32, #tpu.memory_space<vmem>>, vector<16xf32>,
        %get3A_263 = arith.index_cast %add3A_206 : i32 to index
        %get3A_264 = arith.constant 112 : index
        %get3A_265 = tpu.vector_load %arg15[%get3A_263, %get3A_264] {strides = array<i32>} : memref<80x128xf32, #tpu.memory_space<vmem>>, vector<16xf32>,
        %mul3A_266 = vector.broadcast %squeeze3A_202 : f32 to vector<16xf32>
        %mul3A_267 = arith.mulf %get3A_265, %mul3A_266 : vector<16xf32>
        %swap3A_268 = arith.index_cast %add3A_206 : i32 to index
        %swap3A_269 = arith.constant 112 : index
        %swap3A_270 = tpu.vector_load %arg15[%swap3A_268, %swap3A_269] {strides = array<i32>} : memref<80x128xf32, #tpu.memory_space<vmem>>, vector<16xf32>,
        tpu.vector_store %arg15[%swap3A_268, %swap3A_269], %mul3A_267 {strides = array<i32>} : memref<80x128xf32, #tpu.memory_space<vmem>>, vector<16xf32>,
        %slice3A_271 = vector.extract_strided_slice %get3A_63 {offsets = [3], sizes = [1], strides = [1]} : vector<16xf32> to vector<1xf32>
        %squeeze3A_272 = vector.extract %slice3A_271[0] : f32 from vector<1xf32>
        %mul3A_273 = arith.constant 16 : i32
        %mul3A_274 = arith.muli %scan3A_60, %mul3A_273 : i32
        %add3A_275 = arith.constant 3 : i32
        %add3A_276 = arith.addi %mul3A_274, %add3A_275 : i32
        %get3A_277 = arith.index_cast %add3A_276 : i32 to index
        %get3A_278 = arith.constant 0 : index
        %get3A_279 = tpu.vector_load %arg15[%get3A_277, %get3A_278] {strides = array<i32>} : memref<80x128xf32, #tpu.memory_space<vmem>>, vector<16xf32>,
        %mul3A_280 = vector.broadcast %squeeze3A_272 : f32 to vector<16xf32>
        %mul3A_281 = arith.mulf %get3A_279, %mul3A_280 : vector<16xf32>
        %swap3A_282 = arith.index_cast %add3A_276 : i32 to index
        %swap3A_283 = arith.constant 0 : index
        %swap3A_284 = tpu.vector_load %arg15[%swap3A_282, %swap3A_283] {strides = array<i32>} : memref<80x128xf32, #tpu.memory_space<vmem>>, vector<16xf32>,
        tpu.vector_store %arg15[%swap3A_282, %swap3A_283], %mul3A_281 {strides = array<i32>} : memref<80x128xf32, #tpu.memory_space<vmem>>, vector<16xf32>,
        %get3A_285 = arith.index_cast %add3A_276 : i32 to index
        %get3A_286 = arith.constant 16 : index
        %get3A_287 = tpu.vector_load %arg15[%get3A_285, %get3A_286] {strides = array<i32>} : memref<80x128xf32, #tpu.memory_space<vmem>>, vector<16xf32>,
        %mul3A_288 = vector.broadcast %squeeze3A_272 : f32 to vector<16xf32>
        %mul3A_289 = arith.mulf %get3A_287, %mul3A_288 : vector<16xf32>
        %swap3A_290 = arith.index_cast %add3A_276 : i32 to index
        %swap3A_291 = arith.constant 16 : index
        %swap3A_292 = tpu.vector_load %arg15[%swap3A_290, %swap3A_291] {strides = array<i32>} : memref<80x128xf32, #tpu.memory_space<vmem>>, vector<16xf32>,
        tpu.vector_store %arg15[%swap3A_290, %swap3A_291], %mul3A_289 {strides = array<i32>} : memref<80x128xf32, #tpu.memory_space<vmem>>, vector<16xf32>,
        %get3A_293 = arith.index_cast %add3A_276 : i32 to index
        %get3A_294 = arith.constant 32 : index
        %get3A_295 = tpu.vector_load %arg15[%get3A_293, %get3A_294] {strides = array<i32>} : memref<80x128xf32, #tpu.memory_space<vmem>>, vector<16xf32>,
        %mul3A_296 = vector.broadcast %squeeze3A_272 : f32 to vector<16xf32>
        %mul3A_297 = arith.mulf %get3A_295, %mul3A_296 : vector<16xf32>
        %swap3A_298 = arith.index_cast %add3A_276 : i32 to index
        %swap3A_299 = arith.constant 32 : index
        %swap3A_300 = tpu.vector_load %arg15[%swap3A_298, %swap3A_299] {strides = array<i32>} : memref<80x128xf32, #tpu.memory_space<vmem>>, vector<16xf32>,
        tpu.vector_store %arg15[%swap3A_298, %swap3A_299], %mul3A_297 {strides = array<i32>} : memref<80x128xf32, #tpu.memory_space<vmem>>, vector<16xf32>,
        %get3A_301 = arith.index_cast %add3A_276 : i32 to index
        %get3A_302 = arith.constant 48 : index
        %get3A_303 = tpu.vector_load %arg15[%get3A_301, %get3A_302] {strides = array<i32>} : memref<80x128xf32, #tpu.memory_space<vmem>>, vector<16xf32>,
        %mul3A_304 = vector.broadcast %squeeze3A_272 : f32 to vector<16xf32>
        %mul3A_305 = arith.mulf %get3A_303, %mul3A_304 : vector<16xf32>
        %swap3A_306 = arith.index_cast %add3A_276 : i32 to index
        %swap3A_307 = arith.constant 48 : index
        %swap3A_308 = tpu.vector_load %arg15[%swap3A_306, %swap3A_307] {strides = array<i32>} : memref<80x128xf32, #tpu.memory_space<vmem>>, vector<16xf32>,
        tpu.vector_store %arg15[%swap3A_306, %swap3A_307], %mul3A_305 {strides = array<i32>} : memref<80x128xf32, #tpu.memory_space<vmem>>, vector<16xf32>,
        %get3A_309 = arith.index_cast %add3A_276 : i32 to index
        %get3A_310 = arith.constant 64 : index
        %get3A_311 = tpu.vector_load %arg15[%get3A_309, %get3A_310] {strides = array<i32>} : memref<80x128xf32, #tpu.memory_space<vmem>>, vector<16xf32>,
        %mul3A_312 = vector.broadcast %squeeze3A_272 : f32 to vector<16xf32>
        %mul3A_313 = arith.mulf %get3A_311, %mul3A_312 : vector<16xf32>
        %swap3A_314 = arith.index_cast %add3A_276 : i32 to index
        %swap3A_315 = arith.constant 64 : index
        %swap3A_316 = tpu.vector_load %arg15[%swap3A_314, %swap3A_315] {strides = array<i32>} : memref<80x128xf32, #tpu.memory_space<vmem>>, vector<16xf32>,
        tpu.vector_store %arg15[%swap3A_314, %swap3A_315], %mul3A_313 {strides = array<i32>} : memref<80x128xf32, #tpu.memory_space<vmem>>, vector<16xf32>,
        %get3A_317 = arith.index_cast %add3A_276 : i32 to index
        %get3A_318 = arith.constant 80 : index
        %get3A_319 = tpu.vector_load %arg15[%get3A_317, %get3A_318] {strides = array<i32>} : memref<80x128xf32, #tpu.memory_space<vmem>>, vector<16xf32>,
        %mul3A_320 = vector.broadcast %squeeze3A_272 : f32 to vector<16xf32>
        %mul3A_321 = arith.mulf %get3A_319, %mul3A_320 : vector<16xf32>
        %swap3A_322 = arith.index_cast %add3A_276 : i32 to index
        %swap3A_323 = arith.constant 80 : index
        %swap3A_324 = tpu.vector_load %arg15[%swap3A_322, %swap3A_323] {strides = array<i32>} : memref<80x128xf32, #tpu.memory_space<vmem>>, vector<16xf32>,
        tpu.vector_store %arg15[%swap3A_322, %swap3A_323], %mul3A_321 {strides = array<i32>} : memref<80x128xf32, #tpu.memory_space<vmem>>, vector<16xf32>,
        %get3A_325 = arith.index_cast %add3A_276 : i32 to index
        %get3A_326 = arith.constant 96 : index
        %get3A_327 = tpu.vector_load %arg15[%get3A_325, %get3A_326] {strides = array<i32>} : memref<80x128xf32, #tpu.memory_space<vmem>>, vector<16xf32>,
        %mul3A_328 = vector.broadcast %squeeze3A_272 : f32 to vector<16xf32>
        %mul3A_329 = arith.mulf %get3A_327, %mul3A_328 : vector<16xf32>
        %swap3A_330 = arith.index_cast %add3A_276 : i32 to index
        %swap3A_331 = arith.constant 96 : index
        %swap3A_332 = tpu.vector_load %arg15[%swap3A_330, %swap3A_331] {strides = array<i32>} : memref<80x128xf32, #tpu.memory_space<vmem>>, vector<16xf32>,
        tpu.vector_store %arg15[%swap3A_330, %swap3A_331], %mul3A_329 {strides = array<i32>} : memref<80x128xf32, #tpu.memory_space<vmem>>, vector<16xf32>,
        %get3A_333 = arith.index_cast %add3A_276 : i32 to index
        %get3A_334 = arith.constant 112 : index
        %get3A_335 = tpu.vector_load %arg15[%get3A_333, %get3A_334] {strides = array<i32>} : memref<80x128xf32, #tpu.memory_space<vmem>>, vector<16xf32>,
        %mul3A_336 = vector.broadcast %squeeze3A_272 : f32 to vector<16xf32>
        %mul3A_337 = arith.mulf %get3A_335, %mul3A_336 : vector<16xf32>
        %swap3A_338 = arith.index_cast %add3A_276 : i32 to index
        %swap3A_339 = arith.constant 112 : index
        %swap3A_340 = tpu.vector_load %arg15[%swap3A_338, %swap3A_339] {strides = array<i32>} : memref<80x128xf32, #tpu.memory_space<vmem>>, vector<16xf32>,
        tpu.vector_store %arg15[%swap3A_338, %swap3A_339], %mul3A_337 {strides = array<i32>} : memref<80x128xf32, #tpu.memory_space<vmem>>, vector<16xf32>,
        %slice3A_341 = vector.extract_strided_slice %get3A_63 {offsets = [4], sizes = [1], strides = [1]} : vector<16xf32> to vector<1xf32>
        %squeeze3A_342 = vector.extract %slice3A_341[0] : f32 from vector<1xf32>
        %mul3A_343 = arith.constant 16 : i32
        %mul3A_344 = arith.muli %scan3A_60, %mul3A_343 : i32
        %add3A_345 = arith.constant 4 : i32
        %add3A_346 = arith.addi %mul3A_344, %add3A_345 : i32
        %get3A_347 = arith.index_cast %add3A_346 : i32 to index
        %get3A_348 = arith.constant 0 : index
        %get3A_349 = tpu.vector_load %arg15[%get3A_347, %get3A_348] {strides = array<i32>} : memref<80x128xf32, #tpu.memory_space<vmem>>, vector<16xf32>,
        %mul3A_350 = vector.broadcast %squeeze3A_342 : f32 to vector<16xf32>
        %mul3A_351 = arith.mulf %get3A_349, %mul3A_350 : vector<16xf32>
        %swap3A_352 = arith.index_cast %add3A_346 : i32 to index
        %swap3A_353 = arith.constant 0 : index
        %swap3A_354 = tpu.vector_load %arg15[%swap3A_352, %swap3A_353] {strides = array<i32>} : memref<80x128xf32, #tpu.memory_space<vmem>>, vector<16xf32>,
        tpu.vector_store %arg15[%swap3A_352, %swap3A_353], %mul3A_351 {strides = array<i32>} : memref<80x128xf32, #tpu.memory_space<vmem>>, vector<16xf32>,
        %get3A_355 = arith.index_cast %add3A_346 : i32 to index
        %get3A_356 = arith.constant 16 : index
        %get3A_357 = tpu.vector_load %arg15[%get3A_355, %get3A_356] {strides = array<i32>} : memref<80x128xf32, #tpu.memory_space<vmem>>, vector<16xf32>,
        %mul3A_358 = vector.broadcast %squeeze3A_342 : f32 to vector<16xf32>
        %mul3A_359 = arith.mulf %get3A_357, %mul3A_358 : vector<16xf32>
        %swap3A_360 = arith.index_cast %add3A_346 : i32 to index
        %swap3A_361 = arith.constant 16 : index
        %swap3A_362 = tpu.vector_load %arg15[%swap3A_360, %swap3A_361] {strides = array<i32>} : memref<80x128xf32, #tpu.memory_space<vmem>>, vector<16xf32>,
        tpu.vector_store %arg15[%swap3A_360, %swap3A_361], %mul3A_359 {strides = array<i32>} : memref<80x128xf32, #tpu.memory_space<vmem>>, vector<16xf32>,
        %get3A_363 = arith.index_cast %add3A_346 : i32 to index
        %get3A_364 = arith.constant 32 : index
        %get3A_365 = tpu.vector_load %arg15[%get3A_363, %get3A_364] {strides = array<i32>} : memref<80x128xf32, #tpu.memory_space<vmem>>, vector<16xf32>,
        %mul3A_366 = vector.broadcast %squeeze3A_342 : f32 to vector<16xf32>
        %mul3A_367 = arith.mulf %get3A_365, %mul3A_366 : vector<16xf32>
        %swap3A_368 = arith.index_cast %add3A_346 : i32 to index
        %swap3A_369 = arith.constant 32 : index
        %swap3A_370 = tpu.vector_load %arg15[%swap3A_368, %swap3A_369] {strides = array<i32>} : memref<80x128xf32, #tpu.memory_space<vmem>>, vector<16xf32>,
        tpu.vector_store %arg15[%swap3A_368, %swap3A_369], %mul3A_367 {strides = array<i32>} : memref<80x128xf32, #tpu.memory_space<vmem>>, vector<16xf32>,
        %get3A_371 = arith.index_cast %add3A_346 : i32 to index
        %get3A_372 = arith.constant 48 : index
        %get3A_373 = tpu.vector_load %arg15[%get3A_371, %get3A_372] {strides = array<i32>} : memref<80x128xf32, #tpu.memory_space<vmem>>, vector<16xf32>,
        %mul3A_374 = vector.broadcast %squeeze3A_342 : f32 to vector<16xf32>
        %mul3A_375 = arith.mulf %get3A_373, %mul3A_374 : vector<16xf32>
        %swap3A_376 = arith.index_cast %add3A_346 : i32 to index
        %swap3A_377 = arith.constant 48 : index
        %swap3A_378 = tpu.vector_load %arg15[%swap3A_376, %swap3A_377] {strides = array<i32>} : memref<80x128xf32, #tpu.memory_space<vmem>>, vector<16xf32>,
        tpu.vector_store %arg15[%swap3A_376, %swap3A_377], %mul3A_375 {strides = array<i32>} : memref<80x128xf32, #tpu.memory_space<vmem>>, vector<16xf32>,
        %get3A_379 = arith.index_cast %add3A_346 : i32 to index
        %get3A_380 = arith.constant 64 : index
        %get3A_381 = tpu.vector_load %arg15[%get3A_379, %get3A_380] {strides = array<i32>} : memref<80x128xf32, #tpu.memory_space<vmem>>, vector<16xf32>,
        %mul3A_382 = vector.broadcast %squeeze3A_342 : f32 to vector<16xf32>
        %mul3A_383 = arith.mulf %get3A_381, %mul3A_382 : vector<16xf32>
        %swap3A_384 = arith.index_cast %add3A_346 : i32 to index
        %swap3A_385 = arith.constant 64 : index
        %swap3A_386 = tpu.vector_load %arg15[%swap3A_384, %swap3A_385] {strides = array<i32>} : memref<80x128xf32, #tpu.memory_space<vmem>>, vector<16xf32>,
        tpu.vector_store %arg15[%swap3A_384, %swap3A_385], %mul3A_383 {strides = array<i32>} : memref<80x128xf32, #tpu.memory_space<vmem>>, vector<16xf32>,
        %get3A_387 = arith.index_cast %add3A_346 : i32 to index
        %get3A_388 = arith.constant 80 : index
        %get3A_389 = tpu.vector_load %arg15[%get3A_387, %get3A_388] {strides = array<i32>} : memref<80x128xf32, #tpu.memory_space<vmem>>, vector<16xf32>,
        %mul3A_390 = vector.broadcast %squeeze3A_342 : f32 to vector<16xf32>
        %mul3A_391 = arith.mulf %get3A_389, %mul3A_390 : vector<16xf32>
        %swap3A_392 = arith.index_cast %add3A_346 : i32 to index
        %swap3A_393 = arith.constant 80 : index
        %swap3A_394 = tpu.vector_load %arg15[%swap3A_392, %swap3A_393] {strides = array<i32>} : memref<80x128xf32, #tpu.memory_space<vmem>>, vector<16xf32>,
        tpu.vector_store %arg15[%swap3A_392, %swap3A_393], %mul3A_391 {strides = array<i32>} : memref<80x128xf32, #tpu.memory_space<vmem>>, vector<16xf32>,
        %get3A_395 = arith.index_cast %add3A_346 : i32 to index
        %get3A_396 = arith.constant 96 : index
        %get3A_397 = tpu.vector_load %arg15[%get3A_395, %get3A_396] {strides = array<i32>} : memref<80x128xf32, #tpu.memory_space<vmem>>, vector<16xf32>,
        %mul3A_398 = vector.broadcast %squeeze3A_342 : f32 to vector<16xf32>
        %mul3A_399 = arith.mulf %get3A_397, %mul3A_398 : vector<16xf32>
        %swap3A_400 = arith.index_cast %add3A_346 : i32 to index
        %swap3A_401 = arith.constant 96 : index
        %swap3A_402 = tpu.vector_load %arg15[%swap3A_400, %swap3A_401] {strides = array<i32>} : memref<80x128xf32, #tpu.memory_space<vmem>>, vector<16xf32>,
        tpu.vector_store %arg15[%swap3A_400, %swap3A_401], %mul3A_399 {strides = array<i32>} : memref<80x128xf32, #tpu.memory_space<vmem>>, vector<16xf32>,
        %get3A_403 = arith.index_cast %add3A_346 : i32 to index
        %get3A_404 = arith.constant 112 : index
        %get3A_405 = tpu.vector_load %arg15[%get3A_403, %get3A_404] {strides = array<i32>} : memref<80x128xf32, #tpu.memory_space<vmem>>, vector<16xf32>,
        %mul3A_406 = vector.broadcast %squeeze3A_342 : f32 to vector<16xf32>
        %mul3A_407 = arith.mulf %get3A_405, %mul3A_406 : vector<16xf32>
        %swap3A_408 = arith.index_cast %add3A_346 : i32 to index
        %swap3A_409 = arith.constant 112 : index
        %swap3A_410 = tpu.vector_load %arg15[%swap3A_408, %swap3A_409] {strides = array<i32>} : memref<80x128xf32, #tpu.memory_space<vmem>>, vector<16xf32>,
        tpu.vector_store %arg15[%swap3A_408, %swap3A_409], %mul3A_407 {strides = array<i32>} : memref<80x128xf32, #tpu.memory_space<vmem>>, vector<16xf32>,
        %slice3A_411 = vector.extract_strided_slice %get3A_63 {offsets = [5], sizes = [1], strides = [1]} : vector<16xf32> to vector<1xf32>
        %squeeze3A_412 = vector.extract %slice3A_411[0] : f32 from vector<1xf32>
        %mul3A_413 = arith.constant 16 : i32
        %mul3A_414 = arith.muli %scan3A_60, %mul3A_413 : i32
        %add3A_415 = arith.constant 5 : i32
        %add3A_416 = arith.addi %mul3A_414, %add3A_415 : i32
        %get3A_417 = arith.index_cast %add3A_416 : i32 to index
        %get3A_418 = arith.constant 0 : index
        %get3A_419 = tpu.vector_load %arg15[%get3A_417, %get3A_418] {strides = array<i32>} : memref<80x128xf32, #tpu.memory_space<vmem>>, vector<16xf32>,
        %mul3A_420 = vector.broadcast %squeeze3A_412 : f32 to vector<16xf32>
        %mul3A_421 = arith.mulf %get3A_419, %mul3A_420 : vector<16xf32>
        %swap3A_422 = arith.index_cast %add3A_416 : i32 to index
        %swap3A_423 = arith.constant 0 : index
        %swap3A_424 = tpu.vector_load %arg15[%swap3A_422, %swap3A_423] {strides = array<i32>} : memref<80x128xf32, #tpu.memory_space<vmem>>, vector<16xf32>,
        tpu.vector_store %arg15[%swap3A_422, %swap3A_423], %mul3A_421 {strides = array<i32>} : memref<80x128xf32, #tpu.memory_space<vmem>>, vector<16xf32>,
        %get3A_425 = arith.index_cast %add3A_416 : i32 to index
        %get3A_426 = arith.constant 16 : index
        %get3A_427 = tpu.vector_load %arg15[%get3A_425, %get3A_426] {strides = array<i32>} : memref<80x128xf32, #tpu.memory_space<vmem>>, vector<16xf32>,
        %mul3A_428 = vector.broadcast %squeeze3A_412 : f32 to vector<16xf32>
        %mul3A_429 = arith.mulf %get3A_427, %mul3A_428 : vector<16xf32>
        %swap3A_430 = arith.index_cast %add3A_416 : i32 to index
        %swap3A_431 = arith.constant 16 : index
        %swap3A_432 = tpu.vector_load %arg15[%swap3A_430, %swap3A_431] {strides = array<i32>} : memref<80x128xf32, #tpu.memory_space<vmem>>, vector<16xf32>,
        tpu.vector_store %arg15[%swap3A_430, %swap3A_431], %mul3A_429 {strides = array<i32>} : memref<80x128xf32, #tpu.memory_space<vmem>>, vector<16xf32>,
        %get3A_433 = arith.index_cast %add3A_416 : i32 to index
        %get3A_434 = arith.constant 32 : index
        %get3A_435 = tpu.vector_load %arg15[%get3A_433, %get3A_434] {strides = array<i32>} : memref<80x128xf32, #tpu.memory_space<vmem>>, vector<16xf32>,
        %mul3A_436 = vector.broadcast %squeeze3A_412 : f32 to vector<16xf32>
        %mul3A_437 = arith.mulf %get3A_435, %mul3A_436 : vector<16xf32>
        %swap3A_438 = arith.index_cast %add3A_416 : i32 to index
        %swap3A_439 = arith.constant 32 : index
        %swap3A_440 = tpu.vector_load %arg15[%swap3A_438, %swap3A_439] {strides = array<i32>} : memref<80x128xf32, #tpu.memory_space<vmem>>, vector<16xf32>,
        tpu.vector_store %arg15[%swap3A_438, %swap3A_439], %mul3A_437 {strides = array<i32>} : memref<80x128xf32, #tpu.memory_space<vmem>>, vector<16xf32>,
        %get3A_441 = arith.index_cast %add3A_416 : i32 to index
        %get3A_442 = arith.constant 48 : index
        %get3A_443 = tpu.vector_load %arg15[%get3A_441, %get3A_442] {strides = array<i32>} : memref<80x128xf32, #tpu.memory_space<vmem>>, vector<16xf32>,
        %mul3A_444 = vector.broadcast %squeeze3A_412 : f32 to vector<16xf32>
        %mul3A_445 = arith.mulf %get3A_443, %mul3A_444 : vector<16xf32>
        %swap3A_446 = arith.index_cast %add3A_416 : i32 to index
        %swap3A_447 = arith.constant 48 : index
        %swap3A_448 = tpu.vector_load %arg15[%swap3A_446, %swap3A_447] {strides = array<i32>} : memref<80x128xf32, #tpu.memory_space<vmem>>, vector<16xf32>,
        tpu.vector_store %arg15[%swap3A_446, %swap3A_447], %mul3A_445 {strides = array<i32>} : memref<80x128xf32, #tpu.memory_space<vmem>>, vector<16xf32>,
        %get3A_449 = arith.index_cast %add3A_416 : i32 to index
        %get3A_450 = arith.constant 64 : index
        %get3A_451 = tpu.vector_load %arg15[%get3A_449, %get3A_450] {strides = array<i32>} : memref<80x128xf32, #tpu.memory_space<vmem>>, vector<16xf32>,
        %mul3A_452 = vector.broadcast %squeeze3A_412 : f32 to vector<16xf32>
        %mul3A_453 = arith.mulf %get3A_451, %mul3A_452 : vector<16xf32>
        %swap3A_454 = arith.index_cast %add3A_416 : i32 to index
        %swap3A_455 = arith.constant 64 : index
        %swap3A_456 = tpu.vector_load %arg15[%swap3A_454, %swap3A_455] {strides = array<i32>} : memref<80x128xf32, #tpu.memory_space<vmem>>, vector<16xf32>,
        tpu.vector_store %arg15[%swap3A_454, %swap3A_455], %mul3A_453 {strides = array<i32>} : memref<80x128xf32, #tpu.memory_space<vmem>>, vector<16xf32>,
        %get3A_457 = arith.index_cast %add3A_416 : i32 to index
        %get3A_458 = arith.constant 80 : index
        %get3A_459 = tpu.vector_load %arg15[%get3A_457, %get3A_458] {strides = array<i32>} : memref<80x128xf32, #tpu.memory_space<vmem>>, vector<16xf32>,
        %mul3A_460 = vector.broadcast %squeeze3A_412 : f32 to vector<16xf32>
        %mul3A_461 = arith.mulf %get3A_459, %mul3A_460 : vector<16xf32>
        %swap3A_462 = arith.index_cast %add3A_416 : i32 to index
        %swap3A_463 = arith.constant 80 : index
        %swap3A_464 = tpu.vector_load %arg15[%swap3A_462, %swap3A_463] {strides = array<i32>} : memref<80x128xf32, #tpu.memory_space<vmem>>, vector<16xf32>,
        tpu.vector_store %arg15[%swap3A_462, %swap3A_463], %mul3A_461 {strides = array<i32>} : memref<80x128xf32, #tpu.memory_space<vmem>>, vector<16xf32>,
        %get3A_465 = arith.index_cast %add3A_416 : i32 to index
        %get3A_466 = arith.constant 96 : index
        %get3A_467 = tpu.vector_load %arg15[%get3A_465, %get3A_466] {strides = array<i32>} : memref<80x128xf32, #tpu.memory_space<vmem>>, vector<16xf32>,
        %mul3A_468 = vector.broadcast %squeeze3A_412 : f32 to vector<16xf32>
        %mul3A_469 = arith.mulf %get3A_467, %mul3A_468 : vector<16xf32>
        %swap3A_470 = arith.index_cast %add3A_416 : i32 to index
        %swap3A_471 = arith.constant 96 : index
        %swap3A_472 = tpu.vector_load %arg15[%swap3A_470, %swap3A_471] {strides = array<i32>} : memref<80x128xf32, #tpu.memory_space<vmem>>, vector<16xf32>,
        tpu.vector_store %arg15[%swap3A_470, %swap3A_471], %mul3A_469 {strides = array<i32>} : memref<80x128xf32, #tpu.memory_space<vmem>>, vector<16xf32>,
        %get3A_473 = arith.index_cast %add3A_416 : i32 to index
        %get3A_474 = arith.constant 112 : index
        %get3A_475 = tpu.vector_load %arg15[%get3A_473, %get3A_474] {strides = array<i32>} : memref<80x128xf32, #tpu.memory_space<vmem>>, vector<16xf32>,
        %mul3A_476 = vector.broadcast %squeeze3A_412 : f32 to vector<16xf32>
        %mul3A_477 = arith.mulf %get3A_475, %mul3A_476 : vector<16xf32>
        %swap3A_478 = arith.index_cast %add3A_416 : i32 to index
        %swap3A_479 = arith.constant 112 : index
        %swap3A_480 = tpu.vector_load %arg15[%swap3A_478, %swap3A_479] {strides = array<i32>} : memref<80x128xf32, #tpu.memory_space<vmem>>, vector<16xf32>,
        tpu.vector_store %arg15[%swap3A_478, %swap3A_479], %mul3A_477 {strides = array<i32>} : memref<80x128xf32, #tpu.memory_space<vmem>>, vector<16xf32>,
        %slice3A_481 = vector.extract_strided_slice %get3A_63 {offsets = [6], sizes = [1], strides = [1]} : vector<16xf32> to vector<1xf32>
        %squeeze3A_482 = vector.extract %slice3A_481[0] : f32 from vector<1xf32>
        %mul3A_483 = arith.constant 16 : i32
        %mul3A_484 = arith.muli %scan3A_60, %mul3A_483 : i32
        %add3A_485 = arith.constant 6 : i32
        %add3A_486 = arith.addi %mul3A_484, %add3A_485 : i32
        %get3A_487 = arith.index_cast %add3A_486 : i32 to index
        %get3A_488 = arith.constant 0 : index
        %get3A_489 = tpu.vector_load %arg15[%get3A_487, %get3A_488] {strides = array<i32>} : memref<80x128xf32, #tpu.memory_space<vmem>>, vector<16xf32>,
        %mul3A_490 = vector.broadcast %squeeze3A_482 : f32 to vector<16xf32>
        %mul3A_491 = arith.mulf %get3A_489, %mul3A_490 : vector<16xf32>
        %swap3A_492 = arith.index_cast %add3A_486 : i32 to index
        %swap3A_493 = arith.constant 0 : index
        %swap3A_494 = tpu.vector_load %arg15[%swap3A_492, %swap3A_493] {strides = array<i32>} : memref<80x128xf32, #tpu.memory_space<vmem>>, vector<16xf32>,
        tpu.vector_store %arg15[%swap3A_492, %swap3A_493], %mul3A_491 {strides = array<i32>} : memref<80x128xf32, #tpu.memory_space<vmem>>, vector<16xf32>,
        %get3A_495 = arith.index_cast %add3A_486 : i32 to index
        %get3A_496 = arith.constant 16 : index
        %get3A_497 = tpu.vector_load %arg15[%get3A_495, %get3A_496] {strides = array<i32>} : memref<80x128xf32, #tpu.memory_space<vmem>>, vector<16xf32>,
        %mul3A_498 = vector.broadcast %squeeze3A_482 : f32 to vector<16xf32>
        %mul3A_499 = arith.mulf %get3A_497, %mul3A_498 : vector<16xf32>
        %swap3A_500 = arith.index_cast %add3A_486 : i32 to index
        %swap3A_501 = arith.constant 16 : index
        %swap3A_502 = tpu.vector_load %arg15[%swap3A_500, %swap3A_501] {strides = array<i32>} : memref<80x128xf32, #tpu.memory_space<vmem>>, vector<16xf32>,
        tpu.vector_store %arg15[%swap3A_500, %swap3A_501], %mul3A_499 {strides = array<i32>} : memref<80x128xf32, #tpu.memory_space<vmem>>, vector<16xf32>,
        %get3A_503 = arith.index_cast %add3A_486 : i32 to index
        %get3A_504 = arith.constant 32 : index
        %get3A_505 = tpu.vector_load %arg15[%get3A_503, %get3A_504] {strides = array<i32>} : memref<80x128xf32, #tpu.memory_space<vmem>>, vector<16xf32>,
        %mul3A_506 = vector.broadcast %squeeze3A_482 : f32 to vector<16xf32>
        %mul3A_507 = arith.mulf %get3A_505, %mul3A_506 : vector<16xf32>
        %swap3A_508 = arith.index_cast %add3A_486 : i32 to index
        %swap3A_509 = arith.constant 32 : index
        %swap3A_510 = tpu.vector_load %arg15[%swap3A_508, %swap3A_509] {strides = array<i32>} : memref<80x128xf32, #tpu.memory_space<vmem>>, vector<16xf32>,
        tpu.vector_store %arg15[%swap3A_508, %swap3A_509], %mul3A_507 {strides = array<i32>} : memref<80x128xf32, #tpu.memory_space<vmem>>, vector<16xf32>,
        %get3A_511 = arith.index_cast %add3A_486 : i32 to index
        %get3A_512 = arith.constant 48 : index
        %get3A_513 = tpu.vector_load %arg15[%get3A_511, %get3A_512] {strides = array<i32>} : memref<80x128xf32, #tpu.memory_space<vmem>>, vector<16xf32>,
        %mul3A_514 = vector.broadcast %squeeze3A_482 : f32 to vector<16xf32>
        %mul3A_515 = arith.mulf %get3A_513, %mul3A_514 : vector<16xf32>
        %swap3A_516 = arith.index_cast %add3A_486 : i32 to index
        %swap3A_517 = arith.constant 48 : index
        %swap3A_518 = tpu.vector_load %arg15[%swap3A_516, %swap3A_517] {strides = array<i32>} : memref<80x128xf32, #tpu.memory_space<vmem>>, vector<16xf32>,
        tpu.vector_store %arg15[%swap3A_516, %swap3A_517], %mul3A_515 {strides = array<i32>} : memref<80x128xf32, #tpu.memory_space<vmem>>, vector<16xf32>,
        %get3A_519 = arith.index_cast %add3A_486 : i32 to index
        %get3A_520 = arith.constant 64 : index
        %get3A_521 = tpu.vector_load %arg15[%get3A_519, %get3A_520] {strides = array<i32>} : memref<80x128xf32, #tpu.memory_space<vmem>>, vector<16xf32>,
        %mul3A_522 = vector.broadcast %squeeze3A_482 : f32 to vector<16xf32>
        %mul3A_523 = arith.mulf %get3A_521, %mul3A_522 : vector<16xf32>
        %swap3A_524 = arith.index_cast %add3A_486 : i32 to index
        %swap3A_525 = arith.constant 64 : index
        %swap3A_526 = tpu.vector_load %arg15[%swap3A_524, %swap3A_525] {strides = array<i32>} : memref<80x128xf32, #tpu.memory_space<vmem>>, vector<16xf32>,
        tpu.vector_store %arg15[%swap3A_524, %swap3A_525], %mul3A_523 {strides = array<i32>} : memref<80x128xf32, #tpu.memory_space<vmem>>, vector<16xf32>,
        %get3A_527 = arith.index_cast %add3A_486 : i32 to index
        %get3A_528 = arith.constant 80 : index
        %get3A_529 = tpu.vector_load %arg15[%get3A_527, %get3A_528] {strides = array<i32>} : memref<80x128xf32, #tpu.memory_space<vmem>>, vector<16xf32>,
        %mul3A_530 = vector.broadcast %squeeze3A_482 : f32 to vector<16xf32>
        %mul3A_531 = arith.mulf %get3A_529, %mul3A_530 : vector<16xf32>
        %swap3A_532 = arith.index_cast %add3A_486 : i32 to index
        %swap3A_533 = arith.constant 80 : index
        %swap3A_534 = tpu.vector_load %arg15[%swap3A_532, %swap3A_533] {strides = array<i32>} : memref<80x128xf32, #tpu.memory_space<vmem>>, vector<16xf32>,
        tpu.vector_store %arg15[%swap3A_532, %swap3A_533], %mul3A_531 {strides = array<i32>} : memref<80x128xf32, #tpu.memory_space<vmem>>, vector<16xf32>,
        %get3A_535 = arith.index_cast %add3A_486 : i32 to index
        %get3A_536 = arith.constant 96 : index
        %get3A_537 = tpu.vector_load %arg15[%get3A_535, %get3A_536] {strides = array<i32>} : memref<80x128xf32, #tpu.memory_space<vmem>>, vector<16xf32>,
        %mul3A_538 = vector.broadcast %squeeze3A_482 : f32 to vector<16xf32>
        %mul3A_539 = arith.mulf %get3A_537, %mul3A_538 : vector<16xf32>
        %swap3A_540 = arith.index_cast %add3A_486 : i32 to index
        %swap3A_541 = arith.constant 96 : index
        %swap3A_542 = tpu.vector_load %arg15[%swap3A_540, %swap3A_541] {strides = array<i32>} : memref<80x128xf32, #tpu.memory_space<vmem>>, vector<16xf32>,
        tpu.vector_store %arg15[%swap3A_540, %swap3A_541], %mul3A_539 {strides = array<i32>} : memref<80x128xf32, #tpu.memory_space<vmem>>, vector<16xf32>,
        %get3A_543 = arith.index_cast %add3A_486 : i32 to index
        %get3A_544 = arith.constant 112 : index
        %get3A_545 = tpu.vector_load %arg15[%get3A_543, %get3A_544] {strides = array<i32>} : memref<80x128xf32, #tpu.memory_space<vmem>>, vector<16xf32>,
        %mul3A_546 = vector.broadcast %squeeze3A_482 : f32 to vector<16xf32>
        %mul3A_547 = arith.mulf %get3A_545, %mul3A_546 : vector<16xf32>
        %swap3A_548 = arith.index_cast %add3A_486 : i32 to index
        %swap3A_549 = arith.constant 112 : index
        %swap3A_550 = tpu.vector_load %arg15[%swap3A_548, %swap3A_549] {strides = array<i32>} : memref<80x128xf32, #tpu.memory_space<vmem>>, vector<16xf32>,
        tpu.vector_store %arg15[%swap3A_548, %swap3A_549], %mul3A_547 {strides = array<i32>} : memref<80x128xf32, #tpu.memory_space<vmem>>, vector<16xf32>,
        %slice3A_551 = vector.extract_strided_slice %get3A_63 {offsets = [7], sizes = [1], strides = [1]} : vector<16xf32> to vector<1xf32>
        %squeeze3A_552 = vector.extract %slice3A_551[0] : f32 from vector<1xf32>
        %mul3A_553 = arith.constant 16 : i32
        %mul3A_554 = arith.muli %scan3A_60, %mul3A_553 : i32
        %add3A_555 = arith.constant 7 : i32
        %add3A_556 = arith.addi %mul3A_554, %add3A_555 : i32
        %get3A_557 = arith.index_cast %add3A_556 : i32 to index
        %get3A_558 = arith.constant 0 : index
        %get3A_559 = tpu.vector_load %arg15[%get3A_557, %get3A_558] {strides = array<i32>} : memref<80x128xf32, #tpu.memory_space<vmem>>, vector<16xf32>,
        %mul3A_560 = vector.broadcast %squeeze3A_552 : f32 to vector<16xf32>
        %mul3A_561 = arith.mulf %get3A_559, %mul3A_560 : vector<16xf32>
        %swap3A_562 = arith.index_cast %add3A_556 : i32 to index
        %swap3A_563 = arith.constant 0 : index
        %swap3A_564 = tpu.vector_load %arg15[%swap3A_562, %swap3A_563] {strides = array<i32>} : memref<80x128xf32, #tpu.memory_space<vmem>>, vector<16xf32>,
        tpu.vector_store %arg15[%swap3A_562, %swap3A_563], %mul3A_561 {strides = array<i32>} : memref<80x128xf32, #tpu.memory_space<vmem>>, vector<16xf32>,
        %get3A_565 = arith.index_cast %add3A_556 : i32 to index
        %get3A_566 = arith.constant 16 : index
        %get3A_567 = tpu.vector_load %arg15[%get3A_565, %get3A_566] {strides = array<i32>} : memref<80x128xf32, #tpu.memory_space<vmem>>, vector<16xf32>,
        %mul3A_568 = vector.broadcast %squeeze3A_552 : f32 to vector<16xf32>
        %mul3A_569 = arith.mulf %get3A_567, %mul3A_568 : vector<16xf32>
        %swap3A_570 = arith.index_cast %add3A_556 : i32 to index
        %swap3A_571 = arith.constant 16 : index
        %swap3A_572 = tpu.vector_load %arg15[%swap3A_570, %swap3A_571] {strides = array<i32>} : memref<80x128xf32, #tpu.memory_space<vmem>>, vector<16xf32>,
        tpu.vector_store %arg15[%swap3A_570, %swap3A_571], %mul3A_569 {strides = array<i32>} : memref<80x128xf32, #tpu.memory_space<vmem>>, vector<16xf32>,
        %get3A_573 = arith.index_cast %add3A_556 : i32 to index
        %get3A_574 = arith.constant 32 : index
        %get3A_575 = tpu.vector_load %arg15[%get3A_573, %get3A_574] {strides = array<i32>} : memref<80x128xf32, #tpu.memory_space<vmem>>, vector<16xf32>,
        %mul3A_576 = vector.broadcast %squeeze3A_552 : f32 to vector<16xf32>
        %mul3A_577 = arith.mulf %get3A_575, %mul3A_576 : vector<16xf32>
        %swap3A_578 = arith.index_cast %add3A_556 : i32 to index
        %swap3A_579 = arith.constant 32 : index
        %swap3A_580 = tpu.vector_load %arg15[%swap3A_578, %swap3A_579] {strides = array<i32>} : memref<80x128xf32, #tpu.memory_space<vmem>>, vector<16xf32>,
        tpu.vector_store %arg15[%swap3A_578, %swap3A_579], %mul3A_577 {strides = array<i32>} : memref<80x128xf32, #tpu.memory_space<vmem>>, vector<16xf32>,
        %get3A_581 = arith.index_cast %add3A_556 : i32 to index
        %get3A_582 = arith.constant 48 : index
        %get3A_583 = tpu.vector_load %arg15[%get3A_581, %get3A_582] {strides = array<i32>} : memref<80x128xf32, #tpu.memory_space<vmem>>, vector<16xf32>,
        %mul3A_584 = vector.broadcast %squeeze3A_552 : f32 to vector<16xf32>
        %mul3A_585 = arith.mulf %get3A_583, %mul3A_584 : vector<16xf32>
        %swap3A_586 = arith.index_cast %add3A_556 : i32 to index
        %swap3A_587 = arith.constant 48 : index
        %swap3A_588 = tpu.vector_load %arg15[%swap3A_586, %swap3A_587] {strides = array<i32>} : memref<80x128xf32, #tpu.memory_space<vmem>>, vector<16xf32>,
        tpu.vector_store %arg15[%swap3A_586, %swap3A_587], %mul3A_585 {strides = array<i32>} : memref<80x128xf32, #tpu.memory_space<vmem>>, vector<16xf32>,
        %get3A_589 = arith.index_cast %add3A_556 : i32 to index
        %get3A_590 = arith.constant 64 : index
        %get3A_591 = tpu.vector_load %arg15[%get3A_589, %get3A_590] {strides = array<i32>} : memref<80x128xf32, #tpu.memory_space<vmem>>, vector<16xf32>,
        %mul3A_592 = vector.broadcast %squeeze3A_552 : f32 to vector<16xf32>
        %mul3A_593 = arith.mulf %get3A_591, %mul3A_592 : vector<16xf32>
        %swap3A_594 = arith.index_cast %add3A_556 : i32 to index
        %swap3A_595 = arith.constant 64 : index
        %swap3A_596 = tpu.vector_load %arg15[%swap3A_594, %swap3A_595] {strides = array<i32>} : memref<80x128xf32, #tpu.memory_space<vmem>>, vector<16xf32>,
        tpu.vector_store %arg15[%swap3A_594, %swap3A_595], %mul3A_593 {strides = array<i32>} : memref<80x128xf32, #tpu.memory_space<vmem>>, vector<16xf32>,
        %get3A_597 = arith.index_cast %add3A_556 : i32 to index
        %get3A_598 = arith.constant 80 : index
        %get3A_599 = tpu.vector_load %arg15[%get3A_597, %get3A_598] {strides = array<i32>} : memref<80x128xf32, #tpu.memory_space<vmem>>, vector<16xf32>,
        %mul3A_600 = vector.broadcast %squeeze3A_552 : f32 to vector<16xf32>
        %mul3A_601 = arith.mulf %get3A_599, %mul3A_600 : vector<16xf32>
        %swap3A_602 = arith.index_cast %add3A_556 : i32 to index
        %swap3A_603 = arith.constant 80 : index
        %swap3A_604 = tpu.vector_load %arg15[%swap3A_602, %swap3A_603] {strides = array<i32>} : memref<80x128xf32, #tpu.memory_space<vmem>>, vector<16xf32>,
        tpu.vector_store %arg15[%swap3A_602, %swap3A_603], %mul3A_601 {strides = array<i32>} : memref<80x128xf32, #tpu.memory_space<vmem>>, vector<16xf32>,
        %get3A_605 = arith.index_cast %add3A_556 : i32 to index
        %get3A_606 = arith.constant 96 : index
        %get3A_607 = tpu.vector_load %arg15[%get3A_605, %get3A_606] {strides = array<i32>} : memref<80x128xf32, #tpu.memory_space<vmem>>, vector<16xf32>,
        %mul3A_608 = vector.broadcast %squeeze3A_552 : f32 to vector<16xf32>
        %mul3A_609 = arith.mulf %get3A_607, %mul3A_608 : vector<16xf32>
        %swap3A_610 = arith.index_cast %add3A_556 : i32 to index
        %swap3A_611 = arith.constant 96 : index
        %swap3A_612 = tpu.vector_load %arg15[%swap3A_610, %swap3A_611] {strides = array<i32>} : memref<80x128xf32, #tpu.memory_space<vmem>>, vector<16xf32>,
        tpu.vector_store %arg15[%swap3A_610, %swap3A_611], %mul3A_609 {strides = array<i32>} : memref<80x128xf32, #tpu.memory_space<vmem>>, vector<16xf32>,
        %get3A_613 = arith.index_cast %add3A_556 : i32 to index
        %get3A_614 = arith.constant 112 : index
        %get3A_615 = tpu.vector_load %arg15[%get3A_613, %get3A_614] {strides = array<i32>} : memref<80x128xf32, #tpu.memory_space<vmem>>, vector<16xf32>,
        %mul3A_616 = vector.broadcast %squeeze3A_552 : f32 to vector<16xf32>
        %mul3A_617 = arith.mulf %get3A_615, %mul3A_616 : vector<16xf32>
        %swap3A_618 = arith.index_cast %add3A_556 : i32 to index
        %swap3A_619 = arith.constant 112 : index
        %swap3A_620 = tpu.vector_load %arg15[%swap3A_618, %swap3A_619] {strides = array<i32>} : memref<80x128xf32, #tpu.memory_space<vmem>>, vector<16xf32>,
        tpu.vector_store %arg15[%swap3A_618, %swap3A_619], %mul3A_617 {strides = array<i32>} : memref<80x128xf32, #tpu.memory_space<vmem>>, vector<16xf32>,
        %slice3A_621 = vector.extract_strided_slice %get3A_63 {offsets = [8], sizes = [1], strides = [1]} : vector<16xf32> to vector<1xf32>
        %squeeze3A_622 = vector.extract %slice3A_621[0] : f32 from vector<1xf32>
        %mul3A_623 = arith.constant 16 : i32
        %mul3A_624 = arith.muli %scan3A_60, %mul3A_623 : i32
        %add3A_625 = arith.constant 8 : i32
        %add3A_626 = arith.addi %mul3A_624, %add3A_625 : i32
        %get3A_627 = arith.index_cast %add3A_626 : i32 to index
        %get3A_628 = arith.constant 0 : index
        %get3A_629 = tpu.vector_load %arg15[%get3A_627, %get3A_628] {strides = array<i32>} : memref<80x128xf32, #tpu.memory_space<vmem>>, vector<16xf32>,
        %mul3A_630 = vector.broadcast %squeeze3A_622 : f32 to vector<16xf32>
        %mul3A_631 = arith.mulf %get3A_629, %mul3A_630 : vector<16xf32>
        %swap3A_632 = arith.index_cast %add3A_626 : i32 to index
        %swap3A_633 = arith.constant 0 : index
        %swap3A_634 = tpu.vector_load %arg15[%swap3A_632, %swap3A_633] {strides = array<i32>} : memref<80x128xf32, #tpu.memory_space<vmem>>, vector<16xf32>,
        tpu.vector_store %arg15[%swap3A_632, %swap3A_633], %mul3A_631 {strides = array<i32>} : memref<80x128xf32, #tpu.memory_space<vmem>>, vector<16xf32>,
        %get3A_635 = arith.index_cast %add3A_626 : i32 to index
        %get3A_636 = arith.constant 16 : index
        %get3A_637 = tpu.vector_load %arg15[%get3A_635, %get3A_636] {strides = array<i32>} : memref<80x128xf32, #tpu.memory_space<vmem>>, vector<16xf32>,
        %mul3A_638 = vector.broadcast %squeeze3A_622 : f32 to vector<16xf32>
        %mul3A_639 = arith.mulf %get3A_637, %mul3A_638 : vector<16xf32>
        %swap3A_640 = arith.index_cast %add3A_626 : i32 to index
        %swap3A_641 = arith.constant 16 : index
        %swap3A_642 = tpu.vector_load %arg15[%swap3A_640, %swap3A_641] {strides = array<i32>} : memref<80x128xf32, #tpu.memory_space<vmem>>, vector<16xf32>,
        tpu.vector_store %arg15[%swap3A_640, %swap3A_641], %mul3A_639 {strides = array<i32>} : memref<80x128xf32, #tpu.memory_space<vmem>>, vector<16xf32>,
        %get3A_643 = arith.index_cast %add3A_626 : i32 to index
        %get3A_644 = arith.constant 32 : index
        %get3A_645 = tpu.vector_load %arg15[%get3A_643, %get3A_644] {strides = array<i32>} : memref<80x128xf32, #tpu.memory_space<vmem>>, vector<16xf32>,
        %mul3A_646 = vector.broadcast %squeeze3A_622 : f32 to vector<16xf32>
        %mul3A_647 = arith.mulf %get3A_645, %mul3A_646 : vector<16xf32>
        %swap3A_648 = arith.index_cast %add3A_626 : i32 to index
        %swap3A_649 = arith.constant 32 : index
        %swap3A_650 = tpu.vector_load %arg15[%swap3A_648, %swap3A_649] {strides = array<i32>} : memref<80x128xf32, #tpu.memory_space<vmem>>, vector<16xf32>,
        tpu.vector_store %arg15[%swap3A_648, %swap3A_649], %mul3A_647 {strides = array<i32>} : memref<80x128xf32, #tpu.memory_space<vmem>>, vector<16xf32>,
        %get3A_651 = arith.index_cast %add3A_626 : i32 to index
        %get3A_652 = arith.constant 48 : index
        %get3A_653 = tpu.vector_load %arg15[%get3A_651, %get3A_652] {strides = array<i32>} : memref<80x128xf32, #tpu.memory_space<vmem>>, vector<16xf32>,
        %mul3A_654 = vector.broadcast %squeeze3A_622 : f32 to vector<16xf32>
        %mul3A_655 = arith.mulf %get3A_653, %mul3A_654 : vector<16xf32>
        %swap3A_656 = arith.index_cast %add3A_626 : i32 to index
        %swap3A_657 = arith.constant 48 : index
        %swap3A_658 = tpu.vector_load %arg15[%swap3A_656, %swap3A_657] {strides = array<i32>} : memref<80x128xf32, #tpu.memory_space<vmem>>, vector<16xf32>,
        tpu.vector_store %arg15[%swap3A_656, %swap3A_657], %mul3A_655 {strides = array<i32>} : memref<80x128xf32, #tpu.memory_space<vmem>>, vector<16xf32>,
        %get3A_659 = arith.index_cast %add3A_626 : i32 to index
        %get3A_660 = arith.constant 64 : index
        %get3A_661 = tpu.vector_load %arg15[%get3A_659, %get3A_660] {strides = array<i32>} : memref<80x128xf32, #tpu.memory_space<vmem>>, vector<16xf32>,
        %mul3A_662 = vector.broadcast %squeeze3A_622 : f32 to vector<16xf32>
        %mul3A_663 = arith.mulf %get3A_661, %mul3A_662 : vector<16xf32>
        %swap3A_664 = arith.index_cast %add3A_626 : i32 to index
        %swap3A_665 = arith.constant 64 : index
        %swap3A_666 = tpu.vector_load %arg15[%swap3A_664, %swap3A_665] {strides = array<i32>} : memref<80x128xf32, #tpu.memory_space<vmem>>, vector<16xf32>,
        tpu.vector_store %arg15[%swap3A_664, %swap3A_665], %mul3A_663 {strides = array<i32>} : memref<80x128xf32, #tpu.memory_space<vmem>>, vector<16xf32>,
        %get3A_667 = arith.index_cast %add3A_626 : i32 to index
        %get3A_668 = arith.constant 80 : index
        %get3A_669 = tpu.vector_load %arg15[%get3A_667, %get3A_668] {strides = array<i32>} : memref<80x128xf32, #tpu.memory_space<vmem>>, vector<16xf32>,
        %mul3A_670 = vector.broadcast %squeeze3A_622 : f32 to vector<16xf32>
        %mul3A_671 = arith.mulf %get3A_669, %mul3A_670 : vector<16xf32>
        %swap3A_672 = arith.index_cast %add3A_626 : i32 to index
        %swap3A_673 = arith.constant 80 : index
        %swap3A_674 = tpu.vector_load %arg15[%swap3A_672, %swap3A_673] {strides = array<i32>} : memref<80x128xf32, #tpu.memory_space<vmem>>, vector<16xf32>,
        tpu.vector_store %arg15[%swap3A_672, %swap3A_673], %mul3A_671 {strides = array<i32>} : memref<80x128xf32, #tpu.memory_space<vmem>>, vector<16xf32>,
        %get3A_675 = arith.index_cast %add3A_626 : i32 to index
        %get3A_676 = arith.constant 96 : index
        %get3A_677 = tpu.vector_load %arg15[%get3A_675, %get3A_676] {strides = array<i32>} : memref<80x128xf32, #tpu.memory_space<vmem>>, vector<16xf32>,
        %mul3A_678 = vector.broadcast %squeeze3A_622 : f32 to vector<16xf32>
        %mul3A_679 = arith.mulf %get3A_677, %mul3A_678 : vector<16xf32>
        %swap3A_680 = arith.index_cast %add3A_626 : i32 to index
        %swap3A_681 = arith.constant 96 : index
        %swap3A_682 = tpu.vector_load %arg15[%swap3A_680, %swap3A_681] {strides = array<i32>} : memref<80x128xf32, #tpu.memory_space<vmem>>, vector<16xf32>,
        tpu.vector_store %arg15[%swap3A_680, %swap3A_681], %mul3A_679 {strides = array<i32>} : memref<80x128xf32, #tpu.memory_space<vmem>>, vector<16xf32>,
        %get3A_683 = arith.index_cast %add3A_626 : i32 to index
        %get3A_684 = arith.constant 112 : index
        %get3A_685 = tpu.vector_load %arg15[%get3A_683, %get3A_684] {strides = array<i32>} : memref<80x128xf32, #tpu.memory_space<vmem>>, vector<16xf32>,
        %mul3A_686 = vector.broadcast %squeeze3A_622 : f32 to vector<16xf32>
        %mul3A_687 = arith.mulf %get3A_685, %mul3A_686 : vector<16xf32>
        %swap3A_688 = arith.index_cast %add3A_626 : i32 to index
        %swap3A_689 = arith.constant 112 : index
        %swap3A_690 = tpu.vector_load %arg15[%swap3A_688, %swap3A_689] {strides = array<i32>} : memref<80x128xf32, #tpu.memory_space<vmem>>, vector<16xf32>,
        tpu.vector_store %arg15[%swap3A_688, %swap3A_689], %mul3A_687 {strides = array<i32>} : memref<80x128xf32, #tpu.memory_space<vmem>>, vector<16xf32>,
        %slice3A_691 = vector.extract_strided_slice %get3A_63 {offsets = [9], sizes = [1], strides = [1]} : vector<16xf32> to vector<1xf32>
        %squeeze3A_692 = vector.extract %slice3A_691[0] : f32 from vector<1xf32>
        %mul3A_693 = arith.constant 16 : i32
        %mul3A_694 = arith.muli %scan3A_60, %mul3A_693 : i32
        %add3A_695 = arith.constant 9 : i32
        %add3A_696 = arith.addi %mul3A_694, %add3A_695 : i32
        %get3A_697 = arith.index_cast %add3A_696 : i32 to index
        %get3A_698 = arith.constant 0 : index
        %get3A_699 = tpu.vector_load %arg15[%get3A_697, %get3A_698] {strides = array<i32>} : memref<80x128xf32, #tpu.memory_space<vmem>>, vector<16xf32>,
        %mul3A_700 = vector.broadcast %squeeze3A_692 : f32 to vector<16xf32>
        %mul3A_701 = arith.mulf %get3A_699, %mul3A_700 : vector<16xf32>
        %swap3A_702 = arith.index_cast %add3A_696 : i32 to index
        %swap3A_703 = arith.constant 0 : index
        %swap3A_704 = tpu.vector_load %arg15[%swap3A_702, %swap3A_703] {strides = array<i32>} : memref<80x128xf32, #tpu.memory_space<vmem>>, vector<16xf32>,
        tpu.vector_store %arg15[%swap3A_702, %swap3A_703], %mul3A_701 {strides = array<i32>} : memref<80x128xf32, #tpu.memory_space<vmem>>, vector<16xf32>,
        %get3A_705 = arith.index_cast %add3A_696 : i32 to index
        %get3A_706 = arith.constant 16 : index
        %get3A_707 = tpu.vector_load %arg15[%get3A_705, %get3A_706] {strides = array<i32>} : memref<80x128xf32, #tpu.memory_space<vmem>>, vector<16xf32>,
        %mul3A_708 = vector.broadcast %squeeze3A_692 : f32 to vector<16xf32>
        %mul3A_709 = arith.mulf %get3A_707, %mul3A_708 : vector<16xf32>
        %swap3A_710 = arith.index_cast %add3A_696 : i32 to index
        %swap3A_711 = arith.constant 16 : index
        %swap3A_712 = tpu.vector_load %arg15[%swap3A_710, %swap3A_711] {strides = array<i32>} : memref<80x128xf32, #tpu.memory_space<vmem>>, vector<16xf32>,
        tpu.vector_store %arg15[%swap3A_710, %swap3A_711], %mul3A_709 {strides = array<i32>} : memref<80x128xf32, #tpu.memory_space<vmem>>, vector<16xf32>,
        %get3A_713 = arith.index_cast %add3A_696 : i32 to index
        %get3A_714 = arith.constant 32 : index
        %get3A_715 = tpu.vector_load %arg15[%get3A_713, %get3A_714] {strides = array<i32>} : memref<80x128xf32, #tpu.memory_space<vmem>>, vector<16xf32>,
        %mul3A_716 = vector.broadcast %squeeze3A_692 : f32 to vector<16xf32>
        %mul3A_717 = arith.mulf %get3A_715, %mul3A_716 : vector<16xf32>
        %swap3A_718 = arith.index_cast %add3A_696 : i32 to index
        %swap3A_719 = arith.constant 32 : index
        %swap3A_720 = tpu.vector_load %arg15[%swap3A_718, %swap3A_719] {strides = array<i32>} : memref<80x128xf32, #tpu.memory_space<vmem>>, vector<16xf32>,
        tpu.vector_store %arg15[%swap3A_718, %swap3A_719], %mul3A_717 {strides = array<i32>} : memref<80x128xf32, #tpu.memory_space<vmem>>, vector<16xf32>,
        %get3A_721 = arith.index_cast %add3A_696 : i32 to index
        %get3A_722 = arith.constant 48 : index
        %get3A_723 = tpu.vector_load %arg15[%get3A_721, %get3A_722] {strides = array<i32>} : memref<80x128xf32, #tpu.memory_space<vmem>>, vector<16xf32>,
        %mul3A_724 = vector.broadcast %squeeze3A_692 : f32 to vector<16xf32>
        %mul3A_725 = arith.mulf %get3A_723, %mul3A_724 : vector<16xf32>
        %swap3A_726 = arith.index_cast %add3A_696 : i32 to index
        %swap3A_727 = arith.constant 48 : index
        %swap3A_728 = tpu.vector_load %arg15[%swap3A_726, %swap3A_727] {strides = array<i32>} : memref<80x128xf32, #tpu.memory_space<vmem>>, vector<16xf32>,
        tpu.vector_store %arg15[%swap3A_726, %swap3A_727], %mul3A_725 {strides = array<i32>} : memref<80x128xf32, #tpu.memory_space<vmem>>, vector<16xf32>,
        %get3A_729 = arith.index_cast %add3A_696 : i32 to index
        %get3A_730 = arith.constant 64 : index
        %get3A_731 = tpu.vector_load %arg15[%get3A_729, %get3A_730] {strides = array<i32>} : memref<80x128xf32, #tpu.memory_space<vmem>>, vector<16xf32>,
        %mul3A_732 = vector.broadcast %squeeze3A_692 : f32 to vector<16xf32>
        %mul3A_733 = arith.mulf %get3A_731, %mul3A_732 : vector<16xf32>
        %swap3A_734 = arith.index_cast %add3A_696 : i32 to index
        %swap3A_735 = arith.constant 64 : index
        %swap3A_736 = tpu.vector_load %arg15[%swap3A_734, %swap3A_735] {strides = array<i32>} : memref<80x128xf32, #tpu.memory_space<vmem>>, vector<16xf32>,
        tpu.vector_store %arg15[%swap3A_734, %swap3A_735], %mul3A_733 {strides = array<i32>} : memref<80x128xf32, #tpu.memory_space<vmem>>, vector<16xf32>,
        %get3A_737 = arith.index_cast %add3A_696 : i32 to index
        %get3A_738 = arith.constant 80 : index
        %get3A_739 = tpu.vector_load %arg15[%get3A_737, %get3A_738] {strides = array<i32>} : memref<80x128xf32, #tpu.memory_space<vmem>>, vector<16xf32>,
        %mul3A_740 = vector.broadcast %squeeze3A_692 : f32 to vector<16xf32>
        %mul3A_741 = arith.mulf %get3A_739, %mul3A_740 : vector<16xf32>
        %swap3A_742 = arith.index_cast %add3A_696 : i32 to index
        %swap3A_743 = arith.constant 80 : index
        %swap3A_744 = tpu.vector_load %arg15[%swap3A_742, %swap3A_743] {strides = array<i32>} : memref<80x128xf32, #tpu.memory_space<vmem>>, vector<16xf32>,
        tpu.vector_store %arg15[%swap3A_742, %swap3A_743], %mul3A_741 {strides = array<i32>} : memref<80x128xf32, #tpu.memory_space<vmem>>, vector<16xf32>,
        %get3A_745 = arith.index_cast %add3A_696 : i32 to index
        %get3A_746 = arith.constant 96 : index
        %get3A_747 = tpu.vector_load %arg15[%get3A_745, %get3A_746] {strides = array<i32>} : memref<80x128xf32, #tpu.memory_space<vmem>>, vector<16xf32>,
        %mul3A_748 = vector.broadcast %squeeze3A_692 : f32 to vector<16xf32>
        %mul3A_749 = arith.mulf %get3A_747, %mul3A_748 : vector<16xf32>
        %swap3A_750 = arith.index_cast %add3A_696 : i32 to index
        %swap3A_751 = arith.constant 96 : index
        %swap3A_752 = tpu.vector_load %arg15[%swap3A_750, %swap3A_751] {strides = array<i32>} : memref<80x128xf32, #tpu.memory_space<vmem>>, vector<16xf32>,
        tpu.vector_store %arg15[%swap3A_750, %swap3A_751], %mul3A_749 {strides = array<i32>} : memref<80x128xf32, #tpu.memory_space<vmem>>, vector<16xf32>,
        %get3A_753 = arith.index_cast %add3A_696 : i32 to index
        %get3A_754 = arith.constant 112 : index
        %get3A_755 = tpu.vector_load %arg15[%get3A_753, %get3A_754] {strides = array<i32>} : memref<80x128xf32, #tpu.memory_space<vmem>>, vector<16xf32>,
        %mul3A_756 = vector.broadcast %squeeze3A_692 : f32 to vector<16xf32>
        %mul3A_757 = arith.mulf %get3A_755, %mul3A_756 : vector<16xf32>
        %swap3A_758 = arith.index_cast %add3A_696 : i32 to index
        %swap3A_759 = arith.constant 112 : index
        %swap3A_760 = tpu.vector_load %arg15[%swap3A_758, %swap3A_759] {strides = array<i32>} : memref<80x128xf32, #tpu.memory_space<vmem>>, vector<16xf32>,
        tpu.vector_store %arg15[%swap3A_758, %swap3A_759], %mul3A_757 {strides = array<i32>} : memref<80x128xf32, #tpu.memory_space<vmem>>, vector<16xf32>,
        %slice3A_761 = vector.extract_strided_slice %get3A_63 {offsets = [10], sizes = [1], strides = [1]} : vector<16xf32> to vector<1xf32>
        %squeeze3A_762 = vector.extract %slice3A_761[0] : f32 from vector<1xf32>
        %mul3A_763 = arith.constant 16 : i32
        %mul3A_764 = arith.muli %scan3A_60, %mul3A_763 : i32
        %add3A_765 = arith.constant 10 : i32
        %add3A_766 = arith.addi %mul3A_764, %add3A_765 : i32
        %get3A_767 = arith.index_cast %add3A_766 : i32 to index
        %get3A_768 = arith.constant 0 : index
        %get3A_769 = tpu.vector_load %arg15[%get3A_767, %get3A_768] {strides = array<i32>} : memref<80x128xf32, #tpu.memory_space<vmem>>, vector<16xf32>,
        %mul3A_770 = vector.broadcast %squeeze3A_762 : f32 to vector<16xf32>
        %mul3A_771 = arith.mulf %get3A_769, %mul3A_770 : vector<16xf32>
        %swap3A_772 = arith.index_cast %add3A_766 : i32 to index
        %swap3A_773 = arith.constant 0 : index
        %swap3A_774 = tpu.vector_load %arg15[%swap3A_772, %swap3A_773] {strides = array<i32>} : memref<80x128xf32, #tpu.memory_space<vmem>>, vector<16xf32>,
        tpu.vector_store %arg15[%swap3A_772, %swap3A_773], %mul3A_771 {strides = array<i32>} : memref<80x128xf32, #tpu.memory_space<vmem>>, vector<16xf32>,
        %get3A_775 = arith.index_cast %add3A_766 : i32 to index
        %get3A_776 = arith.constant 16 : index
        %get3A_777 = tpu.vector_load %arg15[%get3A_775, %get3A_776] {strides = array<i32>} : memref<80x128xf32, #tpu.memory_space<vmem>>, vector<16xf32>,
        %mul3A_778 = vector.broadcast %squeeze3A_762 : f32 to vector<16xf32>
        %mul3A_779 = arith.mulf %get3A_777, %mul3A_778 : vector<16xf32>
        %swap3A_780 = arith.index_cast %add3A_766 : i32 to index
        %swap3A_781 = arith.constant 16 : index
        %swap3A_782 = tpu.vector_load %arg15[%swap3A_780, %swap3A_781] {strides = array<i32>} : memref<80x128xf32, #tpu.memory_space<vmem>>, vector<16xf32>,
        tpu.vector_store %arg15[%swap3A_780, %swap3A_781], %mul3A_779 {strides = array<i32>} : memref<80x128xf32, #tpu.memory_space<vmem>>, vector<16xf32>,
        %get3A_783 = arith.index_cast %add3A_766 : i32 to index
        %get3A_784 = arith.constant 32 : index
        %get3A_785 = tpu.vector_load %arg15[%get3A_783, %get3A_784] {strides = array<i32>} : memref<80x128xf32, #tpu.memory_space<vmem>>, vector<16xf32>,
        %mul3A_786 = vector.broadcast %squeeze3A_762 : f32 to vector<16xf32>
        %mul3A_787 = arith.mulf %get3A_785, %mul3A_786 : vector<16xf32>
        %swap3A_788 = arith.index_cast %add3A_766 : i32 to index
        %swap3A_789 = arith.constant 32 : index
        %swap3A_790 = tpu.vector_load %arg15[%swap3A_788, %swap3A_789] {strides = array<i32>} : memref<80x128xf32, #tpu.memory_space<vmem>>, vector<16xf32>,
        tpu.vector_store %arg15[%swap3A_788, %swap3A_789], %mul3A_787 {strides = array<i32>} : memref<80x128xf32, #tpu.memory_space<vmem>>, vector<16xf32>,
        %get3A_791 = arith.index_cast %add3A_766 : i32 to index
        %get3A_792 = arith.constant 48 : index
        %get3A_793 = tpu.vector_load %arg15[%get3A_791, %get3A_792] {strides = array<i32>} : memref<80x128xf32, #tpu.memory_space<vmem>>, vector<16xf32>,
        %mul3A_794 = vector.broadcast %squeeze3A_762 : f32 to vector<16xf32>
        %mul3A_795 = arith.mulf %get3A_793, %mul3A_794 : vector<16xf32>
        %swap3A_796 = arith.index_cast %add3A_766 : i32 to index
        %swap3A_797 = arith.constant 48 : index
        %swap3A_798 = tpu.vector_load %arg15[%swap3A_796, %swap3A_797] {strides = array<i32>} : memref<80x128xf32, #tpu.memory_space<vmem>>, vector<16xf32>,
        tpu.vector_store %arg15[%swap3A_796, %swap3A_797], %mul3A_795 {strides = array<i32>} : memref<80x128xf32, #tpu.memory_space<vmem>>, vector<16xf32>,
        %get3A_799 = arith.index_cast %add3A_766 : i32 to index
        %get3A_800 = arith.constant 64 : index
        %get3A_801 = tpu.vector_load %arg15[%get3A_799, %get3A_800] {strides = array<i32>} : memref<80x128xf32, #tpu.memory_space<vmem>>, vector<16xf32>,
        %mul3A_802 = vector.broadcast %squeeze3A_762 : f32 to vector<16xf32>
        %mul3A_803 = arith.mulf %get3A_801, %mul3A_802 : vector<16xf32>
        %swap3A_804 = arith.index_cast %add3A_766 : i32 to index
        %swap3A_805 = arith.constant 64 : index
        %swap3A_806 = tpu.vector_load %arg15[%swap3A_804, %swap3A_805] {strides = array<i32>} : memref<80x128xf32, #tpu.memory_space<vmem>>, vector<16xf32>,
        tpu.vector_store %arg15[%swap3A_804, %swap3A_805], %mul3A_803 {strides = array<i32>} : memref<80x128xf32, #tpu.memory_space<vmem>>, vector<16xf32>,
        %get3A_807 = arith.index_cast %add3A_766 : i32 to index
        %get3A_808 = arith.constant 80 : index
        %get3A_809 = tpu.vector_load %arg15[%get3A_807, %get3A_808] {strides = array<i32>} : memref<80x128xf32, #tpu.memory_space<vmem>>, vector<16xf32>,
        %mul3A_810 = vector.broadcast %squeeze3A_762 : f32 to vector<16xf32>
        %mul3A_811 = arith.mulf %get3A_809, %mul3A_810 : vector<16xf32>
        %swap3A_812 = arith.index_cast %add3A_766 : i32 to index
        %swap3A_813 = arith.constant 80 : index
        %swap3A_814 = tpu.vector_load %arg15[%swap3A_812, %swap3A_813] {strides = array<i32>} : memref<80x128xf32, #tpu.memory_space<vmem>>, vector<16xf32>,
        tpu.vector_store %arg15[%swap3A_812, %swap3A_813], %mul3A_811 {strides = array<i32>} : memref<80x128xf32, #tpu.memory_space<vmem>>, vector<16xf32>,
        %get3A_815 = arith.index_cast %add3A_766 : i32 to index
        %get3A_816 = arith.constant 96 : index
        %get3A_817 = tpu.vector_load %arg15[%get3A_815, %get3A_816] {strides = array<i32>} : memref<80x128xf32, #tpu.memory_space<vmem>>, vector<16xf32>,
        %mul3A_818 = vector.broadcast %squeeze3A_762 : f32 to vector<16xf32>
        %mul3A_819 = arith.mulf %get3A_817, %mul3A_818 : vector<16xf32>
        %swap3A_820 = arith.index_cast %add3A_766 : i32 to index
        %swap3A_821 = arith.constant 96 : index
        %swap3A_822 = tpu.vector_load %arg15[%swap3A_820, %swap3A_821] {strides = array<i32>} : memref<80x128xf32, #tpu.memory_space<vmem>>, vector<16xf32>,
        tpu.vector_store %arg15[%swap3A_820, %swap3A_821], %mul3A_819 {strides = array<i32>} : memref<80x128xf32, #tpu.memory_space<vmem>>, vector<16xf32>,
        %get3A_823 = arith.index_cast %add3A_766 : i32 to index
        %get3A_824 = arith.constant 112 : index
        %get3A_825 = tpu.vector_load %arg15[%get3A_823, %get3A_824] {strides = array<i32>} : memref<80x128xf32, #tpu.memory_space<vmem>>, vector<16xf32>,
        %mul3A_826 = vector.broadcast %squeeze3A_762 : f32 to vector<16xf32>
        %mul3A_827 = arith.mulf %get3A_825, %mul3A_826 : vector<16xf32>
        %swap3A_828 = arith.index_cast %add3A_766 : i32 to index
        %swap3A_829 = arith.constant 112 : index
        %swap3A_830 = tpu.vector_load %arg15[%swap3A_828, %swap3A_829] {strides = array<i32>} : memref<80x128xf32, #tpu.memory_space<vmem>>, vector<16xf32>,
        tpu.vector_store %arg15[%swap3A_828, %swap3A_829], %mul3A_827 {strides = array<i32>} : memref<80x128xf32, #tpu.memory_space<vmem>>, vector<16xf32>,
        %slice3A_831 = vector.extract_strided_slice %get3A_63 {offsets = [11], sizes = [1], strides = [1]} : vector<16xf32> to vector<1xf32>
        %squeeze3A_832 = vector.extract %slice3A_831[0] : f32 from vector<1xf32>
        %mul3A_833 = arith.constant 16 : i32
        %mul3A_834 = arith.muli %scan3A_60, %mul3A_833 : i32
        %add3A_835 = arith.constant 11 : i32
        %add3A_836 = arith.addi %mul3A_834, %add3A_835 : i32
        %get3A_837 = arith.index_cast %add3A_836 : i32 to index
        %get3A_838 = arith.constant 0 : index
        %get3A_839 = tpu.vector_load %arg15[%get3A_837, %get3A_838] {strides = array<i32>} : memref<80x128xf32, #tpu.memory_space<vmem>>, vector<16xf32>,
        %mul3A_840 = vector.broadcast %squeeze3A_832 : f32 to vector<16xf32>
        %mul3A_841 = arith.mulf %get3A_839, %mul3A_840 : vector<16xf32>
        %swap3A_842 = arith.index_cast %add3A_836 : i32 to index
        %swap3A_843 = arith.constant 0 : index
        %swap3A_844 = tpu.vector_load %arg15[%swap3A_842, %swap3A_843] {strides = array<i32>} : memref<80x128xf32, #tpu.memory_space<vmem>>, vector<16xf32>,
        tpu.vector_store %arg15[%swap3A_842, %swap3A_843], %mul3A_841 {strides = array<i32>} : memref<80x128xf32, #tpu.memory_space<vmem>>, vector<16xf32>,
        %get3A_845 = arith.index_cast %add3A_836 : i32 to index
        %get3A_846 = arith.constant 16 : index
        %get3A_847 = tpu.vector_load %arg15[%get3A_845, %get3A_846] {strides = array<i32>} : memref<80x128xf32, #tpu.memory_space<vmem>>, vector<16xf32>,
        %mul3A_848 = vector.broadcast %squeeze3A_832 : f32 to vector<16xf32>
        %mul3A_849 = arith.mulf %get3A_847, %mul3A_848 : vector<16xf32>
        %swap3A_850 = arith.index_cast %add3A_836 : i32 to index
        %swap3A_851 = arith.constant 16 : index
        %swap3A_852 = tpu.vector_load %arg15[%swap3A_850, %swap3A_851] {strides = array<i32>} : memref<80x128xf32, #tpu.memory_space<vmem>>, vector<16xf32>,
        tpu.vector_store %arg15[%swap3A_850, %swap3A_851], %mul3A_849 {strides = array<i32>} : memref<80x128xf32, #tpu.memory_space<vmem>>, vector<16xf32>,
        %get3A_853 = arith.index_cast %add3A_836 : i32 to index
        %get3A_854 = arith.constant 32 : index
        %get3A_855 = tpu.vector_load %arg15[%get3A_853, %get3A_854] {strides = array<i32>} : memref<80x128xf32, #tpu.memory_space<vmem>>, vector<16xf32>,
        %mul3A_856 = vector.broadcast %squeeze3A_832 : f32 to vector<16xf32>
        %mul3A_857 = arith.mulf %get3A_855, %mul3A_856 : vector<16xf32>
        %swap3A_858 = arith.index_cast %add3A_836 : i32 to index
        %swap3A_859 = arith.constant 32 : index
        %swap3A_860 = tpu.vector_load %arg15[%swap3A_858, %swap3A_859] {strides = array<i32>} : memref<80x128xf32, #tpu.memory_space<vmem>>, vector<16xf32>,
        tpu.vector_store %arg15[%swap3A_858, %swap3A_859], %mul3A_857 {strides = array<i32>} : memref<80x128xf32, #tpu.memory_space<vmem>>, vector<16xf32>,
        %get3A_861 = arith.index_cast %add3A_836 : i32 to index
        %get3A_862 = arith.constant 48 : index
        %get3A_863 = tpu.vector_load %arg15[%get3A_861, %get3A_862] {strides = array<i32>} : memref<80x128xf32, #tpu.memory_space<vmem>>, vector<16xf32>,
        %mul3A_864 = vector.broadcast %squeeze3A_832 : f32 to vector<16xf32>
        %mul3A_865 = arith.mulf %get3A_863, %mul3A_864 : vector<16xf32>
        %swap3A_866 = arith.index_cast %add3A_836 : i32 to index
        %swap3A_867 = arith.constant 48 : index
        %swap3A_868 = tpu.vector_load %arg15[%swap3A_866, %swap3A_867] {strides = array<i32>} : memref<80x128xf32, #tpu.memory_space<vmem>>, vector<16xf32>,
        tpu.vector_store %arg15[%swap3A_866, %swap3A_867], %mul3A_865 {strides = array<i32>} : memref<80x128xf32, #tpu.memory_space<vmem>>, vector<16xf32>,
        %get3A_869 = arith.index_cast %add3A_836 : i32 to index
        %get3A_870 = arith.constant 64 : index
        %get3A_871 = tpu.vector_load %arg15[%get3A_869, %get3A_870] {strides = array<i32>} : memref<80x128xf32, #tpu.memory_space<vmem>>, vector<16xf32>,
        %mul3A_872 = vector.broadcast %squeeze3A_832 : f32 to vector<16xf32>
        %mul3A_873 = arith.mulf %get3A_871, %mul3A_872 : vector<16xf32>
        %swap3A_874 = arith.index_cast %add3A_836 : i32 to index
        %swap3A_875 = arith.constant 64 : index
        %swap3A_876 = tpu.vector_load %arg15[%swap3A_874, %swap3A_875] {strides = array<i32>} : memref<80x128xf32, #tpu.memory_space<vmem>>, vector<16xf32>,
        tpu.vector_store %arg15[%swap3A_874, %swap3A_875], %mul3A_873 {strides = array<i32>} : memref<80x128xf32, #tpu.memory_space<vmem>>, vector<16xf32>,
        %get3A_877 = arith.index_cast %add3A_836 : i32 to index
        %get3A_878 = arith.constant 80 : index
        %get3A_879 = tpu.vector_load %arg15[%get3A_877, %get3A_878] {strides = array<i32>} : memref<80x128xf32, #tpu.memory_space<vmem>>, vector<16xf32>,
        %mul3A_880 = vector.broadcast %squeeze3A_832 : f32 to vector<16xf32>
        %mul3A_881 = arith.mulf %get3A_879, %mul3A_880 : vector<16xf32>
        %swap3A_882 = arith.index_cast %add3A_836 : i32 to index
        %swap3A_883 = arith.constant 80 : index
        %swap3A_884 = tpu.vector_load %arg15[%swap3A_882, %swap3A_883] {strides = array<i32>} : memref<80x128xf32, #tpu.memory_space<vmem>>, vector<16xf32>,
        tpu.vector_store %arg15[%swap3A_882, %swap3A_883], %mul3A_881 {strides = array<i32>} : memref<80x128xf32, #tpu.memory_space<vmem>>, vector<16xf32>,
        %get3A_885 = arith.index_cast %add3A_836 : i32 to index
        %get3A_886 = arith.constant 96 : index
        %get3A_887 = tpu.vector_load %arg15[%get3A_885, %get3A_886] {strides = array<i32>} : memref<80x128xf32, #tpu.memory_space<vmem>>, vector<16xf32>,
        %mul3A_888 = vector.broadcast %squeeze3A_832 : f32 to vector<16xf32>
        %mul3A_889 = arith.mulf %get3A_887, %mul3A_888 : vector<16xf32>
        %swap3A_890 = arith.index_cast %add3A_836 : i32 to index
        %swap3A_891 = arith.constant 96 : index
        %swap3A_892 = tpu.vector_load %arg15[%swap3A_890, %swap3A_891] {strides = array<i32>} : memref<80x128xf32, #tpu.memory_space<vmem>>, vector<16xf32>,
        tpu.vector_store %arg15[%swap3A_890, %swap3A_891], %mul3A_889 {strides = array<i32>} : memref<80x128xf32, #tpu.memory_space<vmem>>, vector<16xf32>,
        %get3A_893 = arith.index_cast %add3A_836 : i32 to index
        %get3A_894 = arith.constant 112 : index
        %get3A_895 = tpu.vector_load %arg15[%get3A_893, %get3A_894] {strides = array<i32>} : memref<80x128xf32, #tpu.memory_space<vmem>>, vector<16xf32>,
        %mul3A_896 = vector.broadcast %squeeze3A_832 : f32 to vector<16xf32>
        %mul3A_897 = arith.mulf %get3A_895, %mul3A_896 : vector<16xf32>
        %swap3A_898 = arith.index_cast %add3A_836 : i32 to index
        %swap3A_899 = arith.constant 112 : index
        %swap3A_900 = tpu.vector_load %arg15[%swap3A_898, %swap3A_899] {strides = array<i32>} : memref<80x128xf32, #tpu.memory_space<vmem>>, vector<16xf32>,
        tpu.vector_store %arg15[%swap3A_898, %swap3A_899], %mul3A_897 {strides = array<i32>} : memref<80x128xf32, #tpu.memory_space<vmem>>, vector<16xf32>,
        %slice3A_901 = vector.extract_strided_slice %get3A_63 {offsets = [12], sizes = [1], strides = [1]} : vector<16xf32> to vector<1xf32>
        %squeeze3A_902 = vector.extract %slice3A_901[0] : f32 from vector<1xf32>
        %mul3A_903 = arith.constant 16 : i32
        %mul3A_904 = arith.muli %scan3A_60, %mul3A_903 : i32
        %add3A_905 = arith.constant 12 : i32
        %add3A_906 = arith.addi %mul3A_904, %add3A_905 : i32
        %get3A_907 = arith.index_cast %add3A_906 : i32 to index
        %get3A_908 = arith.constant 0 : index
        %get3A_909 = tpu.vector_load %arg15[%get3A_907, %get3A_908] {strides = array<i32>} : memref<80x128xf32, #tpu.memory_space<vmem>>, vector<16xf32>,
        %mul3A_910 = vector.broadcast %squeeze3A_902 : f32 to vector<16xf32>
        %mul3A_911 = arith.mulf %get3A_909, %mul3A_910 : vector<16xf32>
        %swap3A_912 = arith.index_cast %add3A_906 : i32 to index
        %swap3A_913 = arith.constant 0 : index
        %swap3A_914 = tpu.vector_load %arg15[%swap3A_912, %swap3A_913] {strides = array<i32>} : memref<80x128xf32, #tpu.memory_space<vmem>>, vector<16xf32>,
        tpu.vector_store %arg15[%swap3A_912, %swap3A_913], %mul3A_911 {strides = array<i32>} : memref<80x128xf32, #tpu.memory_space<vmem>>, vector<16xf32>,
        %get3A_915 = arith.index_cast %add3A_906 : i32 to index
        %get3A_916 = arith.constant 16 : index
        %get3A_917 = tpu.vector_load %arg15[%get3A_915, %get3A_916] {strides = array<i32>} : memref<80x128xf32, #tpu.memory_space<vmem>>, vector<16xf32>,
        %mul3A_918 = vector.broadcast %squeeze3A_902 : f32 to vector<16xf32>
        %mul3A_919 = arith.mulf %get3A_917, %mul3A_918 : vector<16xf32>
        %swap3A_920 = arith.index_cast %add3A_906 : i32 to index
        %swap3A_921 = arith.constant 16 : index
        %swap3A_922 = tpu.vector_load %arg15[%swap3A_920, %swap3A_921] {strides = array<i32>} : memref<80x128xf32, #tpu.memory_space<vmem>>, vector<16xf32>,
        tpu.vector_store %arg15[%swap3A_920, %swap3A_921], %mul3A_919 {strides = array<i32>} : memref<80x128xf32, #tpu.memory_space<vmem>>, vector<16xf32>,
        %get3A_923 = arith.index_cast %add3A_906 : i32 to index
        %get3A_924 = arith.constant 32 : index
        %get3A_925 = tpu.vector_load %arg15[%get3A_923, %get3A_924] {strides = array<i32>} : memref<80x128xf32, #tpu.memory_space<vmem>>, vector<16xf32>,
        %mul3A_926 = vector.broadcast %squeeze3A_902 : f32 to vector<16xf32>
        %mul3A_927 = arith.mulf %get3A_925, %mul3A_926 : vector<16xf32>
        %swap3A_928 = arith.index_cast %add3A_906 : i32 to index
        %swap3A_929 = arith.constant 32 : index
        %swap3A_930 = tpu.vector_load %arg15[%swap3A_928, %swap3A_929] {strides = array<i32>} : memref<80x128xf32, #tpu.memory_space<vmem>>, vector<16xf32>,
        tpu.vector_store %arg15[%swap3A_928, %swap3A_929], %mul3A_927 {strides = array<i32>} : memref<80x128xf32, #tpu.memory_space<vmem>>, vector<16xf32>,
        %get3A_931 = arith.index_cast %add3A_906 : i32 to index
        %get3A_932 = arith.constant 48 : index
        %get3A_933 = tpu.vector_load %arg15[%get3A_931, %get3A_932] {strides = array<i32>} : memref<80x128xf32, #tpu.memory_space<vmem>>, vector<16xf32>,
        %mul3A_934 = vector.broadcast %squeeze3A_902 : f32 to vector<16xf32>
        %mul3A_935 = arith.mulf %get3A_933, %mul3A_934 : vector<16xf32>
        %swap3A_936 = arith.index_cast %add3A_906 : i32 to index
        %swap3A_937 = arith.constant 48 : index
        %swap3A_938 = tpu.vector_load %arg15[%swap3A_936, %swap3A_937] {strides = array<i32>} : memref<80x128xf32, #tpu.memory_space<vmem>>, vector<16xf32>,
        tpu.vector_store %arg15[%swap3A_936, %swap3A_937], %mul3A_935 {strides = array<i32>} : memref<80x128xf32, #tpu.memory_space<vmem>>, vector<16xf32>,
        %get3A_939 = arith.index_cast %add3A_906 : i32 to index
        %get3A_940 = arith.constant 64 : index
        %get3A_941 = tpu.vector_load %arg15[%get3A_939, %get3A_940] {strides = array<i32>} : memref<80x128xf32, #tpu.memory_space<vmem>>, vector<16xf32>,
        %mul3A_942 = vector.broadcast %squeeze3A_902 : f32 to vector<16xf32>
        %mul3A_943 = arith.mulf %get3A_941, %mul3A_942 : vector<16xf32>
        %swap3A_944 = arith.index_cast %add3A_906 : i32 to index
        %swap3A_945 = arith.constant 64 : index
        %swap3A_946 = tpu.vector_load %arg15[%swap3A_944, %swap3A_945] {strides = array<i32>} : memref<80x128xf32, #tpu.memory_space<vmem>>, vector<16xf32>,
        tpu.vector_store %arg15[%swap3A_944, %swap3A_945], %mul3A_943 {strides = array<i32>} : memref<80x128xf32, #tpu.memory_space<vmem>>, vector<16xf32>,
        %get3A_947 = arith.index_cast %add3A_906 : i32 to index
        %get3A_948 = arith.constant 80 : index
        %get3A_949 = tpu.vector_load %arg15[%get3A_947, %get3A_948] {strides = array<i32>} : memref<80x128xf32, #tpu.memory_space<vmem>>, vector<16xf32>,
        %mul3A_950 = vector.broadcast %squeeze3A_902 : f32 to vector<16xf32>
        %mul3A_951 = arith.mulf %get3A_949, %mul3A_950 : vector<16xf32>
        %swap3A_952 = arith.index_cast %add3A_906 : i32 to index
        %swap3A_953 = arith.constant 80 : index
        %swap3A_954 = tpu.vector_load %arg15[%swap3A_952, %swap3A_953] {strides = array<i32>} : memref<80x128xf32, #tpu.memory_space<vmem>>, vector<16xf32>,
        tpu.vector_store %arg15[%swap3A_952, %swap3A_953], %mul3A_951 {strides = array<i32>} : memref<80x128xf32, #tpu.memory_space<vmem>>, vector<16xf32>,
        %get3A_955 = arith.index_cast %add3A_906 : i32 to index
        %get3A_956 = arith.constant 96 : index
        %get3A_957 = tpu.vector_load %arg15[%get3A_955, %get3A_956] {strides = array<i32>} : memref<80x128xf32, #tpu.memory_space<vmem>>, vector<16xf32>,
        %mul3A_958 = vector.broadcast %squeeze3A_902 : f32 to vector<16xf32>
        %mul3A_959 = arith.mulf %get3A_957, %mul3A_958 : vector<16xf32>
        %swap3A_960 = arith.index_cast %add3A_906 : i32 to index
        %swap3A_961 = arith.constant 96 : index
        %swap3A_962 = tpu.vector_load %arg15[%swap3A_960, %swap3A_961] {strides = array<i32>} : memref<80x128xf32, #tpu.memory_space<vmem>>, vector<16xf32>,
        tpu.vector_store %arg15[%swap3A_960, %swap3A_961], %mul3A_959 {strides = array<i32>} : memref<80x128xf32, #tpu.memory_space<vmem>>, vector<16xf32>,
        %get3A_963 = arith.index_cast %add3A_906 : i32 to index
        %get3A_964 = arith.constant 112 : index
        %get3A_965 = tpu.vector_load %arg15[%get3A_963, %get3A_964] {strides = array<i32>} : memref<80x128xf32, #tpu.memory_space<vmem>>, vector<16xf32>,
        %mul3A_966 = vector.broadcast %squeeze3A_902 : f32 to vector<16xf32>
        %mul3A_967 = arith.mulf %get3A_965, %mul3A_966 : vector<16xf32>
        %swap3A_968 = arith.index_cast %add3A_906 : i32 to index
        %swap3A_969 = arith.constant 112 : index
        %swap3A_970 = tpu.vector_load %arg15[%swap3A_968, %swap3A_969] {strides = array<i32>} : memref<80x128xf32, #tpu.memory_space<vmem>>, vector<16xf32>,
        tpu.vector_store %arg15[%swap3A_968, %swap3A_969], %mul3A_967 {strides = array<i32>} : memref<80x128xf32, #tpu.memory_space<vmem>>, vector<16xf32>,
        %slice3A_971 = vector.extract_strided_slice %get3A_63 {offsets = [13], sizes = [1], strides = [1]} : vector<16xf32> to vector<1xf32>
        %squeeze3A_972 = vector.extract %slice3A_971[0] : f32 from vector<1xf32>
        %mul3A_973 = arith.constant 16 : i32
        %mul3A_974 = arith.muli %scan3A_60, %mul3A_973 : i32
        %add3A_975 = arith.constant 13 : i32
        %add3A_976 = arith.addi %mul3A_974, %add3A_975 : i32
        %get3A_977 = arith.index_cast %add3A_976 : i32 to index
        %get3A_978 = arith.constant 0 : index
        %get3A_979 = tpu.vector_load %arg15[%get3A_977, %get3A_978] {strides = array<i32>} : memref<80x128xf32, #tpu.memory_space<vmem>>, vector<16xf32>,
        %mul3A_980 = vector.broadcast %squeeze3A_972 : f32 to vector<16xf32>
        %mul3A_981 = arith.mulf %get3A_979, %mul3A_980 : vector<16xf32>
        %swap3A_982 = arith.index_cast %add3A_976 : i32 to index
        %swap3A_983 = arith.constant 0 : index
        %swap3A_984 = tpu.vector_load %arg15[%swap3A_982, %swap3A_983] {strides = array<i32>} : memref<80x128xf32, #tpu.memory_space<vmem>>, vector<16xf32>,
        tpu.vector_store %arg15[%swap3A_982, %swap3A_983], %mul3A_981 {strides = array<i32>} : memref<80x128xf32, #tpu.memory_space<vmem>>, vector<16xf32>,
        %get3A_985 = arith.index_cast %add3A_976 : i32 to index
        %get3A_986 = arith.constant 16 : index
        %get3A_987 = tpu.vector_load %arg15[%get3A_985, %get3A_986] {strides = array<i32>} : memref<80x128xf32, #tpu.memory_space<vmem>>, vector<16xf32>,
        %mul3A_988 = vector.broadcast %squeeze3A_972 : f32 to vector<16xf32>
        %mul3A_989 = arith.mulf %get3A_987, %mul3A_988 : vector<16xf32>
        %swap3A_990 = arith.index_cast %add3A_976 : i32 to index
        %swap3A_991 = arith.constant 16 : index
        %swap3A_992 = tpu.vector_load %arg15[%swap3A_990, %swap3A_991] {strides = array<i32>} : memref<80x128xf32, #tpu.memory_space<vmem>>, vector<16xf32>,
        tpu.vector_store %arg15[%swap3A_990, %swap3A_991], %mul3A_989 {strides = array<i32>} : memref<80x128xf32, #tpu.memory_space<vmem>>, vector<16xf32>,
        %get3A_993 = arith.index_cast %add3A_976 : i32 to index
        %get3A_994 = arith.constant 32 : index
        %get3A_995 = tpu.vector_load %arg15[%get3A_993, %get3A_994] {strides = array<i32>} : memref<80x128xf32, #tpu.memory_space<vmem>>, vector<16xf32>,
        %mul3A_996 = vector.broadcast %squeeze3A_972 : f32 to vector<16xf32>
        %mul3A_997 = arith.mulf %get3A_995, %mul3A_996 : vector<16xf32>
        %swap3A_998 = arith.index_cast %add3A_976 : i32 to index
        %swap3A_999 = arith.constant 32 : index
        %swap3A_1000 = tpu.vector_load %arg15[%swap3A_998, %swap3A_999] {strides = array<i32>} : memref<80x128xf32, #tpu.memory_space<vmem>>, vector<16xf32>,
        tpu.vector_store %arg15[%swap3A_998, %swap3A_999], %mul3A_997 {strides = array<i32>} : memref<80x128xf32, #tpu.memory_space<vmem>>, vector<16xf32>,
        %get3A_1001 = arith.index_cast %add3A_976 : i32 to index
        %get3A_1002 = arith.constant 48 : index
        %get3A_1003 = tpu.vector_load %arg15[%get3A_1001, %get3A_1002] {strides = array<i32>} : memref<80x128xf32, #tpu.memory_space<vmem>>, vector<16xf32>,
        %mul3A_1004 = vector.broadcast %squeeze3A_972 : f32 to vector<16xf32>
        %mul3A_1005 = arith.mulf %get3A_1003, %mul3A_1004 : vector<16xf32>
        %swap3A_1006 = arith.index_cast %add3A_976 : i32 to index
        %swap3A_1007 = arith.constant 48 : index
        %swap3A_1008 = tpu.vector_load %arg15[%swap3A_1006, %swap3A_1007] {strides = array<i32>} : memref<80x128xf32, #tpu.memory_space<vmem>>, vector<16xf32>,
        tpu.vector_store %arg15[%swap3A_1006, %swap3A_1007], %mul3A_1005 {strides = array<i32>} : memref<80x128xf32, #tpu.memory_space<vmem>>, vector<16xf32>,
        %get3A_1009 = arith.index_cast %add3A_976 : i32 to index
        %get3A_1010 = arith.constant 64 : index
        %get3A_1011 = tpu.vector_load %arg15[%get3A_1009, %get3A_1010] {strides = array<i32>} : memref<80x128xf32, #tpu.memory_space<vmem>>, vector<16xf32>,
        %mul3A_1012 = vector.broadcast %squeeze3A_972 : f32 to vector<16xf32>
        %mul3A_1013 = arith.mulf %get3A_1011, %mul3A_1012 : vector<16xf32>
        %swap3A_1014 = arith.index_cast %add3A_976 : i32 to index
        %swap3A_1015 = arith.constant 64 : index
        %swap3A_1016 = tpu.vector_load %arg15[%swap3A_1014, %swap3A_1015] {strides = array<i32>} : memref<80x128xf32, #tpu.memory_space<vmem>>, vector<16xf32>,
        tpu.vector_store %arg15[%swap3A_1014, %swap3A_1015], %mul3A_1013 {strides = array<i32>} : memref<80x128xf32, #tpu.memory_space<vmem>>, vector<16xf32>,
        %get3A_1017 = arith.index_cast %add3A_976 : i32 to index
        %get3A_1018 = arith.constant 80 : index
        %get3A_1019 = tpu.vector_load %arg15[%get3A_1017, %get3A_1018] {strides = array<i32>} : memref<80x128xf32, #tpu.memory_space<vmem>>, vector<16xf32>,
        %mul3A_1020 = vector.broadcast %squeeze3A_972 : f32 to vector<16xf32>
        %mul3A_1021 = arith.mulf %get3A_1019, %mul3A_1020 : vector<16xf32>
        %swap3A_1022 = arith.index_cast %add3A_976 : i32 to index
        %swap3A_1023 = arith.constant 80 : index
        %swap3A_1024 = tpu.vector_load %arg15[%swap3A_1022, %swap3A_1023] {strides = array<i32>} : memref<80x128xf32, #tpu.memory_space<vmem>>, vector<16xf32>,
        tpu.vector_store %arg15[%swap3A_1022, %swap3A_1023], %mul3A_1021 {strides = array<i32>} : memref<80x128xf32, #tpu.memory_space<vmem>>, vector<16xf32>,
        %get3A_1025 = arith.index_cast %add3A_976 : i32 to index
        %get3A_1026 = arith.constant 96 : index
        %get3A_1027 = tpu.vector_load %arg15[%get3A_1025, %get3A_1026] {strides = array<i32>} : memref<80x128xf32, #tpu.memory_space<vmem>>, vector<16xf32>,
        %mul3A_1028 = vector.broadcast %squeeze3A_972 : f32 to vector<16xf32>
        %mul3A_1029 = arith.mulf %get3A_1027, %mul3A_1028 : vector<16xf32>
        %swap3A_1030 = arith.index_cast %add3A_976 : i32 to index
        %swap3A_1031 = arith.constant 96 : index
        %swap3A_1032 = tpu.vector_load %arg15[%swap3A_1030, %swap3A_1031] {strides = array<i32>} : memref<80x128xf32, #tpu.memory_space<vmem>>, vector<16xf32>,
        tpu.vector_store %arg15[%swap3A_1030, %swap3A_1031], %mul3A_1029 {strides = array<i32>} : memref<80x128xf32, #tpu.memory_space<vmem>>, vector<16xf32>,
        %get3A_1033 = arith.index_cast %add3A_976 : i32 to index
        %get3A_1034 = arith.constant 112 : index
        %get3A_1035 = tpu.vector_load %arg15[%get3A_1033, %get3A_1034] {strides = array<i32>} : memref<80x128xf32, #tpu.memory_space<vmem>>, vector<16xf32>,
        %mul3A_1036 = vector.broadcast %squeeze3A_972 : f32 to vector<16xf32>
        %mul3A_1037 = arith.mulf %get3A_1035, %mul3A_1036 : vector<16xf32>
        %swap3A_1038 = arith.index_cast %add3A_976 : i32 to index
        %swap3A_1039 = arith.constant 112 : index
        %swap3A_1040 = tpu.vector_load %arg15[%swap3A_1038, %swap3A_1039] {strides = array<i32>} : memref<80x128xf32, #tpu.memory_space<vmem>>, vector<16xf32>,
        tpu.vector_store %arg15[%swap3A_1038, %swap3A_1039], %mul3A_1037 {strides = array<i32>} : memref<80x128xf32, #tpu.memory_space<vmem>>, vector<16xf32>,
        %slice3A_1041 = vector.extract_strided_slice %get3A_63 {offsets = [14], sizes = [1], strides = [1]} : vector<16xf32> to vector<1xf32>
        %squeeze3A_1042 = vector.extract %slice3A_1041[0] : f32 from vector<1xf32>
        %mul3A_1043 = arith.constant 16 : i32
        %mul3A_1044 = arith.muli %scan3A_60, %mul3A_1043 : i32
        %add3A_1045 = arith.constant 14 : i32
        %add3A_1046 = arith.addi %mul3A_1044, %add3A_1045 : i32
        %get3A_1047 = arith.index_cast %add3A_1046 : i32 to index
        %get3A_1048 = arith.constant 0 : index
        %get3A_1049 = tpu.vector_load %arg15[%get3A_1047, %get3A_1048] {strides = array<i32>} : memref<80x128xf32, #tpu.memory_space<vmem>>, vector<16xf32>,
        %mul3A_1050 = vector.broadcast %squeeze3A_1042 : f32 to vector<16xf32>
        %mul3A_1051 = arith.mulf %get3A_1049, %mul3A_1050 : vector<16xf32>
        %swap3A_1052 = arith.index_cast %add3A_1046 : i32 to index
        %swap3A_1053 = arith.constant 0 : index
        %swap3A_1054 = tpu.vector_load %arg15[%swap3A_1052, %swap3A_1053] {strides = array<i32>} : memref<80x128xf32, #tpu.memory_space<vmem>>, vector<16xf32>,
        tpu.vector_store %arg15[%swap3A_1052, %swap3A_1053], %mul3A_1051 {strides = array<i32>} : memref<80x128xf32, #tpu.memory_space<vmem>>, vector<16xf32>,
        %get3A_1055 = arith.index_cast %add3A_1046 : i32 to index
        %get3A_1056 = arith.constant 16 : index
        %get3A_1057 = tpu.vector_load %arg15[%get3A_1055, %get3A_1056] {strides = array<i32>} : memref<80x128xf32, #tpu.memory_space<vmem>>, vector<16xf32>,
        %mul3A_1058 = vector.broadcast %squeeze3A_1042 : f32 to vector<16xf32>
        %mul3A_1059 = arith.mulf %get3A_1057, %mul3A_1058 : vector<16xf32>
        %swap3A_1060 = arith.index_cast %add3A_1046 : i32 to index
        %swap3A_1061 = arith.constant 16 : index
        %swap3A_1062 = tpu.vector_load %arg15[%swap3A_1060, %swap3A_1061] {strides = array<i32>} : memref<80x128xf32, #tpu.memory_space<vmem>>, vector<16xf32>,
        tpu.vector_store %arg15[%swap3A_1060, %swap3A_1061], %mul3A_1059 {strides = array<i32>} : memref<80x128xf32, #tpu.memory_space<vmem>>, vector<16xf32>,
        %get3A_1063 = arith.index_cast %add3A_1046 : i32 to index
        %get3A_1064 = arith.constant 32 : index
        %get3A_1065 = tpu.vector_load %arg15[%get3A_1063, %get3A_1064] {strides = array<i32>} : memref<80x128xf32, #tpu.memory_space<vmem>>, vector<16xf32>,
        %mul3A_1066 = vector.broadcast %squeeze3A_1042 : f32 to vector<16xf32>
        %mul3A_1067 = arith.mulf %get3A_1065, %mul3A_1066 : vector<16xf32>
        %swap3A_1068 = arith.index_cast %add3A_1046 : i32 to index
        %swap3A_1069 = arith.constant 32 : index
        %swap3A_1070 = tpu.vector_load %arg15[%swap3A_1068, %swap3A_1069] {strides = array<i32>} : memref<80x128xf32, #tpu.memory_space<vmem>>, vector<16xf32>,
        tpu.vector_store %arg15[%swap3A_1068, %swap3A_1069], %mul3A_1067 {strides = array<i32>} : memref<80x128xf32, #tpu.memory_space<vmem>>, vector<16xf32>,
        %get3A_1071 = arith.index_cast %add3A_1046 : i32 to index
        %get3A_1072 = arith.constant 48 : index
        %get3A_1073 = tpu.vector_load %arg15[%get3A_1071, %get3A_1072] {strides = array<i32>} : memref<80x128xf32, #tpu.memory_space<vmem>>, vector<16xf32>,
        %mul3A_1074 = vector.broadcast %squeeze3A_1042 : f32 to vector<16xf32>
        %mul3A_1075 = arith.mulf %get3A_1073, %mul3A_1074 : vector<16xf32>
        %swap3A_1076 = arith.index_cast %add3A_1046 : i32 to index
        %swap3A_1077 = arith.constant 48 : index
        %swap3A_1078 = tpu.vector_load %arg15[%swap3A_1076, %swap3A_1077] {strides = array<i32>} : memref<80x128xf32, #tpu.memory_space<vmem>>, vector<16xf32>,
        tpu.vector_store %arg15[%swap3A_1076, %swap3A_1077], %mul3A_1075 {strides = array<i32>} : memref<80x128xf32, #tpu.memory_space<vmem>>, vector<16xf32>,
        %get3A_1079 = arith.index_cast %add3A_1046 : i32 to index
        %get3A_1080 = arith.constant 64 : index
        %get3A_1081 = tpu.vector_load %arg15[%get3A_1079, %get3A_1080] {strides = array<i32>} : memref<80x128xf32, #tpu.memory_space<vmem>>, vector<16xf32>,
        %mul3A_1082 = vector.broadcast %squeeze3A_1042 : f32 to vector<16xf32>
        %mul3A_1083 = arith.mulf %get3A_1081, %mul3A_1082 : vector<16xf32>
        %swap3A_1084 = arith.index_cast %add3A_1046 : i32 to index
        %swap3A_1085 = arith.constant 64 : index
        %swap3A_1086 = tpu.vector_load %arg15[%swap3A_1084, %swap3A_1085] {strides = array<i32>} : memref<80x128xf32, #tpu.memory_space<vmem>>, vector<16xf32>,
        tpu.vector_store %arg15[%swap3A_1084, %swap3A_1085], %mul3A_1083 {strides = array<i32>} : memref<80x128xf32, #tpu.memory_space<vmem>>, vector<16xf32>,
        %get3A_1087 = arith.index_cast %add3A_1046 : i32 to index
        %get3A_1088 = arith.constant 80 : index
        %get3A_1089 = tpu.vector_load %arg15[%get3A_1087, %get3A_1088] {strides = array<i32>} : memref<80x128xf32, #tpu.memory_space<vmem>>, vector<16xf32>,
        %mul3A_1090 = vector.broadcast %squeeze3A_1042 : f32 to vector<16xf32>
        %mul3A_1091 = arith.mulf %get3A_1089, %mul3A_1090 : vector<16xf32>
        %swap3A_1092 = arith.index_cast %add3A_1046 : i32 to index
        %swap3A_1093 = arith.constant 80 : index
        %swap3A_1094 = tpu.vector_load %arg15[%swap3A_1092, %swap3A_1093] {strides = array<i32>} : memref<80x128xf32, #tpu.memory_space<vmem>>, vector<16xf32>,
        tpu.vector_store %arg15[%swap3A_1092, %swap3A_1093], %mul3A_1091 {strides = array<i32>} : memref<80x128xf32, #tpu.memory_space<vmem>>, vector<16xf32>,
        %get3A_1095 = arith.index_cast %add3A_1046 : i32 to index
        %get3A_1096 = arith.constant 96 : index
        %get3A_1097 = tpu.vector_load %arg15[%get3A_1095, %get3A_1096] {strides = array<i32>} : memref<80x128xf32, #tpu.memory_space<vmem>>, vector<16xf32>,
        %mul3A_1098 = vector.broadcast %squeeze3A_1042 : f32 to vector<16xf32>
        %mul3A_1099 = arith.mulf %get3A_1097, %mul3A_1098 : vector<16xf32>
        %swap3A_1100 = arith.index_cast %add3A_1046 : i32 to index
        %swap3A_1101 = arith.constant 96 : index
        %swap3A_1102 = tpu.vector_load %arg15[%swap3A_1100, %swap3A_1101] {strides = array<i32>} : memref<80x128xf32, #tpu.memory_space<vmem>>, vector<16xf32>,
        tpu.vector_store %arg15[%swap3A_1100, %swap3A_1101], %mul3A_1099 {strides = array<i32>} : memref<80x128xf32, #tpu.memory_space<vmem>>, vector<16xf32>,
        %get3A_1103 = arith.index_cast %add3A_1046 : i32 to index
        %get3A_1104 = arith.constant 112 : index
        %get3A_1105 = tpu.vector_load %arg15[%get3A_1103, %get3A_1104] {strides = array<i32>} : memref<80x128xf32, #tpu.memory_space<vmem>>, vector<16xf32>,
        %mul3A_1106 = vector.broadcast %squeeze3A_1042 : f32 to vector<16xf32>
        %mul3A_1107 = arith.mulf %get3A_1105, %mul3A_1106 : vector<16xf32>
        %swap3A_1108 = arith.index_cast %add3A_1046 : i32 to index
        %swap3A_1109 = arith.constant 112 : index
        %swap3A_1110 = tpu.vector_load %arg15[%swap3A_1108, %swap3A_1109] {strides = array<i32>} : memref<80x128xf32, #tpu.memory_space<vmem>>, vector<16xf32>,
        tpu.vector_store %arg15[%swap3A_1108, %swap3A_1109], %mul3A_1107 {strides = array<i32>} : memref<80x128xf32, #tpu.memory_space<vmem>>, vector<16xf32>,
        %slice3A_1111 = vector.extract_strided_slice %get3A_63 {offsets = [15], sizes = [1], strides = [1]} : vector<16xf32> to vector<1xf32>
        %squeeze3A_1112 = vector.extract %slice3A_1111[0] : f32 from vector<1xf32>
        %mul3A_1113 = arith.constant 16 : i32
        %mul3A_1114 = arith.muli %scan3A_60, %mul3A_1113 : i32
        %add3A_1115 = arith.constant 15 : i32
        %add3A_1116 = arith.addi %mul3A_1114, %add3A_1115 : i32
        %get3A_1117 = arith.index_cast %add3A_1116 : i32 to index
        %get3A_1118 = arith.constant 0 : index
        %get3A_1119 = tpu.vector_load %arg15[%get3A_1117, %get3A_1118] {strides = array<i32>} : memref<80x128xf32, #tpu.memory_space<vmem>>, vector<16xf32>,
        %mul3A_1120 = vector.broadcast %squeeze3A_1112 : f32 to vector<16xf32>
        %mul3A_1121 = arith.mulf %get3A_1119, %mul3A_1120 : vector<16xf32>
        %swap3A_1122 = arith.index_cast %add3A_1116 : i32 to index
        %swap3A_1123 = arith.constant 0 : index
        %swap3A_1124 = tpu.vector_load %arg15[%swap3A_1122, %swap3A_1123] {strides = array<i32>} : memref<80x128xf32, #tpu.memory_space<vmem>>, vector<16xf32>,
        tpu.vector_store %arg15[%swap3A_1122, %swap3A_1123], %mul3A_1121 {strides = array<i32>} : memref<80x128xf32, #tpu.memory_space<vmem>>, vector<16xf32>,
        %get3A_1125 = arith.index_cast %add3A_1116 : i32 to index
        %get3A_1126 = arith.constant 16 : index
        %get3A_1127 = tpu.vector_load %arg15[%get3A_1125, %get3A_1126] {strides = array<i32>} : memref<80x128xf32, #tpu.memory_space<vmem>>, vector<16xf32>,
        %mul3A_1128 = vector.broadcast %squeeze3A_1112 : f32 to vector<16xf32>
        %mul3A_1129 = arith.mulf %get3A_1127, %mul3A_1128 : vector<16xf32>
        %swap3A_1130 = arith.index_cast %add3A_1116 : i32 to index
        %swap3A_1131 = arith.constant 16 : index
        %swap3A_1132 = tpu.vector_load %arg15[%swap3A_1130, %swap3A_1131] {strides = array<i32>} : memref<80x128xf32, #tpu.memory_space<vmem>>, vector<16xf32>,
        tpu.vector_store %arg15[%swap3A_1130, %swap3A_1131], %mul3A_1129 {strides = array<i32>} : memref<80x128xf32, #tpu.memory_space<vmem>>, vector<16xf32>,
        %get3A_1133 = arith.index_cast %add3A_1116 : i32 to index
        %get3A_1134 = arith.constant 32 : index
        %get3A_1135 = tpu.vector_load %arg15[%get3A_1133, %get3A_1134] {strides = array<i32>} : memref<80x128xf32, #tpu.memory_space<vmem>>, vector<16xf32>,
        %mul3A_1136 = vector.broadcast %squeeze3A_1112 : f32 to vector<16xf32>
        %mul3A_1137 = arith.mulf %get3A_1135, %mul3A_1136 : vector<16xf32>
        %swap3A_1138 = arith.index_cast %add3A_1116 : i32 to index
        %swap3A_1139 = arith.constant 32 : index
        %swap3A_1140 = tpu.vector_load %arg15[%swap3A_1138, %swap3A_1139] {strides = array<i32>} : memref<80x128xf32, #tpu.memory_space<vmem>>, vector<16xf32>,
        tpu.vector_store %arg15[%swap3A_1138, %swap3A_1139], %mul3A_1137 {strides = array<i32>} : memref<80x128xf32, #tpu.memory_space<vmem>>, vector<16xf32>,
        %get3A_1141 = arith.index_cast %add3A_1116 : i32 to index
        %get3A_1142 = arith.constant 48 : index
        %get3A_1143 = tpu.vector_load %arg15[%get3A_1141, %get3A_1142] {strides = array<i32>} : memref<80x128xf32, #tpu.memory_space<vmem>>, vector<16xf32>,
        %mul3A_1144 = vector.broadcast %squeeze3A_1112 : f32 to vector<16xf32>
        %mul3A_1145 = arith.mulf %get3A_1143, %mul3A_1144 : vector<16xf32>
        %swap3A_1146 = arith.index_cast %add3A_1116 : i32 to index
        %swap3A_1147 = arith.constant 48 : index
        %swap3A_1148 = tpu.vector_load %arg15[%swap3A_1146, %swap3A_1147] {strides = array<i32>} : memref<80x128xf32, #tpu.memory_space<vmem>>, vector<16xf32>,
        tpu.vector_store %arg15[%swap3A_1146, %swap3A_1147], %mul3A_1145 {strides = array<i32>} : memref<80x128xf32, #tpu.memory_space<vmem>>, vector<16xf32>,
        %get3A_1149 = arith.index_cast %add3A_1116 : i32 to index
        %get3A_1150 = arith.constant 64 : index
        %get3A_1151 = tpu.vector_load %arg15[%get3A_1149, %get3A_1150] {strides = array<i32>} : memref<80x128xf32, #tpu.memory_space<vmem>>, vector<16xf32>,
        %mul3A_1152 = vector.broadcast %squeeze3A_1112 : f32 to vector<16xf32>
        %mul3A_1153 = arith.mulf %get3A_1151, %mul3A_1152 : vector<16xf32>
        %swap3A_1154 = arith.index_cast %add3A_1116 : i32 to index
        %swap3A_1155 = arith.constant 64 : index
        %swap3A_1156 = tpu.vector_load %arg15[%swap3A_1154, %swap3A_1155] {strides = array<i32>} : memref<80x128xf32, #tpu.memory_space<vmem>>, vector<16xf32>,
        tpu.vector_store %arg15[%swap3A_1154, %swap3A_1155], %mul3A_1153 {strides = array<i32>} : memref<80x128xf32, #tpu.memory_space<vmem>>, vector<16xf32>,
        %get3A_1157 = arith.index_cast %add3A_1116 : i32 to index
        %get3A_1158 = arith.constant 80 : index
        %get3A_1159 = tpu.vector_load %arg15[%get3A_1157, %get3A_1158] {strides = array<i32>} : memref<80x128xf32, #tpu.memory_space<vmem>>, vector<16xf32>,
        %mul3A_1160 = vector.broadcast %squeeze3A_1112 : f32 to vector<16xf32>
        %mul3A_1161 = arith.mulf %get3A_1159, %mul3A_1160 : vector<16xf32>
        %swap3A_1162 = arith.index_cast %add3A_1116 : i32 to index
        %swap3A_1163 = arith.constant 80 : index
        %swap3A_1164 = tpu.vector_load %arg15[%swap3A_1162, %swap3A_1163] {strides = array<i32>} : memref<80x128xf32, #tpu.memory_space<vmem>>, vector<16xf32>,
        tpu.vector_store %arg15[%swap3A_1162, %swap3A_1163], %mul3A_1161 {strides = array<i32>} : memref<80x128xf32, #tpu.memory_space<vmem>>, vector<16xf32>,
        %get3A_1165 = arith.index_cast %add3A_1116 : i32 to index
        %get3A_1166 = arith.constant 96 : index
        %get3A_1167 = tpu.vector_load %arg15[%get3A_1165, %get3A_1166] {strides = array<i32>} : memref<80x128xf32, #tpu.memory_space<vmem>>, vector<16xf32>,
        %mul3A_1168 = vector.broadcast %squeeze3A_1112 : f32 to vector<16xf32>
        %mul3A_1169 = arith.mulf %get3A_1167, %mul3A_1168 : vector<16xf32>
        %swap3A_1170 = arith.index_cast %add3A_1116 : i32 to index
        %swap3A_1171 = arith.constant 96 : index
        %swap3A_1172 = tpu.vector_load %arg15[%swap3A_1170, %swap3A_1171] {strides = array<i32>} : memref<80x128xf32, #tpu.memory_space<vmem>>, vector<16xf32>,
        tpu.vector_store %arg15[%swap3A_1170, %swap3A_1171], %mul3A_1169 {strides = array<i32>} : memref<80x128xf32, #tpu.memory_space<vmem>>, vector<16xf32>,
        %get3A_1173 = arith.index_cast %add3A_1116 : i32 to index
        %get3A_1174 = arith.constant 112 : index
        %get3A_1175 = tpu.vector_load %arg15[%get3A_1173, %get3A_1174] {strides = array<i32>} : memref<80x128xf32, #tpu.memory_space<vmem>>, vector<16xf32>,
        %mul3A_1176 = vector.broadcast %squeeze3A_1112 : f32 to vector<16xf32>
        %mul3A_1177 = arith.mulf %get3A_1175, %mul3A_1176 : vector<16xf32>
        %swap3A_1178 = arith.index_cast %add3A_1116 : i32 to index
        %swap3A_1179 = arith.constant 112 : index
        %swap3A_1180 = tpu.vector_load %arg15[%swap3A_1178, %swap3A_1179] {strides = array<i32>} : memref<80x128xf32, #tpu.memory_space<vmem>>, vector<16xf32>,
        tpu.vector_store %arg15[%swap3A_1178, %swap3A_1179], %mul3A_1177 {strides = array<i32>} : memref<80x128xf32, #tpu.memory_space<vmem>>, vector<16xf32>,
      }
      %scan3A_59 = arith.constant 5 : i32
      "tpu.region"() ({
        %run_scoped3A = tpu.sem_alloc : memref<!tpu.dma_semaphore, #tpu.memory_space<semaphore_mem>>
        %dma_start3A_60 = arith.constant 0 : i32
        %dma_start3A_61 = arith.constant 0 : i32
        %dma_start3A_62 = tpu.memref_slice %arg16[%dma_start3A_60, %dma_start3A_61] : memref<10240x128xf32, #tpu.memory_space<vmem_shared>> -> memref<10240x128xf32, #tpu.memory_space<vmem_shared>>
        tpu.enqueue_indirect_dma source(%arg15 : memref<80x128xf32, #tpu.memory_space<vmem>>) target(%dma_start3A_62 : memref<10240x128xf32, #tpu.memory_space<vmem_shared>>) offsets(%arg13 : memref<80xi32, #tpu.memory_space<vmem>>) semaphore(%run_scoped3A : memref<!tpu.dma_semaphore, #tpu.memory_space<semaphore_mem>>) {add = true}
        %dma_wait3A_63 = arith.constant 0 : i32
        %dma_wait3A_64 = arith.constant 0 : i32
        %dma_wait3A_65 = tpu.memref_slice %arg16[%dma_wait3A_63, %dma_wait3A_64] : memref<10240x128xf32, #tpu.memory_space<vmem_shared>> -> memref<10240x128xf32, #tpu.memory_space<vmem_shared>>
        tpu.wait_indirect_dma semaphore(%run_scoped3A : memref<!tpu.dma_semaphore, #tpu.memory_space<semaphore_mem>>) src(%arg15 : memref<80x128xf32, #tpu.memory_space<vmem>>) dst(%dma_wait3A_65 : memref<10240x128xf32, #tpu.memory_space<vmem_shared>>)
        tpu.yield
      }) : () -> ()
    }
    %scan3A_38 = arith.constant 125 : i32
    "tpu.region"() ({
      %run_scoped3A = tpu.sem_alloc : memref<!tpu.dma_semaphore, #tpu.memory_space<semaphore_mem>>
      %dma_start3A = arith.constant 0 : i32
      %dma_start3A_40 = tpu.memref_slice %arg8[%add3A, %dma_start3A] : memref<32x10240xf32, #tpu.memory_space<hbm>> -> memref<1x10240xf32, #tpu.memory_space<hbm>>
      %dma_start3A_41 = tpu.memref_squeeze %dma_start3A_40 : memref<1x10240xf32, #tpu.memory_space<hbm>> -> memref<10240xf32, #tpu.memory_space<hbm>>
      %dma_start3A_42 = arith.constant 0 : i32
      %dma_start3A_43 = tpu.memref_slice %arg8[%add3A, %dma_start3A_42] : memref<32x10240xf32, #tpu.memory_space<hbm>> -> memref<1x10240xf32, #tpu.memory_space<hbm>>
      %dma_start3A_44 = tpu.memref_squeeze %dma_start3A_43 : memref<1x10240xf32, #tpu.memory_space<hbm>> -> memref<10240xf32, #tpu.memory_space<hbm>>
      tpu.enqueue_dma source(%arg11 : memref<10240xf32, #tpu.memory_space<vmem>>) target(%dma_start3A_44 : memref<10240xf32, #tpu.memory_space<hbm>>) target_semaphore(%run_scoped3A : memref<!tpu.dma_semaphore, #tpu.memory_space<semaphore_mem>>)
      %dma_wait3A = arith.constant 0 : i32
      %dma_wait3A_45 = tpu.memref_slice %arg8[%add3A, %dma_wait3A] : memref<32x10240xf32, #tpu.memory_space<hbm>> -> memref<1x10240xf32, #tpu.memory_space<hbm>>
      %dma_wait3A_46 = tpu.memref_squeeze %dma_wait3A_45 : memref<1x10240xf32, #tpu.memory_space<hbm>> -> memref<10240xf32, #tpu.memory_space<hbm>>
      %dma_wait3A_47 = arith.constant 0 : i32
      %dma_wait3A_48 = tpu.memref_slice %arg8[%add3A, %dma_wait3A_47] : memref<32x10240xf32, #tpu.memory_space<hbm>> -> memref<1x10240xf32, #tpu.memory_space<hbm>>
      %dma_wait3A_49 = tpu.memref_squeeze %dma_wait3A_48 : memref<1x10240xf32, #tpu.memory_space<hbm>> -> memref<10240xf32, #tpu.memory_space<hbm>>
      tpu.wait_dma2 semaphore(%run_scoped3A : memref<!tpu.dma_semaphore, #tpu.memory_space<semaphore_mem>>) src(%arg11 : memref<10240xf32, #tpu.memory_space<vmem>>) dst(%dma_wait3A_49 : memref<10240xf32, #tpu.memory_space<hbm>>)
      tpu.yield
    }) : () -> ()
    %barrier3A_39 = arith.constant 0 : index
    tpu.barrier barrier_id(%barrier3A_39)
    "tpu.region"() ({
      %run_scoped3A = tpu.sem_alloc : memref<!tpu.dma_semaphore, #tpu.memory_space<semaphore_mem>>
      %dma_start3A = arith.constant 0 : i32
      %dma_start3A_40 = tpu.memref_slice %arg7[%arg0, %mul3A_14, %dma_start3A] : memref<2x10240x128xf32, #tpu.memory_space<hbm>> -> memref<1x640x128xf32, #tpu.memory_space<hbm>>
      %dma_start3A_41 = tpu.memref_squeeze %dma_start3A_40 : memref<1x640x128xf32, #tpu.memory_space<hbm>> -> memref<640x128xf32, #tpu.memory_space<hbm>>
      %dma_start3A_42 = arith.constant 0 : i32
      %dma_start3A_43 = tpu.memref_slice %arg16[%mul3A_14, %dma_start3A_42] : memref<10240x128xf32, #tpu.memory_space<vmem_shared>> -> memref<640x128xf32, #tpu.memory_space<vmem_shared>>
      tpu.enqueue_dma source(%dma_start3A_43 : memref<640x128xf32, #tpu.memory_space<vmem_shared>>) target(%dma_start3A_41 : memref<640x128xf32, #tpu.memory_space<hbm>>) target_semaphore(%run_scoped3A : memref<!tpu.dma_semaphore, #tpu.memory_space<semaphore_mem>>)
      %dma_wait3A = arith.constant 0 : i32
      %dma_wait3A_44 = tpu.memref_slice %arg7[%arg0, %mul3A_14, %dma_wait3A] : memref<2x10240x128xf32, #tpu.memory_space<hbm>> -> memref<1x640x128xf32, #tpu.memory_space<hbm>>
      %dma_wait3A_45 = tpu.memref_squeeze %dma_wait3A_44 : memref<1x640x128xf32, #tpu.memory_space<hbm>> -> memref<640x128xf32, #tpu.memory_space<hbm>>
      %dma_wait3A_46 = arith.constant 0 : i32
      %dma_wait3A_47 = tpu.memref_slice %arg16[%mul3A_14, %dma_wait3A_46] : memref<10240x128xf32, #tpu.memory_space<vmem_shared>> -> memref<640x128xf32, #tpu.memory_space<vmem_shared>>
      tpu.wait_dma2 semaphore(%run_scoped3A : memref<!tpu.dma_semaphore, #tpu.memory_space<semaphore_mem>>) src(%dma_wait3A_47 : memref<640x128xf32, #tpu.memory_space<vmem_shared>>) dst(%dma_wait3A_45 : memref<640x128xf32, #tpu.memory_space<hbm>>)
      tpu.yield
    }) : () -> ()
    return
  }
}

module attributes {stable_mosaic.version = 14 : i64} {
  func.func @_tc1_body(%arg0: memref<10000x128xf32, #tpu.memory_space<vmem>>, %arg1: memref<128x128xf32, #tpu.memory_space<vmem>>, %arg2: memref<128x8xf32, #tpu.memory_space<vmem>>, %arg3: memref<10000x128xf32, #tpu.memory_space<vmem>>, %arg4: memref<10000x8xf32, #tpu.memory_space<vmem>>) attributes {dimension_semantics = [], scalar_prefetch = 0 : i64, scratch_operands = 0 : i64, tpu.core_type = #tpu.core_type<tc>} {
    %get3A = arith.constant 0 : index
    %get3A_0 = arith.constant 0 : index
    %get3A_1 = vector.load %arg0[%get3A, %get3A_0] : memref<10000x128xf32, #tpu.memory_space<vmem>>, vector<10000x128xf32>
    %get3A_2 = arith.constant 0 : index
    %get3A_3 = arith.constant 0 : index
    %get3A_4 = vector.load %arg1[%get3A_2, %get3A_3] : memref<128x128xf32, #tpu.memory_space<vmem>>, vector<128x128xf32>
    %dot_general3A = arith.constant dense<0.000000e+00> : vector<10000x128xf32>
    %dot_general3A_5 = tpu.matmul %get3A_1, %get3A_4, %dot_general3A {dimension_numbers = #tpu.dot_dimension_numbers<[1], [1], [0], [0], [0, 0, 1, 0], [], []>, transpose_lhs_hint = false} : vector<10000x128xf32>, vector<128x128xf32>, vector<10000x128xf32> -> vector<10000x128xf32>
    %swap3A = arith.constant 0 : index
    %swap3A_6 = arith.constant 0 : index
    %swap3A_7 = vector.load %arg3[%swap3A, %swap3A_6] : memref<10000x128xf32, #tpu.memory_space<vmem>>, vector<10000x128xf32>
    tpu.vector_store %arg3[%swap3A, %swap3A_6], %dot_general3A_5 {strides = array<i32>} : memref<10000x128xf32, #tpu.memory_space<vmem>>, vector<10000x128xf32>,
    %get3A_8 = arith.constant 0 : index
    %get3A_9 = arith.constant 0 : index
    %get3A_10 = vector.load %arg2[%get3A_8, %get3A_9] : memref<128x8xf32, #tpu.memory_space<vmem>>, vector<128x8xf32>
    %dot_general3A_11 = arith.constant dense<0.000000e+00> : vector<10000x8xf32>
    %dot_general3A_12 = tpu.matmul %dot_general3A_5, %get3A_10, %dot_general3A_11 {dimension_numbers = #tpu.dot_dimension_numbers<[1], [0], [0], [1], [0, 0, 1, 1], [], []>, transpose_lhs_hint = false} : vector<10000x128xf32>, vector<128x8xf32>, vector<10000x8xf32> -> vector<10000x8xf32>
    %swap3A_13 = arith.constant 0 : index
    %swap3A_14 = arith.constant 0 : index
    %swap3A_15 = vector.load %arg4[%swap3A_13, %swap3A_14] : memref<10000x8xf32, #tpu.memory_space<vmem>>, vector<10000x8xf32>
    tpu.vector_store %arg4[%swap3A_13, %swap3A_14], %dot_general3A_12 {strides = array<i32>} : memref<10000x8xf32, #tpu.memory_space<vmem>>, vector<10000x8xf32>,
    return
  }
}

module attributes {stable_mosaic.version = 14 : i64} {
  func.func @_tc2_body(%arg0: memref<2x10240x128xf32, #tpu.memory_space<vmem>>, %arg1: memref<32x10240xf32, #tpu.memory_space<vmem>>, %arg2: memref<10000x128xf32, #tpu.memory_space<vmem>>, %arg3: memref<1xf32, #tpu.memory_space<smem>>, %arg4: memref<10000x128xf32, #tpu.memory_space<vmem>>) attributes {dimension_semantics = [], scalar_prefetch = 0 : i64, scratch_operands = 0 : i64, tpu.core_type = #tpu.core_type<tc>} {
    %get3A = arith.constant 0 : index
    %get3A_0 = memref.load %arg3[%get3A] : memref<1xf32, #tpu.memory_space<smem>>
    %logistic3A = arith.negf %get3A_0 : f32
    %logistic3A_1 = math.exp %logistic3A : f32
    %logistic3A_2 = arith.constant 1.000000e+00 : f32
    %logistic3A_3 = arith.addf %logistic3A_2, %logistic3A_1 : f32
    %logistic3A_4 = arith.divf %logistic3A_2, %logistic3A_3 : f32
    %get3A_5 = arith.constant 0 : index
    %get3A_6 = arith.constant 0 : index
    %get3A_7 = vector.load %arg1[%get3A_5, %get3A_6] : memref<32x10240xf32, #tpu.memory_space<vmem>>, vector<32x10240xf32>
    %reduce_sum3A = arith.constant dense<0.000000e+00> : vector<10240xf32>
    %reduce_sum3A_8 = vector.multi_reduction <add>, %get3A_7, %reduce_sum3A [0] : vector<32x10240xf32> to vector<10240xf32>
    %slice3A = vector.extract_strided_slice %reduce_sum3A_8 {offsets = [0], sizes = [10000], strides = [1]} : vector<10240xf32> to vector<10000xf32>
    %eq3A = arith.constant 0.000000e+00 : f32
    %eq3A_9 = vector.broadcast %eq3A : f32 to vector<10000xf32>
    %eq3A_10 = arith.cmpf oeq, %slice3A, %eq3A_9 : vector<10000xf32>
    %jit3A = arith.constant 1.000000e+00 : f32
    %broadcast_in_dim3A = vector.broadcast %jit3A : f32 to vector<10000xf32>
    %select_n3A = arith.select %eq3A_10, %broadcast_in_dim3A, %slice3A : vector<10000xi1>, vector<10000xf32>
    %get3A_11 = arith.constant 0 : index
    %get3A_12 = arith.constant 0 : index
    %get3A_13 = arith.constant 0 : index
    %get3A_14 = vector.load %arg0[%get3A_11, %get3A_12, %get3A_13] : memref<2x10240x128xf32, #tpu.memory_space<vmem>>, vector<1x10000x128xf32>
    %get3A_15 = vector.shape_cast %get3A_14 : vector<1x10000x128xf32> to vector<10000x128xf32>
    %get3A_16 = arith.constant 1 : index
    %get3A_17 = arith.constant 0 : index
    %get3A_18 = arith.constant 0 : index
    %get3A_19 = vector.load %arg0[%get3A_16, %get3A_17, %get3A_18] : memref<2x10240x128xf32, #tpu.memory_space<vmem>>, vector<1x10000x128xf32>
    %get3A_20 = vector.shape_cast %get3A_19 : vector<1x10000x128xf32> to vector<10000x128xf32>
    %add3A = arith.addf %get3A_15, %get3A_20 : vector<10000x128xf32>
    %broadcast_in_dim3A_21 = vector.shape_cast %select_n3A : vector<10000xf32> to vector<10000x1xf32>
    %div3A = vector.broadcast %broadcast_in_dim3A_21 : vector<10000x1xf32> to vector<10000x128xf32>
    %div3A_22 = arith.divf %add3A, %div3A : vector<10000x128xf32>
    %max3A = arith.constant 0.000000e+00 : f32
    %max3A_23 = vector.broadcast %max3A : f32 to vector<10000x128xf32>
    %max3A_24 = arith.maximumf %div3A_22, %max3A_23 : vector<10000x128xf32>
    %get3A_25 = arith.constant 0 : index
    %get3A_26 = arith.constant 0 : index
    %get3A_27 = vector.load %arg2[%get3A_25, %get3A_26] : memref<10000x128xf32, #tpu.memory_space<vmem>>, vector<10000x128xf32>
    %mul3A = vector.broadcast %logistic3A_4 : f32 to vector<10000x128xf32>
    %mul3A_28 = arith.mulf %get3A_27, %mul3A : vector<10000x128xf32>
    %add3A_29 = arith.addf %max3A_24, %mul3A_28 : vector<10000x128xf32>
    %swap3A = arith.constant 0 : index
    %swap3A_30 = arith.constant 0 : index
    %swap3A_31 = vector.load %arg4[%swap3A, %swap3A_30] : memref<10000x128xf32, #tpu.memory_space<vmem>>, vector<10000x128xf32>
    tpu.vector_store %arg4[%swap3A, %swap3A_30], %add3A_29 {strides = array<i32>} : memref<10000x128xf32, #tpu.memory_space<vmem>>, vector<10000x128xf32>,
    return
  }
}

</mosaic_0001>

<sc_bundles>
// kernel: kernel.5.cloned.1.call-start
scs
__scs_entry_jumppad:
0x0: {  	(pc) =	sbr.rel $0x88, $3  }
0x1: {  	(tag) =	ssettag $0x0;
	lr =	simm.s32 $0x1  }
0x2: {  	[smem:$0x3F9C] =	sst lr;
	_ =	strace $0xD0000000  }
0x3: {  	_ = 	snop  }
0x4: {  	_ = 	snop  }
0x5: {  	_ = 	snop  }
0x6: {  	_ = 	snop  }
0x7: {  	_ = 	snop  }
__scs_overlays_trampoline_lowered:
0x8: {  	[smem:$0x3FAB] =	sst s0  }
0x9: {  	[smem:$0x3FAC] =	sst s1  }
0xa: {  	[smem:$0x3FAD] =	sst s2  }
0xb: {  	[smem:$0x3FAE] =	sst s3  }
0xc: {  	[smem:$0x3FAF] =	sst s4  }
0xd: {  	[smem:$0x3FB0] =	sst s5  }
0xe: {  	[smem:$0x3FB1] =	sst s6  }
0xf: {  	[smem:$0x3FB2] =	sst s7  }
0x10: {  	[smem:$0x3FB3] =	sst s8  }
0x11: {  	[smem:$0x3FB4] =	sst s9;
	s0 =	simm.s32 @!p0 $0x0  }
0x12: {  	s1 =	sld [smem:$0x3F9A];
	s0 =	simm.s32 @p0 $0x1  }
0x13: {  	[smem:$0x3FB5] =	sst s0;
	s0 =	simm.s32 @!p1 $0x0  }
0x14: {  	s2 =	sld [smem:$0x3F99];
	s0 =	simm.s32 @p1 $0x1  }
0x15: {  	[smem:$0x3FB6] =	sst s0;
	s0 =	simm.s32 @!p2 $0x0  }
0x16: {  	s3 =	sld [smem:$0x3FDB];
	s0 =	simm.s32 @p2 $0x1  }
0x17: {  	s4 =	simm.s32 $0x1BF5;
	[smem:$0x3FB8] =	sst s0  }
0x18: {  	s0 =	sld [smem:$0x3F9B];
	_ =	swait.ge [sflag:s4], $0x0  }
0x19: {  	s7 =	sld [smem:$0x3F9C]  }
0x1a: {  	s8 =	sadd.s32 $0xFFFFE003, lr  }
0x1b: {  	s9 =	sadd.s32 $0xFFFFFEF7, lr;
	s5 =	simm.s32 $0xFFFFFFFF;
	p2 =	slt.u32 s8, $0xFFFFF086  }
0x1c: {  	p1 =	slt.u32 s9, $0xF7A;
	s5 =	simm.s32 @!p2 $0x0  }
0x1d: {  	s5 =	simm.s32 @p1 $0x1;
	p0 =	seq.s32 s7, s2  }
0x1e: {  	s7 =	smul.u32 @!p0 $0xF7A, s2;
	p2 =	seq.s32 @!p0 s5, $0x0  }
0x1f: {  	s9 =	smul.u32 $0xF7A, s1;
	s8 =	simm.s32 @!p0 $0x1BF5;
	p2 =	por !p2, p0  }
0x20: {  	[sflag:s8] =	ssyncset.s32 @!p0 $0xFFFFF086;
	s6 =	sadd.s32 @!p0 s3, s7;
	s7 =	simm.s32 @!p0 $0x108  }
0x21: {  	s3 =	sadd.s32 s3, s9;
	s6 =	sadd.s32 @!p0 $0x88, s6;
	s7 =	simm.s32 @p2 $0x1082  }
0x22: {  	[simem:s7], [sflag:s8] =	dma.local @!p0 [hbm:s6], $0xF7A  }
0x23: {  	s9 =	sor.u32 $0xD0000000, s2;
	s6 =	simm.s32 $0x108;
	_ =	swait.ge @!p0 [sflag:s8], $0x0  }
0x24: {  	s3 =	sadd.s32 $0x88, s3;
	s6 =	simm.s32 @!p1 $0x1082;
	[sflag:s4] =	ssyncset.s32 $0xFFFFF086  }
0x25: {  	[simem:s6], [sflag:s4] =	dma.local [hbm:s3], $0xF7A  }
0x26: {  	[smem:$0x3F9C] =	sst s1;
	(tag) =	ssettag s2;
	_ =	strace s9  }
0x27: {  	s1 =	sld [smem:$0x3FAC]  }
0x28: {  	s2 =	sld [smem:$0x3FAD]  }
0x29: {  	s4 =	sld [smem:$0x3FAF]  }
0x2a: {  	p0 =	seq.s32 s5, $0x0;
	s5 =	sld [smem:$0x3FB0]  }
0x2b: {  	s6 =	sld [smem:$0x3FB1]  }
0x2c: {  	s7 =	sld [smem:$0x3FB2]  }
0x2d: {  	s3 =	simm.s32 $0x108;
	s8 =	sld [smem:$0x3FB3]  }
0x2e: {  	s3 =	simm.s32 @!p0 $0x1082;
	s9 =	sld [smem:$0x3FB4]  }
0x2f: {  	lr =	sadd.s32 s0, s3;
	s0 =	sld [smem:$0x3FAB]  }
0x30: {  	s3 =	sld [smem:$0x3FAE]  }
0x31: {  	[smem:$0x3FB7] =	sst s10  }
0x32: {  	s10 =	sld [smem:$0x3FB5];
	_ =	sdelay $0x3  }
0x33: {  	p0 =	seq.s32 s10, $0x1;
	s10 =	sld [smem:$0x3FB7];
	_ =	sdelay $0x3  }
0x34: {  	[smem:$0x3FB7] =	sst s10  }
0x35: {  	s10 =	sld [smem:$0x3FB6];
	_ =	sdelay $0x3  }
0x36: {  	p1 =	seq.s32 s10, $0x1;
	s10 =	sld [smem:$0x3FB7];
	_ =	sdelay $0x3  }
0x37: {  	[smem:$0x3FB7] =	sst s10  }
0x38: {  	s10 =	sld [smem:$0x3FB8]  }
0x39: {  	_ = 	snop;
	(pc) =	sbr.ind lr, $3  }
0x3a: {  	_ = 	snop  }
0x3b: {  	_ = 	snop  }
0x3c: {  	p2 =	seq.s32 s10, $0x1;
	s10 =	sld [smem:$0x3FB7]  }
0x3d: {  	_ =	shalt  }
0x3e: {  	_ =	shalt  }
0x3f: {  	_ =	shalt  }
0x40: {  	_ =	shalt  }
0x41: {  	_ =	shalt  }
0x42: {  	_ =	shalt  }
0x43: {  	_ =	shalt  }
0x44: {  	_ =	shalt  }
0x45: {  	_ =	shalt  }
0x46: {  	_ =	shalt  }
0x47: {  	_ =	shalt  }
0x48: {  	_ =	shalt  }
0x49: {  	_ =	shalt  }
0x4a: {  	_ =	shalt  }
0x4b: {  	_ =	shalt  }
0x4c: {  	_ =	shalt  }
0x4d: {  	_ =	shalt  }
0x4e: {  	_ =	shalt  }
0x4f: {  	_ =	shalt  }
0x50: {  	_ =	shalt  }
0x51: {  	_ =	shalt  }
0x52: {  	_ =	shalt  }
0x53: {  	_ =	shalt  }
0x54: {  	_ =	shalt  }
0x55: {  	_ =	shalt  }
0x56: {  	_ =	shalt  }
0x57: {  	_ =	shalt  }
0x58: {  	_ =	shalt  }
0x59: {  	_ =	shalt  }
0x5a: {  	_ =	shalt  }
0x5b: {  	_ =	shalt  }
0x5c: {  	_ =	shalt  }
0x5d: {  	_ =	shalt  }
0x5e: {  	_ =	shalt  }
0x5f: {  	_ =	shalt  }
0x60: {  	_ =	shalt  }
0x61: {  	_ =	shalt  }
0x62: {  	_ =	shalt  }
0x63: {  	_ =	shalt  }
0x64: {  	_ =	shalt  }
0x65: {  	_ =	shalt  }
0x66: {  	_ =	shalt  }
0x67: {  	_ =	shalt  }
0x68: {  	_ =	shalt  }
0x69: {  	_ =	shalt  }
0x6a: {  	_ =	shalt  }
0x6b: {  	_ =	shalt  }
0x6c: {  	_ =	shalt  }
0x6d: {  	_ =	shalt  }
0x6e: {  	_ =	shalt  }
0x6f: {  	_ =	shalt  }
0x70: {  	_ =	shalt  }
0x71: {  	_ =	shalt  }
0x72: {  	_ =	shalt  }
0x73: {  	_ =	shalt  }
0x74: {  	_ =	shalt  }
0x75: {  	_ =	shalt  }
0x76: {  	_ =	shalt  }
0x77: {  	_ =	shalt  }
0x78: {  	_ =	shalt  }
0x79: {  	_ =	shalt  }
0x7a: {  	_ =	shalt  }
0x7b: {  	_ =	shalt  }
0x7c: {  	_ =	shalt  }
0x7d: {  	_ =	shalt  }
0x7e: {  	_ =	shalt  }
0x7f: {  	_ =	shalt  }
0x80: {  	_ =	shalt  }
0x81: {  	_ =	shalt  }
0x82: {  	_ =	shalt  }
0x83: {  	_ =	shalt  }
0x84: {  	_ =	shalt  }
0x85: {  	_ =	shalt  }
0x86: {  	_ =	shalt  }
0x87: {  	_ =	shalt  }
.Lfunc_end0:
.L_simem_size_0:
called_computation_lowered:
.L_overlay_start_0:
0x88: {  	s2 =	sld [smem:$0x3FD9]  }
0x89: {  	s3 =	sld [smem:$0x3FFE];
	_ =	sdelay $0x1  }
0x8a: {  	s1 =	srdreg.scid  }
0x8b: {  	s0 =	sand.u32 $0x1, s1  }
0x8c: {  	s17 =	sshll.u32 s0, $0xA;
	s2 =	sadd.s32 s3, s2  }
0x8d: {  	s2 =	sadd.s32 s2, s17  }
0x8e: {  	[smem:$0x3FC3] =	sst s2  }
0x8f: {  	_ = 	snop  }
0x90: {  	s2 =	sld [smem:$0x3FD0];
	(tm) =	ssettm $0x1  }
0x91: {  	s18 =	sld [smem:$0x3FFB];
	_ =	sdelay $0x3  }
0x92: {  	_ =	strace s18  }
0x93: {  	s3 =	sld [smem:$0x3FFC];
	_ =	sdelay $0x3  }
0x94: {  	_ =	strace s3  }
0x95: {  	s3 =	sld [smem:$0x3FFD];
	_ =	sdelay $0x3  }
0x96: {  	_ =	strace s3  }
0x97: {  	_ =	strace $0x8FFFFFFF  }
0x98: {  	s19 =	sld [smem:$0x3FDB];
	_ =	sdelay $0x1  }
0x99: {  	s4 =	simm.s32 $_scs_section_size  }
0x9a: {  	s5 =	simm.s32 $_size__tile_overlayer_lowered;
	s6 =	simm.s32 $_tile_overlayer_lowered  }
0x9b: {  	s22 =	simm.s32 $0x1BFF;
	s21 =	sshll.u32 s6, $0x1;
	s3 =	sadd.s32 s4, s19  }
0x9c: {  	s7 =	simm.s32 $0x0;
	s20 =	sshll.u32 s5, $0x1;
	s5 =	sadd.s32 s21, s3  }
0x9d: {  	[timem:s7], [sflag:s22] =	dma.local [hbm:s5], s20  }
0x9e: {  	_ =	swait.ge [sflag:s22], s20  }
0x9f: {  	s4 =	ssub.s32 $0x0, s20;
	[sflag:s22] =	ssyncset.done $0x0  }
0xa0: {  	[sflag:s22] =	ssyncadd.s32 s4;
	_ =	sdelay $0x1  }
0xa1: {  	s23 =	simm.s32 $0x1B8B  }
0xa2: {  	_ =	swait.ge [sflag:s23], $0x1  }
0xa3: {  	[sflag:s23] =	ssyncset.done $0x0  }
0xa4: {  	s25 =	simm.s32 $0x1B8E;
	s24 =	sld [smem:$0x3FFE];
	[sflag:s23] =	ssyncadd.s32 $0xFFFFFFFF  }
0xa5: {  	s26 =	simm.s32 $execute0_lowered;
	[smem:$0x3FD2] =	sst s25  }
0xa6: {  	s5 =	sshll.u32 s26, $0x1;
	_ =	strace $0x80000046;
	[dreg:$0x1] =	wrdreg $0xFFFFFFFF  }
0xa7: {  	s28 =	simm.s32 $_size_execute0_lowered;
	s3 =	sadd.s32 s3, s5;
	[dreg:$0x0] =	wrdreg $0x0  }
0xa8: {  	s5 =	sshll.u32 s28, $0x1;
	[dreg:$0x2] =	wrdreg s3  }
0xa9: {  	[dreg:$0x3] =	wrdreg s5  }
0xaa: {  	[dreg:$0x4] =	wrdreg $0xC0  }
0xab: {  	_ =	task [dreg:s7], $0x5FFFF  }
0xac: {  	[dreg:$0x1] =	wrdreg $0xFFFFFFFF  }
0xad: {  	[dreg:$0x0] =	wrdreg $0x60  }
0xae: {  	[dreg:$0x2] =	wrdreg s24  }
0xaf: {  	[dreg:$0x3] =	wrdreg s2  }
0xb0: {  	[dreg:$0x4] =	wrdreg $0xA0800  }
0xb1: {  	[dreg:$0x5] =	wrdreg $0x9  }
0xb2: {  	_ =	task.clear_ibuf [dreg:s7], $0x6FFFF;
	_ =	strace $0x90000046  }
0xb3: {  	s29 =	simm.s32 $0x9;
	_ =	strace $0x80000048  }
0xb4: {  	_ =	swait.ge [sflag:s29], $0x1  }
0xb5: {  	[sflag:s29] =	ssyncadd.s32 $0xFFFFFFFF  }
0xb6: {  	_ =	strace $0x90000048  }
0xb7: {  	_ =	sfence  }
0xb8: {  	s30 =	sld [smem:$0x0];
	_ =	sdelay $0x2  }
0xb9: {  	s31 =	sshll.u32 s1, $0xD;
	s1 =	sshrl.u32 s1, $0x2  }
0xba: {  	s3 =	sand.u32 $0x4000, s31;
	s1 =	sadd.s32 s1, s30  }
0xbb: {  	s0 =	sor.u32 s3, s0;
	s1 =	sshll.u32 s1, $0x11  }
0xbc: {  	s0 =	sor.u32 s1, s0  }
0xbd: {  	s0 =	sadd.s32 $0x8F2B, s0  }
0xbe: {  	[sflag:s0] =	ssyncadd.remote.s32 $0x1  }
0xbf: {  	_ =	sfence.sel $0xFFFF  }
0xc0: {  	[dreg:$0x0] =	wrdreg $0xFFFFFFFF;
	(pc) =	sbr.abs _section_cstart, $3  }
0xc1: {  	[dreg:$0x1] =	wrdreg $0xFFFFFFFF  }
0xc2: {  	_ =	task.clear_ibuf [dreg:s7], $0x2FFFF;
	_ =	strace $0x9FFFFFFF  }
0xc3: {  	(tm) =	ssettm $0x7FFFFFFF  }
tec
execute0_lowered:
.L_overlay_start_1:
0x0: {  	(tag) =	ssettag $0x1  }
0x1: {  	s0 =	rddreg [dreg:$0x0]  }
0x2: {  	s1 =	rddreg [dreg:$0x1]  }
0x3: {  	s2 =	rddreg [dreg:$0x2]  }
0x4: {  	s4 =	simm.s32 $0x0;
	s3 =	srdreg.scid;
	s7 =	stileid.u32  }
0x5: {  	s21 =	simm.s32 $0x2;
	s22 =	simm.s32 $0x2780;
	s23 =	simm.s32 $0x7880  }
0x6: {  	s24 =	simm.s32 $0x7700;
	s28 =	simm.s32 $0x4F00;
	s29 =	simm.s32 $0x1  }
0x7: {  	[smem:$0x7FF] =	sst s4;
	s3 =	sand.u32 $0x1, s3;
	s8 =	smul.u32 $0x14000, s7  }
0x8: {  	s6 =	sadd.s32 $0xE00, s0;
	s10 =	sadd.s32 $0x800, s0;
	s11 =	smul.u32 $0x50000, s7  }
0x9: {  	s26 =	sshll.u32 s7, $0x7;
	s25 =	smul.u32 $0x140000, s3;
	s5 =	sshll.u32 s3, $0x4  }
0xa: {  	_ =	strace $0x80000047;
	[dreg:$0x4] =	wrdreg s10;
	s10 =	sand.u32 $0x380, s26  }
0xb: {  	s3 =	ssub.s32 $0x2, s3;
	s26 =	simm.s32 $0x50;
	s17 =	sor.u32 s7, s5  }
0xc: {  	s5 =	sadd.s32 $0xAC00, s0;
	s30 =	sshrl.u32 s11, $0x2;
	s9 =	sshrl.u32 s17, $0x3  }
0xd: {  	s12 =	sshrl.u32 s3, $0x1;
	s4 =	sadd.s32 s8, s25;
	s9 =	smul.u32 $0x14000, s9  }
0xe: {  	s8 =	sadd.s32 $0x200, s0;
	s3 =	ssub.s32 s3, s12;
	s17 =	smul.u32 $0x2710, s17  }
0xf: {  	s25 =	simm.s32 $0x7780;
	s4 =	sshrl.u32 s4, $0x3;
	s9 =	sor.u32 s10, s9  }
0x10: {  	s20 =	smax.u32 s3, $0x1;
	s4 =	sadd.s32 s4, s0;
	s31 =	sshrl.u32 s9, $0x3  }
0x11: {  	s19 =	sadd.s32 $0x14A00, s4;
	s9 =	sadd.s32 s30, s2;
	s0 =	sadd.s32 s31, s0  }
0x12: {  	s10 =	sadd.s32 $0x2800, s9;
	s11 =	sadd.s32 $0x5000, s9;
	s12 =	sadd.s32 $0x7800, s9  }
0x13: {  	s13 =	sadd.s32 $0xA000, s9;
	s14 =	sadd.s32 $0xC800, s9;
	s15 =	sadd.s32 $0xF000, s9  }
0x14: {  	v0 =	vimm.f32 $0.0e+00;
	s16 =	sadd.s32 $0x11800, s9;
	s18 =	sadd.s32 $0x64A00, s0;
	s0 =	simm.s32 $0x0  }
.LBB2_1:
0x15: {  	s3 =	simm.s32 $0x0;
	s4 =	rddreg [dreg:$0x4]  }
0x16: {  	[tilespmem:s3], [sflag:$0x2] =	stream.linear.gather [hbm4b:s4+s3], $0x2780, $0x38;
	[tilespmem:$0x1E080] =	vst v63  }
0x17: {  	_ =	swait.ge [sflag:s21], $0x2780  }
0x18: {  	[sflag:s21] =	ssyncset.done $0x0  }
0x19: {  	[sflag:s21] =	ssyncadd.s32 $0xFFFFD880  }
0x1a: {  	[tilespmem:s22], [sflag:$0x2] =	stream.linear.gather [hbm4b:s8+s3], $0x2780, $0x38;
	[tilespmem:$0x1E080] =	vst v63  }
0x1b: {  	_ =	swait.ge [sflag:s21], $0x2780  }
0x1c: {  	[sflag:s21] =	ssyncset.done $0x0  }
0x1d: {  	s3 =	simm.s32 $0x0;
	[sflag:s21] =	ssyncadd.s32 $0xFFFFD880  }
.LBB2_2:
0x1e: {  	p0 =	sne.s32 s3, $0x9FC0  }
.Ltmp0:
0x1f: {  	_ = 	snop;
	(pc) =	sbr.rel @p0 .LBB2_2-.Ltmp0, $3  }
0x20: {  	_ =	sdelay $0x1  }
0x21: {  	s4 =	sshra.s32 s3, $0x2  }
0x22: {  	s3 =	sadd.s32 $0x40, s3;
	[tilespmem:s4+$0x4F00] =	vst v0  }
0x23: {  	s3 =	simm.s32 $0x0  }
0x24: {  	s4 =	sand.u32 $0xFE00, s3  }
0x25: {  	s30 =	sand.u32 $0x70, s3;
	s31 =	sshrl.u32 s4, $0x2  }
0x26: {  	s4 =	simm.s32 $0x40;
	s30 =	sor.u32 s30, s31  }
.LBB2_4:
0x27: {  	p0 =	sne.s32 s4, $0x9FC0  }
0x28: {  	[tilespmem:s30+$0x7880] =	vst v0;
	s3 =	sadd.s32 $0x10, s3;
	s30 =	smov.u32 s4;
	s4 =	sadd.s32 $0x40, s4  }
.Ltmp1:
0x29: {  	(pc) =	sbr.rel @p0 .LBB2_4-.Ltmp1, $4  }
0x2a: {  	_ = 	snop  }
0x2b: {  	s30 =	sand.u32 $0xFE00, s30  }
0x2c: {  	s31 =	sand.u32 $0x70, s3;
	s30 =	sshrl.u32 s30, $0x2  }
0x2d: {  	s30 =	sor.u32 s31, s30  }
0x2e: {  	[tilespmem:s30+$0x7880] =	vst v0  }
0x2f: {  	[spmem:s9] =	stream.linear.scatter [tilespmem:s23], [sflag:$0x2], $0x2800, $0x38;
	[tilespmem:$0x1E080] =	vst v63  }
0x30: {  	_ =	swait.ge [sflag:s21], $0x2800  }
0x31: {  	[sflag:s21] =	ssyncset.done $0x0  }
0x32: {  	[sflag:s21] =	ssyncadd.s32 $0xFFFFD800  }
0x33: {  	[spmem:s10] =	stream.linear.scatter [tilespmem:s23], [sflag:$0x2], $0x2800, $0x38;
	[tilespmem:$0x1E080] =	vst v63  }
0x34: {  	_ =	swait.ge [sflag:s21], $0x2800  }
0x35: {  	[sflag:s21] =	ssyncset.done $0x0  }
0x36: {  	[sflag:s21] =	ssyncadd.s32 $0xFFFFD800  }
0x37: {  	[spmem:s11] =	stream.linear.scatter [tilespmem:s23], [sflag:$0x2], $0x2800, $0x38;
	[tilespmem:$0x1E080] =	vst v63  }
0x38: {  	_ =	swait.ge [sflag:s21], $0x2800  }
0x39: {  	[sflag:s21] =	ssyncset.done $0x0  }
0x3a: {  	[sflag:s21] =	ssyncadd.s32 $0xFFFFD800  }
0x3b: {  	[spmem:s12] =	stream.linear.scatter [tilespmem:s23], [sflag:$0x2], $0x2800, $0x38;
	[tilespmem:$0x1E080] =	vst v63  }
0x3c: {  	_ =	swait.ge [sflag:s21], $0x2800  }
0x3d: {  	[sflag:s21] =	ssyncset.done $0x0  }
0x3e: {  	[sflag:s21] =	ssyncadd.s32 $0xFFFFD800  }
0x3f: {  	[spmem:s13] =	stream.linear.scatter [tilespmem:s23], [sflag:$0x2], $0x2800, $0x38;
	[tilespmem:$0x1E080] =	vst v63  }
0x40: {  	_ =	swait.ge [sflag:s21], $0x2800  }
0x41: {  	[sflag:s21] =	ssyncset.done $0x0  }
0x42: {  	[sflag:s21] =	ssyncadd.s32 $0xFFFFD800  }
0x43: {  	[spmem:s14] =	stream.linear.scatter [tilespmem:s23], [sflag:$0x2], $0x2800, $0x38;
	[tilespmem:$0x1E080] =	vst v63  }
0x44: {  	_ =	swait.ge [sflag:s21], $0x2800  }
0x45: {  	[sflag:s21] =	ssyncset.done $0x0  }
0x46: {  	[sflag:s21] =	ssyncadd.s32 $0xFFFFD800  }
0x47: {  	[spmem:s15] =	stream.linear.scatter [tilespmem:s23], [sflag:$0x2], $0x2800, $0x38;
	[tilespmem:$0x1E080] =	vst v63  }
0x48: {  	_ =	swait.ge [sflag:s21], $0x2800  }
0x49: {  	[sflag:s21] =	ssyncset.done $0x0  }
0x4a: {  	[sflag:s21] =	ssyncadd.s32 $0xFFFFD800  }
0x4b: {  	[spmem:s16] =	stream.linear.scatter [tilespmem:s23], [sflag:$0x2], $0x2800, $0x38;
	[tilespmem:$0x1E080] =	vst v63  }
0x4c: {  	_ =	swait.ge [sflag:s21], $0x2800  }
0x4d: {  	[sflag:s21] =	ssyncset.done $0x0  }
0x4e: {  	[sflag:s21] =	ssyncadd.s32 $0xFFFFD800  }
0x4f: {  	s30 =	simm.s32 $0x0;
	s31 =	simm.s32 $0x0;
	[bflag:$0x0] =	sbarrier.arrive $0xFFFF  }
.LBB2_6:
0x50: {  	s3 =	smul.u32 $0x50, s31;
	_ =	sdelay $0x1  }
0x51: {  	s3 =	sadd.s32 s17, s3  }
0x52: {  	s3 =	sshrl.u32 s3, $0x3  }
0x53: {  	s4 =	sadd.s32 s5, s3  }
0x54: {  	[tilespmem:s24], [sflag:$0x2] =	stream.linear.gather [hbm4b:s4+s30], $0x50, $0x38;
	[tilespmem:$0x1E080] =	vst v63  }
0x55: {  	_ =	swait.ge [sflag:s21], $0x50  }
0x56: {  	[sflag:s21] =	ssyncset.done $0x0  }
0x57: {  	s3 =	sadd.s32 s6, s3;
	[sflag:s21] =	ssyncadd.s32 $0xFFFFFFB0  }
0x58: {  	[tilespmem:s25], [sflag:$0x2] =	stream.linear.gather [hbm4b:s3+s30], $0x50, $0x38;
	[tilespmem:$0x1E080] =	vst v63  }
0x59: {  	_ =	swait.ge [sflag:s21], $0x50  }
0x5a: {  	[sflag:s21] =	ssyncset.done $0x0  }
0x5b: {  	[sflag:s21] =	ssyncadd.s32 $0xFFFFFFB0  }
0x5c: {  	[tilespmem:s23], [sflag:$0x1] =	stream.indirect.gather [hbm4b:s1+s26], $0x80, s24, s26, $0xb8;
	[tilespmem:$0x1E080] =	vst v63  }
0x5d: {  	v1 =	vld [tilespmem:$0x7700]  }
0x5e: {  	v2 =	vld [tilespmem:$0x7780];
	_ =	sdelay $0x6  }
0x5f: {  	v1 =	vld.idx.msk [tilespmem:v1+s30+$0x0], $0xffff  }
0x60: {  	v3 =	vld.idx.msk [tilespmem:v2+s22+$0x0], $0xffff;
	_ =	sdelay $0x4  }
0x61: {  	v1 =	vadd.f32 v3, v1;
	_ =	sdelay $0x1  }
0x62: {  	v3 =	vmul.f32 $9.999999770e-03, v1  }
0x63: {  	vm0 =	vge.f32 v1, $0.0e+00  }
0x64: {  	v1 =	vsel vm0, v1, v3  }
0x65: {  	v1 =	vmul.f32 $1.442695020e+00, v1;
	_ =	sdelay $0x1  }
0x66: {  	(erf) = vpow2.f32 v1;
	_ =	sdelay $0x8  }
0x67: {  	v1 =	vpop (erf)  }
0x68: {  	[tilespmem:v2+s28+$0x0] =	vst.idx.add.f32.msk $0xffff, v1  }
0x69: {  	v2 =	vld [tilespmem:$0x7710]  }
0x6a: {  	v3 =	vld [tilespmem:$0x7790];
	_ =	sdelay $0x5  }
0x6b: {  	[tilespmem:$0x7800] =	vst v1  }
0x6c: {  	v1 =	vld.idx.msk [tilespmem:v2+s30+$0x0], $0xffff  }
0x6d: {  	v2 =	vld.idx.msk [tilespmem:v3+s22+$0x0], $0xffff;
	_ =	sdelay $0x4  }
0x6e: {  	v1 =	vadd.f32 v2, v1;
	_ =	sdelay $0x1  }
0x6f: {  	v2 =	vmul.f32 $9.999999770e-03, v1  }
0x70: {  	vm12 =	vge.f32 v1, $0.0e+00  }
0x71: {  	v1 =	vsel vm12, v1, v2  }
0x72: {  	v1 =	vmul.f32 $1.442695020e+00, v1;
	_ =	sdelay $0x1  }
0x73: {  	(erf) = vpow2.f32 v1;
	_ =	sdelay $0x8  }
0x74: {  	v1 =	vpop (erf)  }
0x75: {  	[tilespmem:v3+s28+$0x0] =	vst.idx.add.f32.msk $0xffff, v1  }
0x76: {  	v2 =	vld [tilespmem:$0x7720]  }
0x77: {  	v3 =	vld [tilespmem:$0x77A0];
	_ =	sdelay $0x5  }
0x78: {  	[tilespmem:$0x7810] =	vst v1  }
0x79: {  	v1 =	vld.idx.msk [tilespmem:v2+s30+$0x0], $0xffff  }
0x7a: {  	v2 =	vld.idx.msk [tilespmem:v3+s22+$0x0], $0xffff;
	_ =	sdelay $0x4  }
0x7b: {  	v1 =	vadd.f32 v2, v1;
	_ =	sdelay $0x1  }
0x7c: {  	v2 =	vmul.f32 $9.999999770e-03, v1  }
0x7d: {  	vm13 =	vge.f32 v1, $0.0e+00  }
0x7e: {  	v1 =	vsel vm13, v1, v2  }
0x7f: {  	v1 =	vmul.f32 $1.442695020e+00, v1;
	_ =	sdelay $0x1  }
0x80: {  	(erf) = vpow2.f32 v1;
	_ =	sdelay $0x8  }
0x81: {  	v1 =	vpop (erf)  }
0x82: {  	[tilespmem:v3+s28+$0x0] =	vst.idx.add.f32.msk $0xffff, v1  }
0x83: {  	v2 =	vld [tilespmem:$0x7730]  }
0x84: {  	v3 =	vld [tilespmem:$0x77B0];
	_ =	sdelay $0x5  }
0x85: {  	[tilespmem:$0x7820] =	vst v1  }
0x86: {  	v1 =	vld.idx.msk [tilespmem:v2+s30+$0x0], $0xffff  }
0x87: {  	v2 =	vld.idx.msk [tilespmem:v3+s22+$0x0], $0xffff;
	_ =	sdelay $0x4  }
0x88: {  	v1 =	vadd.f32 v2, v1;
	_ =	sdelay $0x1  }
0x89: {  	v2 =	vmul.f32 $9.999999770e-03, v1  }
0x8a: {  	vm14 =	vge.f32 v1, $0.0e+00  }
0x8b: {  	v1 =	vsel vm14, v1, v2  }
0x8c: {  	v1 =	vmul.f32 $1.442695020e+00, v1;
	_ =	sdelay $0x1  }
0x8d: {  	(erf) = vpow2.f32 v1;
	_ =	sdelay $0x8  }
0x8e: {  	v1 =	vpop (erf)  }
0x8f: {  	[tilespmem:v3+s28+$0x0] =	vst.idx.add.f32.msk $0xffff, v1  }
0x90: {  	v2 =	vld [tilespmem:$0x7740]  }
0x91: {  	v3 =	vld [tilespmem:$0x77C0];
	_ =	sdelay $0x5  }
0x92: {  	[tilespmem:$0x7830] =	vst v1  }
0x93: {  	v1 =	vld.idx.msk [tilespmem:v2+s30+$0x0], $0xffff  }
0x94: {  	v2 =	vld.idx.msk [tilespmem:v3+s22+$0x0], $0xffff;
	_ =	sdelay $0x4  }
0x95: {  	v1 =	vadd.f32 v2, v1;
	_ =	sdelay $0x1  }
0x96: {  	v2 =	vmul.f32 $9.999999770e-03, v1  }
0x97: {  	vm15 =	vge.f32 v1, $0.0e+00  }
0x98: {  	v1 =	vsel vm15, v1, v2  }
0x99: {  	v1 =	vmul.f32 $1.442695020e+00, v1;
	_ =	sdelay $0x1  }
0x9a: {  	(erf) = vpow2.f32 v1;
	_ =	sdelay $0x8  }
0x9b: {  	v1 =	vpop (erf)  }
0x9c: {  	[tilespmem:v3+s28+$0x0] =	vst.idx.add.f32.msk $0xffff, v1  }
0x9d: {  	[tilespmem:$0x7840] =	vst v1  }
0x9e: {  	_ =	swait.ge [sflag:s29], $0x2800  }
0x9f: {  	s4 =	simm.s32 $0x0;
	[sflag:s29] =	ssyncset.done $0x0  }
0xa0: {  	s3 =	sand.u32 $0x3FFFFFF0, s4;
	[sflag:s29] =	ssyncadd.s32 $0xFFFFD800  }
0xa1: {  	s7 =	simm.s32 $0x0;
	v1 =	vld [tilespmem:s3+$0x7800]  }
0xa2: {  	s3 =	sand.u32 $0x3FFFF800, s7  }
0xa3: {  	v3 =	vld [tilespmem:s3+$0x78A0]  }
0xa4: {  	v4 =	vld [tilespmem:s3+$0x78B0]  }
0xa5: {  	v10 =	vld [tilespmem:s3+$0x78E0]  }
0xa6: {  	v11 =	vld [tilespmem:s3+$0x78F0];
	v2 =	vbroadcast v1, $0x0  }
0xa7: {  	v12 =	vld [tilespmem:s3+$0x7900]  }
0xa8: {  	v13 =	vld [tilespmem:s3+$0x7910];
	v3 =	vmul.f32 v3, v2  }
0xa9: {  	v14 =	vld [tilespmem:s3+$0x7920];
	v4 =	vmul.f32 v4, v2  }
0xaa: {  	v9 =	vld [tilespmem:s3+$0x7930];
	v23 =	vbroadcast v1, $0x1;
	v22 =	vmul.f32 v10, v2;
	[tilespmem:s3+$0x78A0] =	vst v3  }
0xab: {  	v7 =	vld [tilespmem:s3+$0x7940];
	v11 =	vmul.f32 v11, v2;
	[tilespmem:s3+$0x78B0] =	vst v4  }
0xac: {  	v8 =	vld [tilespmem:s3+$0x7950];
	v12 =	vmul.f32 v12, v23;
	[tilespmem:s3+$0x78E0] =	vst v22  }
0xad: {  	v25 =	vld [tilespmem:s3+$0x7970];
	v13 =	vmul.f32 v13, v23;
	[tilespmem:s3+$0x78F0] =	vst v11  }
0xae: {  	v26 =	vld [tilespmem:s3+$0x7980];
	v14 =	vmul.f32 v14, v23;
	[tilespmem:s3+$0x7900] =	vst v12  }
0xaf: {  	v27 =	vld [tilespmem:s3+$0x7990];
	v9 =	vmul.f32 v9, v23;
	[tilespmem:s3+$0x7910] =	vst v13  }
0xb0: {  	v6 =	vld [tilespmem:s3+$0x7DF0];
	v7 =	vmul.f32 v7, v23;
	[tilespmem:s3+$0x7920] =	vst v14  }
0xb1: {  	v24 =	vld [tilespmem:s3+$0x7960];
	v15 =	vbroadcast v1, $0x2;
	v8 =	vmul.f32 v8, v23;
	[tilespmem:s3+$0x7930] =	vst v9  }
0xb2: {  	v28 =	vld [tilespmem:s3+$0x79A0];
	v10 =	vmul.f32 v25, v23;
	[tilespmem:s3+$0x7940] =	vst v7  }
0xb3: {  	v29 =	vld [tilespmem:s3+$0x79B0];
	v5 =	vbroadcast v1, $0xA;
	v32 =	vmul.f32 v26, v15;
	[tilespmem:s3+$0x7950] =	vst v8  }
0xb4: {  	v30 =	vld [tilespmem:s3+$0x79C0];
	v34 =	vmul.f32 v27, v15;
	[tilespmem:s3+$0x7970] =	vst v10  }
0xb5: {  	v33 =	vld [tilespmem:s3+$0x79E0];
	v3 =	vmul.f32 v6, v5;
	[tilespmem:s3+$0x7980] =	vst v32  }
0xb6: {  	v35 =	vld [tilespmem:s3+$0x79F0];
	v11 =	vmul.f32 v24, v23;
	[tilespmem:s3+$0x7990] =	vst v34  }
0xb7: {  	v36 =	vld [tilespmem:s3+$0x7A00];
	v9 =	vmul.f32 v28, v15;
	[tilespmem:s3+$0x7DF0] =	vst v3  }
0xb8: {  	v31 =	vld [tilespmem:s3+$0x79D0];
	v7 =	vmul.f32 v29, v15;
	[tilespmem:s3+$0x7960] =	vst v11  }
0xb9: {  	v37 =	vld [tilespmem:s3+$0x7A10];
	v8 =	vmul.f32 v30, v15;
	[tilespmem:s3+$0x79A0] =	vst v9  }
0xba: {  	v38 =	vld [tilespmem:s3+$0x7A20];
	v41 =	vbroadcast v1, $0x3;
	v10 =	vmul.f32 v33, v15;
	[tilespmem:s3+$0x79B0] =	vst v7  }
0xbb: {  	v39 =	vld [tilespmem:s3+$0x7A30];
	v12 =	vmul.f32 v35, v15;
	[tilespmem:s3+$0x79C0] =	vst v8  }
0xbc: {  	v42 =	vld [tilespmem:s3+$0x7A50];
	v13 =	vmul.f32 v36, v41;
	[tilespmem:s3+$0x79E0] =	vst v10  }
0xbd: {  	v43 =	vld [tilespmem:s3+$0x7A60];
	v11 =	vmul.f32 v31, v15;
	[tilespmem:s3+$0x79F0] =	vst v12  }
0xbe: {  	v44 =	vld [tilespmem:s3+$0x7A70];
	v9 =	vmul.f32 v37, v41;
	[tilespmem:s3+$0x7A00] =	vst v13  }
0xbf: {  	v40 =	vld [tilespmem:s3+$0x7A40];
	v7 =	vmul.f32 v38, v41;
	[tilespmem:s3+$0x79D0] =	vst v11  }
0xc0: {  	v45 =	vld [tilespmem:s3+$0x7A80];
	v8 =	vmul.f32 v39, v41;
	[tilespmem:s3+$0x7A10] =	vst v9  }
0xc1: {  	v46 =	vld [tilespmem:s3+$0x7A90];
	v10 =	vmul.f32 v42, v41;
	[tilespmem:s3+$0x7A20] =	vst v7  }
0xc2: {  	v47 =	vld [tilespmem:s3+$0x7AA0];
	v12 =	vmul.f32 v43, v41;
	[tilespmem:s3+$0x7A30] =	vst v8  }
0xc3: {  	v49 =	vld [tilespmem:s3+$0x7AC0];
	v50 =	vbroadcast v1, $0x4;
	v13 =	vmul.f32 v44, v41;
	[tilespmem:s3+$0x7A50] =	vst v10  }
0xc4: {  	v51 =	vld [tilespmem:s3+$0x7AD0];
	v11 =	vmul.f32 v40, v41;
	[tilespmem:s3+$0x7A60] =	vst v12  }
0xc5: {  	v52 =	vld [tilespmem:s3+$0x7AE0];
	v9 =	vmul.f32 v45, v50;
	[tilespmem:s3+$0x7A70] =	vst v13  }
0xc6: {  	v48 =	vld [tilespmem:s3+$0x7AB0];
	v7 =	vmul.f32 v46, v50;
	[tilespmem:s3+$0x7A40] =	vst v11  }
0xc7: {  	v53 =	vld [tilespmem:s3+$0x7AF0];
	v8 =	vmul.f32 v47, v50;
	[tilespmem:s3+$0x7A80] =	vst v9  }
0xc8: {  	v54 =	vld [tilespmem:s3+$0x7B00];
	v10 =	vmul.f32 v49, v50;
	[tilespmem:s3+$0x7A90] =	vst v7  }
0xc9: {  	v55 =	vld [tilespmem:s3+$0x7B10];
	v12 =	vmul.f32 v51, v50;
	[tilespmem:s3+$0x7AA0] =	vst v8  }
0xca: {  	v57 =	vld [tilespmem:s3+$0x7B30];
	v13 =	vmul.f32 v52, v50;
	[tilespmem:s3+$0x7AC0] =	vst v10  }
0xcb: {  	v58 =	vld [tilespmem:s3+$0x7B40];
	v59 =	vbroadcast v1, $0x5;
	v11 =	vmul.f32 v48, v50;
	[tilespmem:s3+$0x7AD0] =	vst v12  }
0xcc: {  	v60 =	vld [tilespmem:s3+$0x7B50];
	v9 =	vmul.f32 v53, v50;
	[tilespmem:s3+$0x7AE0] =	vst v13  }
0xcd: {  	v56 =	vld [tilespmem:s3+$0x7B20];
	v7 =	vmul.f32 v54, v59;
	[tilespmem:s3+$0x7AB0] =	vst v11  }
0xce: {  	v61 =	vld [tilespmem:s3+$0x7B60];
	v8 =	vmul.f32 v55, v59;
	[tilespmem:s3+$0x7AF0] =	vst v9  }
0xcf: {  	v62 =	vld [tilespmem:s3+$0x7B70];
	v10 =	vmul.f32 v57, v59;
	[tilespmem:s3+$0x7B00] =	vst v7  }
0xd0: {  	v63 =	vld [tilespmem:s3+$0x7B80];
	v12 =	vmul.f32 v58, v59;
	[tilespmem:s3+$0x7B10] =	vst v8  }
0xd1: {  	v19 =	vld [tilespmem:s3+$0x7BA0];
	v13 =	vmul.f32 v60, v59;
	[tilespmem:s3+$0x7B30] =	vst v10  }
0xd2: {  	v20 =	vld [tilespmem:s3+$0x7BB0];
	v11 =	vmul.f32 v56, v59;
	[tilespmem:s3+$0x7B40] =	vst v12  }
0xd3: {  	v21 =	vld [tilespmem:s3+$0x7BC0];
	v22 =	vbroadcast v1, $0x6;
	v9 =	vmul.f32 v61, v59;
	[tilespmem:s3+$0x7B50] =	vst v13  }
0xd4: {  	v18 =	vld [tilespmem:s3+$0x7B90];
	v7 =	vmul.f32 v62, v59;
	[tilespmem:s3+$0x7B20] =	vst v11  }
0xd5: {  	v23 =	vld [tilespmem:s3+$0x7BD0];
	v8 =	vmul.f32 v63, v22;
	[tilespmem:s3+$0x7B60] =	vst v9  }
0xd6: {  	v24 =	vld [tilespmem:s3+$0x7BE0];
	v10 =	vmul.f32 v19, v22;
	[tilespmem:s3+$0x7B70] =	vst v7  }
0xd7: {  	v25 =	vld [tilespmem:s3+$0x7BF0];
	v12 =	vmul.f32 v20, v22;
	[tilespmem:s3+$0x7B80] =	vst v8  }
0xd8: {  	v27 =	vld [tilespmem:s3+$0x7C10];
	v13 =	vmul.f32 v21, v22;
	[tilespmem:s3+$0x7BA0] =	vst v10  }
0xd9: {  	v28 =	vld [tilespmem:s3+$0x7C20];
	v11 =	vmul.f32 v18, v22;
	[tilespmem:s3+$0x7BB0] =	vst v12  }
0xda: {  	v29 =	vld [tilespmem:s3+$0x7C30];
	v9 =	vmul.f32 v23, v22;
	[tilespmem:s3+$0x7BC0] =	vst v13  }
0xdb: {  	v31 =	vbroadcast v1, $0x7;
	v53 =	vld [tilespmem:s3+$0x7D80];
	v7 =	vmul.f32 v24, v22;
	[tilespmem:s3+$0x7B90] =	vst v11  }
0xdc: {  	v57 =	vld [tilespmem:s3+$0x7DC0];
	v8 =	vmul.f32 v25, v22;
	[tilespmem:s3+$0x7BD0] =	vst v9  }
0xdd: {  	v58 =	vld [tilespmem:s3+$0x7DD0];
	v10 =	vmul.f32 v27, v31;
	[tilespmem:s3+$0x7BE0] =	vst v7  }
0xde: {  	v26 =	vld [tilespmem:s3+$0x7C00];
	v12 =	vmul.f32 v28, v31;
	[tilespmem:s3+$0x7BF0] =	vst v8  }
0xdf: {  	v30 =	vld [tilespmem:s3+$0x7C40];
	v13 =	vmul.f32 v29, v31;
	[tilespmem:s3+$0x7C10] =	vst v10  }
0xe0: {  	v32 =	vld [tilespmem:s3+$0x7C50];
	v59 =	vmul.f32 v53, v5;
	[tilespmem:s3+$0x7C20] =	vst v12  }
0xe1: {  	v33 =	vld [tilespmem:s3+$0x7C60];
	v18 =	vmul.f32 v57, v5;
	[tilespmem:s3+$0x7C30] =	vst v13  }
0xe2: {  	v35 =	vld [tilespmem:s3+$0x7C80];
	v20 =	vmul.f32 v58, v5;
	[tilespmem:s3+$0x7D80] =	vst v59  }
0xe3: {  	v36 =	vld [tilespmem:s3+$0x7C90];
	v11 =	vmul.f32 v26, v31;
	[tilespmem:s3+$0x7DC0] =	vst v18  }
0xe4: {  	v37 =	vld [tilespmem:s3+$0x7CA0];
	v9 =	vmul.f32 v30, v31;
	[tilespmem:s3+$0x7DD0] =	vst v20  }
0xe5: {  	v4 =	vld [tilespmem:s3+$0x7E00];
	v40 =	vbroadcast v1, $0x8;
	v7 =	vmul.f32 v32, v31;
	[tilespmem:s3+$0x7C00] =	vst v11  }
0xe6: {  	v6 =	vld [tilespmem:s3+$0x7E10];
	v8 =	vmul.f32 v33, v31;
	[tilespmem:s3+$0x7C40] =	vst v9  }
0xe7: {  	v3 =	vld [tilespmem:s3+$0x8050];
	v10 =	vmul.f32 v35, v40;
	[tilespmem:s3+$0x7C50] =	vst v7  }
0xe8: {  	v61 =	vld [tilespmem:s3+$0x7880];
	v23 =	vbroadcast v1, $0xB;
	v12 =	vmul.f32 v36, v40;
	[tilespmem:s3+$0x7C60] =	vst v8  }
0xe9: {  	v34 =	vld [tilespmem:s3+$0x7C70];
	v13 =	vmul.f32 v37, v40;
	[tilespmem:s3+$0x7C80] =	vst v10  }
0xea: {  	v38 =	vld [tilespmem:s3+$0x7CB0];
	v27 =	vbroadcast v1, $0xF;
	v4 =	vmul.f32 v4, v23;
	[tilespmem:s3+$0x7C90] =	vst v12  }
0xeb: {  	v39 =	vld [tilespmem:s3+$0x7CC0];
	v6 =	vmul.f32 v6, v23;
	[tilespmem:s3+$0x7CA0] =	vst v13  }
0xec: {  	v41 =	vld [tilespmem:s3+$0x7CD0];
	v3 =	vmul.f32 v3, v27;
	[tilespmem:s3+$0x7E00] =	vst v4  }
0xed: {  	v43 =	vld [tilespmem:s3+$0x7CF0];
	v24 =	vmul.f32 v2, v61;
	[tilespmem:s3+$0x7E10] =	vst v6  }
0xee: {  	v44 =	vld [tilespmem:s3+$0x7D00];
	v11 =	vmul.f32 v34, v31;
	[tilespmem:s3+$0x8050] =	vst v3  }
0xef: {  	v45 =	vld [tilespmem:s3+$0x7D10];
	v9 =	vmul.f32 v38, v40;
	[tilespmem:s3+$0x7880] =	vst v24  }
0xf0: {  	v63 =	vld [tilespmem:s3+$0x78C0];
	v7 =	vmul.f32 v39, v40;
	[tilespmem:s3+$0x7C70] =	vst v11  }
0xf1: {  	v49 =	vbroadcast v1, $0x9;
	v29 =	vld [tilespmem:s3+$0x7E70];
	v8 =	vmul.f32 v41, v40;
	[tilespmem:s3+$0x7CB0] =	vst v9  }
0xf2: {  	v42 =	vld [tilespmem:s3+$0x7CE0];
	v10 =	vmul.f32 v43, v40;
	[tilespmem:s3+$0x7CC0] =	vst v7  }
0xf3: {  	v46 =	vld [tilespmem:s3+$0x7D20];
	v12 =	vmul.f32 v44, v49;
	[tilespmem:s3+$0x7CD0] =	vst v8  }
0xf4: {  	v47 =	vld [tilespmem:s3+$0x7D30];
	v13 =	vmul.f32 v45, v49;
	[tilespmem:s3+$0x7CF0] =	vst v10  }
0xf5: {  	v48 =	vld [tilespmem:s3+$0x7D40];
	v3 =	vmul.f32 v63, v2;
	[tilespmem:s3+$0x7D00] =	vst v12  }
0xf6: {  	v51 =	vld [tilespmem:s3+$0x7D60];
	v6 =	vmul.f32 v29, v23;
	[tilespmem:s3+$0x7D10] =	vst v13  }
0xf7: {  	v52 =	vld [tilespmem:s3+$0x7D70];
	v11 =	vmul.f32 v42, v40;
	[tilespmem:s3+$0x78C0] =	vst v3  }
0xf8: {  	v28 =	vld [tilespmem:s3+$0x7E60];
	v9 =	vmul.f32 v46, v49;
	[tilespmem:s3+$0x7E70] =	vst v6  }
0xf9: {  	v26 =	vld [tilespmem:s3+$0x7E50];
	v7 =	vmul.f32 v47, v49;
	[tilespmem:s3+$0x7CE0] =	vst v11  }
0xfa: {  	v30 =	vld [tilespmem:s3+$0x7E80];
	v8 =	vmul.f32 v48, v49;
	[tilespmem:s3+$0x7D20] =	vst v9  }
0xfb: {  	v50 =	vld [tilespmem:s3+$0x7D50];
	v10 =	vmul.f32 v51, v49;
	[tilespmem:s3+$0x7D30] =	vst v7  }
0xfc: {  	v54 =	vld [tilespmem:s3+$0x7D90];
	v12 =	vmul.f32 v52, v49;
	[tilespmem:s3+$0x7D40] =	vst v8  }
0xfd: {  	v55 =	vld [tilespmem:s3+$0x7DA0];
	v35 =	vbroadcast v1, $0xC;
	v40 =	vmul.f32 v28, v23;
	[tilespmem:s3+$0x7D60] =	vst v10  }
0xfe: {  	v56 =	vld [tilespmem:s3+$0x7DB0];
	v32 =	vmul.f32 v26, v23;
	[tilespmem:s3+$0x7D70] =	vst v12  }
0xff: {  	v60 =	vld [tilespmem:s3+$0x7DE0];
	v15 =	vmul.f32 v30, v35;
	[tilespmem:s3+$0x7E60] =	vst v40  }
0x100: {  	v62 =	vld [tilespmem:s3+$0x7890];
	v11 =	vmul.f32 v50, v49;
	[tilespmem:s3+$0x7E50] =	vst v32  }
0x101: {  	v19 =	vld [tilespmem:s3+$0x78D0];
	v9 =	vmul.f32 v54, v5;
	[tilespmem:s3+$0x7E80] =	vst v15  }
0x102: {  	v33 =	vld [tilespmem:s3+$0x7EB0];
	v7 =	vmul.f32 v55, v5;
	[tilespmem:s3+$0x7D50] =	vst v11  }
0x103: {  	v61 =	vld [tilespmem:s3+$0x8070];
	v8 =	vmul.f32 v56, v5;
	[tilespmem:s3+$0x7D90] =	vst v9  }
0x104: {  	v38 =	vld [tilespmem:s3+$0x7EF0];
	v5 =	vmul.f32 v60, v5;
	[tilespmem:s3+$0x7DA0] =	vst v7  }
0x105: {  	v21 =	vld [tilespmem:s3+$0x7E20];
	v12 =	vmul.f32 v62, v2;
	[tilespmem:s3+$0x7DB0] =	vst v8  }
0x106: {  	v22 =	vld [tilespmem:s3+$0x7E30];
	v2 =	vmul.f32 v19, v2;
	[tilespmem:s3+$0x7DE0] =	vst v5  }
0x107: {  	v25 =	vld [tilespmem:s3+$0x7E40];
	v62 =	vmul.f32 v33, v35;
	[tilespmem:s3+$0x7890] =	vst v12  }
0x108: {  	v31 =	vld [tilespmem:s3+$0x7E90];
	v63 =	vmul.f32 v61, v27;
	[tilespmem:s3+$0x78D0] =	vst v2  }
0x109: {  	v34 =	vld [tilespmem:s3+$0x7EC0];
	v15 =	vmul.f32 v38, v35;
	[tilespmem:s3+$0x7EB0] =	vst v62  }
0x10a: {  	v41 =	vld [tilespmem:s3+$0x7F20];
	v7 =	vmul.f32 v21, v23;
	[tilespmem:s3+$0x8070] =	vst v63  }
0x10b: {  	v46 =	vld [tilespmem:s3+$0x7F60];
	v8 =	vmul.f32 v22, v23;
	[tilespmem:s3+$0x7EF0] =	vst v15  }
0x10c: {  	v36 =	vld [tilespmem:s3+$0x7ED0];
	v5 =	vmul.f32 v25, v23;
	[tilespmem:s3+$0x7E20] =	vst v7  }
0x10d: {  	v44 =	vbroadcast v1, $0xD;
	v9 =	vmul.f32 v31, v35;
	v2 =	vld [tilespmem:s3+$0x7F10];
	[tilespmem:s3+$0x7E30] =	vst v8  }
0x10e: {  	v37 =	vld [tilespmem:s3+$0x7EE0];
	v12 =	vmul.f32 v34, v35;
	[tilespmem:s3+$0x7E40] =	vst v5  }
0x10f: {  	v39 =	vld [tilespmem:s3+$0x7F00];
	v11 =	vmul.f32 v41, v44;
	[tilespmem:s3+$0x7E90] =	vst v9  }
0x110: {  	v42 =	vld [tilespmem:s3+$0x7F30];
	v51 =	vmul.f32 v46, v44;
	[tilespmem:s3+$0x7EC0] =	vst v12  }
0x111: {  	v48 =	vld [tilespmem:s3+$0x7F90];
	v8 =	vmul.f32 v36, v35;
	[tilespmem:s3+$0x7F20] =	vst v11  }
0x112: {  	v49 =	vld [tilespmem:s3+$0x7FA0];
	[tilespmem:s3+$0x7F60] =	vst v51;
	v2 =	vmul.f32 v2, v44  }
0x113: {  	v50 =	vld [tilespmem:s3+$0x7FB0];
	v5 =	vmul.f32 v37, v35;
	[tilespmem:s3+$0x7ED0] =	vst v8  }
0x114: {  	v1 =	vbroadcast v1, $0xE;
	v9 =	vmul.f32 v39, v44;
	[tilespmem:s3+$0x7F10] =	vst v2;
	v2 =	vld [tilespmem:s3+$0x7F80]  }
0x115: {  	v60 =	vld [tilespmem:s3+$0x8060];
	v12 =	vmul.f32 v42, v44;
	[tilespmem:s3+$0x7EE0] =	vst v5  }
0x116: {  	v45 =	vld [tilespmem:s3+$0x7F50];
	v11 =	vmul.f32 v48, v1;
	[tilespmem:s3+$0x7F00] =	vst v9  }
0x117: {  	v47 =	vld [tilespmem:s3+$0x7F70];
	v10 =	vmul.f32 v49, v1;
	[tilespmem:s3+$0x7F30] =	vst v12  }
0x118: {  	v43 =	vld [tilespmem:s3+$0x7F40];
	v6 =	vmul.f32 v50, v1;
	[tilespmem:s3+$0x7F90] =	vst v11  }
0x119: {  	v55 =	vld [tilespmem:s3+$0x8000];
	[tilespmem:s3+$0x7FA0] =	vst v10;
	v2 =	vmul.f32 v2, v1  }
0x11a: {  	v57 =	vld [tilespmem:s3+$0x8020];
	v4 =	vmul.f32 v60, v27;
	[tilespmem:s3+$0x7FB0] =	vst v6  }
0x11b: {  	v5 =	vmul.f32 v45, v44;
	[tilespmem:s3+$0x7F80] =	vst v2;
	v2 =	vld [tilespmem:s3+$0x7FF0]  }
0x11c: {  	v52 =	vld [tilespmem:s3+$0x7FC0];
	v9 =	vmul.f32 v47, v44;
	[tilespmem:s3+$0x8060] =	vst v4  }
0x11d: {  	v56 =	vld [tilespmem:s3+$0x8010];
	v8 =	vmul.f32 v43, v44;
	[tilespmem:s3+$0x7F50] =	vst v5  }
0x11e: {  	v54 =	vld [tilespmem:s3+$0x7FE0];
	v11 =	vmul.f32 v55, v27;
	[tilespmem:s3+$0x7F70] =	vst v9  }
0x11f: {  	v58 =	vld [tilespmem:s3+$0x8030];
	v6 =	vmul.f32 v57, v27;
	[tilespmem:s3+$0x7F40] =	vst v8  }
0x120: {  	v53 =	vld [tilespmem:s3+$0x7FD0];
	[tilespmem:s3+$0x8000] =	vst v11;
	v2 =	vmul.f32 v2, v1  }
0x121: {  	v59 =	vld [tilespmem:s3+$0x8040];
	v5 =	vmul.f32 v52, v1;
	[tilespmem:s3+$0x8020] =	vst v6  }
0x122: {  	[tilespmem:s3+$0x7FF0] =	vst v2;
	v2 =	vmul.f32 v56, v27  }
0x123: {  	v3 =	vld [tilespmem:s3+$0x7EA0];
	v9 =	vmul.f32 v54, v1;
	[tilespmem:s3+$0x7FC0] =	vst v5  }
0x124: {  	[tilespmem:s3+$0x8010] =	vst v2;
	v2 =	vmul.f32 v58, v27  }
0x125: {  	[tilespmem:s3+$0x7FE0] =	vst v9;
	v1 =	vmul.f32 v53, v1  }
0x126: {  	[tilespmem:s3+$0x8030] =	vst v2;
	v2 =	vmul.f32 v59, v27  }
0x127: {  	[tilespmem:s3+$0x7FD0] =	vst v1  }
0x128: {  	s4 =	simm.s32 $0x1;
	[tilespmem:s3+$0x8040] =	vst v2;
	v2 =	vmul.f32 v3, v35  }
.LBB2_7:
0x129: {  	s7 =	sshll.u32 s4, $0x4  }
0x12a: {  	p0 =	sne.s32 s4, $0x4;
	[tilespmem:s3+$0x7EA0] =	vst v2;
	s3 =	smov.u32 s4;
	s4 =	sadd.s32 $0x1, s4  }
0x12b: {  	s7 =	sand.u32 $0x3FFFFFF0, s7  }
0x12c: {  	s3 =	sshll.u32 s3, $0xB;
	v1 =	vld [tilespmem:s7+$0x7800]  }
0x12d: {  	s3 =	sand.u32 $0x3FFFF800, s3  }
0x12e: {  	v8 =	vld [tilespmem:s3+$0x7940]  }
0x12f: {  	v9 =	vld [tilespmem:s3+$0x7950]  }
0x130: {  	v10 =	vld [tilespmem:s3+$0x7930]  }
0x131: {  	v2 =	vbroadcast v1, $0x0;
	v3 =	vld [tilespmem:s3+$0x78A0];
	v7 =	vbroadcast v1, $0x4  }
0x132: {  	v5 =	vld [tilespmem:s3+$0x78B0]  }
0x133: {  	v6 =	vld [tilespmem:s3+$0x7DF0]  }
0x134: {  	v11 =	vld [tilespmem:s3+$0x78E0]  }
0x135: {  	v12 =	vld [tilespmem:s3+$0x78F0]  }
0x136: {  	v4 =	vbroadcast v1, $0xA;
	v3 =	vmul.f32 v3, v2;
	v13 =	vld [tilespmem:s3+$0x7900]  }
0x137: {  	v5 =	vmul.f32 v5, v2;
	v14 =	vld [tilespmem:s3+$0x7910]  }
0x138: {  	[tilespmem:s3+$0x78A0] =	vst v3;
	v15 =	vld [tilespmem:s3+$0x7920];
	v3 =	vmul.f32 v6, v4  }
0x139: {  	[tilespmem:s3+$0x78B0] =	vst v5;
	v6 =	vmul.f32 v11, v2;
	v11 =	vbroadcast v1, $0x1;
	v5 =	vld [tilespmem:s3+$0x7E00]  }
0x13a: {  	v12 =	vmul.f32 v12, v2;
	[tilespmem:s3+$0x7DF0] =	vst v3;
	v3 =	vld [tilespmem:s3+$0x8050]  }
0x13b: {  	[tilespmem:s3+$0x78E0] =	vst v6;
	v13 =	vmul.f32 v13, v11;
	v6 =	vld [tilespmem:s3+$0x7E10]  }
0x13c: {  	[tilespmem:s3+$0x78F0] =	vst v12;
	v12 =	vmul.f32 v14, v11;
	v14 =	vld [tilespmem:s3+$0x7960]  }
0x13d: {  	[tilespmem:s3+$0x7900] =	vst v13;
	v13 =	vmul.f32 v15, v11;
	v15 =	vld [tilespmem:s3+$0x7970]  }
0x13e: {  	v10 =	vmul.f32 v10, v11;
	[tilespmem:s3+$0x7910] =	vst v12;
	v12 =	vld [tilespmem:s3+$0x7980]  }
0x13f: {  	v8 =	vmul.f32 v8, v11;
	[tilespmem:s3+$0x7920] =	vst v13;
	v13 =	vld [tilespmem:s3+$0x7990]  }
0x140: {  	v9 =	vmul.f32 v9, v11;
	[tilespmem:s3+$0x7930] =	vst v10;
	v10 =	vld [tilespmem:s3+$0x79A0]  }
0x141: {  	[tilespmem:s3+$0x7940] =	vst v8;
	v8 =	vmul.f32 v14, v11;
	v14 =	vbroadcast v1, $0x2;
	v16 =	vld [tilespmem:s3+$0x79B0]  }
0x142: {  	[tilespmem:s3+$0x7950] =	vst v9;
	v9 =	vmul.f32 v15, v11;
	v11 =	vld [tilespmem:s3+$0x79C0]  }
0x143: {  	[tilespmem:s3+$0x7960] =	vst v8;
	v8 =	vmul.f32 v12, v14;
	v12 =	vld [tilespmem:s3+$0x79D0]  }
0x144: {  	[tilespmem:s3+$0x7970] =	vst v9;
	v9 =	vmul.f32 v13, v14;
	v13 =	vld [tilespmem:s3+$0x79E0]  }
0x145: {  	[tilespmem:s3+$0x7980] =	vst v8;
	v8 =	vmul.f32 v10, v14;
	v10 =	vld [tilespmem:s3+$0x79F0]  }
0x146: {  	[tilespmem:s3+$0x7990] =	vst v9;
	v9 =	vmul.f32 v16, v14;
	v15 =	vld [tilespmem:s3+$0x7A00]  }
0x147: {  	[tilespmem:s3+$0x79A0] =	vst v8;
	v8 =	vmul.f32 v11, v14;
	v11 =	vld [tilespmem:s3+$0x7A10]  }
0x148: {  	[tilespmem:s3+$0x79B0] =	vst v9;
	v9 =	vmul.f32 v12, v14;
	v12 =	vld [tilespmem:s3+$0x7A20]  }
0x149: {  	[tilespmem:s3+$0x79C0] =	vst v8;
	v8 =	vmul.f32 v13, v14;
	v13 =	vbroadcast v1, $0x3;
	v16 =	vld [tilespmem:s3+$0x7A30]  }
0x14a: {  	[tilespmem:s3+$0x79D0] =	vst v9;
	v9 =	vmul.f32 v10, v14;
	v10 =	vld [tilespmem:s3+$0x7A40]  }
0x14b: {  	[tilespmem:s3+$0x79E0] =	vst v8;
	v8 =	vmul.f32 v15, v13;
	v14 =	vld [tilespmem:s3+$0x7A50]  }
0x14c: {  	[tilespmem:s3+$0x79F0] =	vst v9;
	v9 =	vmul.f32 v11, v13;
	v11 =	vld [tilespmem:s3+$0x7A60]  }
0x14d: {  	[tilespmem:s3+$0x7A00] =	vst v8;
	v8 =	vmul.f32 v12, v13;
	v12 =	vld [tilespmem:s3+$0x7A70]  }
0x14e: {  	[tilespmem:s3+$0x7A10] =	vst v9;
	v9 =	vmul.f32 v16, v13;
	v15 =	vld [tilespmem:s3+$0x7A80]  }
0x14f: {  	[tilespmem:s3+$0x7A20] =	vst v8;
	v8 =	vmul.f32 v10, v13;
	v10 =	vld [tilespmem:s3+$0x7A90]  }
0x150: {  	[tilespmem:s3+$0x7A30] =	vst v9;
	v9 =	vmul.f32 v14, v13;
	v14 =	vld [tilespmem:s3+$0x7AA0]  }
0x151: {  	[tilespmem:s3+$0x7A40] =	vst v8;
	v8 =	vmul.f32 v11, v13;
	v11 =	vld [tilespmem:s3+$0x7AB0]  }
0x152: {  	[tilespmem:s3+$0x7A50] =	vst v9;
	v9 =	vmul.f32 v12, v13;
	v12 =	vld [tilespmem:s3+$0x7AC0]  }
0x153: {  	[tilespmem:s3+$0x7A60] =	vst v8;
	v8 =	vmul.f32 v15, v7;
	v13 =	vld [tilespmem:s3+$0x7AD0]  }
0x154: {  	[tilespmem:s3+$0x7A70] =	vst v9;
	v9 =	vmul.f32 v10, v7;
	v10 =	vld [tilespmem:s3+$0x7AE0]  }
0x155: {  	[tilespmem:s3+$0x7A80] =	vst v8;
	v8 =	vmul.f32 v14, v7;
	v14 =	vld [tilespmem:s3+$0x7AF0]  }
0x156: {  	[tilespmem:s3+$0x7A90] =	vst v9;
	v9 =	vmul.f32 v11, v7;
	v11 =	vld [tilespmem:s3+$0x7B00]  }
0x157: {  	[tilespmem:s3+$0x7AA0] =	vst v8;
	v8 =	vmul.f32 v12, v7;
	v12 =	vld [tilespmem:s3+$0x7B10]  }
0x158: {  	[tilespmem:s3+$0x7AB0] =	vst v9;
	v9 =	vmul.f32 v13, v7;
	v13 =	vld [tilespmem:s3+$0x7B20]  }
0x159: {  	[tilespmem:s3+$0x7AC0] =	vst v8;
	v8 =	vmul.f32 v10, v7;
	v10 =	vbroadcast v1, $0x5;
	v15 =	vld [tilespmem:s3+$0x7B30]  }
0x15a: {  	[tilespmem:s3+$0x7AD0] =	vst v9;
	v7 =	vmul.f32 v14, v7;
	v9 =	vld [tilespmem:s3+$0x7B40]  }
0x15b: {  	[tilespmem:s3+$0x7AE0] =	vst v8;
	v8 =	vmul.f32 v11, v10;
	v11 =	vld [tilespmem:s3+$0x7B50]  }
0x15c: {  	[tilespmem:s3+$0x7AF0] =	vst v7;
	v7 =	vmul.f32 v12, v10;
	v12 =	vld [tilespmem:s3+$0x7B60]  }
0x15d: {  	[tilespmem:s3+$0x7B00] =	vst v8;
	v8 =	vmul.f32 v13, v10;
	v13 =	vld [tilespmem:s3+$0x7B70]  }
0x15e: {  	[tilespmem:s3+$0x7B10] =	vst v7;
	v7 =	vmul.f32 v15, v10;
	v14 =	vld [tilespmem:s3+$0x7B80]  }
0x15f: {  	[tilespmem:s3+$0x7B20] =	vst v8;
	v8 =	vmul.f32 v9, v10;
	v9 =	vld [tilespmem:s3+$0x7B90]  }
0x160: {  	[tilespmem:s3+$0x7B30] =	vst v7;
	v7 =	vmul.f32 v11, v10;
	v11 =	vld [tilespmem:s3+$0x7BA0]  }
0x161: {  	[tilespmem:s3+$0x7B40] =	vst v8;
	v8 =	vmul.f32 v12, v10;
	v12 =	vbroadcast v1, $0x6;
	v15 =	vld [tilespmem:s3+$0x7BB0]  }
0x162: {  	[tilespmem:s3+$0x7B50] =	vst v7;
	v7 =	vmul.f32 v13, v10;
	v10 =	vld [tilespmem:s3+$0x7BC0]  }
0x163: {  	[tilespmem:s3+$0x7B60] =	vst v8;
	v8 =	vmul.f32 v14, v12;
	v13 =	vld [tilespmem:s3+$0x7BD0]  }
0x164: {  	[tilespmem:s3+$0x7B70] =	vst v7;
	v7 =	vmul.f32 v9, v12;
	v9 =	vld [tilespmem:s3+$0x7BE0]  }
0x165: {  	[tilespmem:s3+$0x7B80] =	vst v8;
	v8 =	vmul.f32 v11, v12;
	v11 =	vld [tilespmem:s3+$0x7BF0]  }
0x166: {  	[tilespmem:s3+$0x7B90] =	vst v7;
	v7 =	vmul.f32 v15, v12;
	v14 =	vld [tilespmem:s3+$0x7C00]  }
0x167: {  	[tilespmem:s3+$0x7BA0] =	vst v8;
	v8 =	vmul.f32 v10, v12;
	v10 =	vld [tilespmem:s3+$0x7C10]  }
0x168: {  	[tilespmem:s3+$0x7BB0] =	vst v7;
	v7 =	vmul.f32 v13, v12;
	v13 =	vld [tilespmem:s3+$0x7C20]  }
0x169: {  	[tilespmem:s3+$0x7BC0] =	vst v8;
	v8 =	vmul.f32 v9, v12;
	v9 =	vbroadcast v1, $0x7;
	v15 =	vld [tilespmem:s3+$0x7C30]  }
0x16a: {  	[tilespmem:s3+$0x7BD0] =	vst v7;
	v7 =	vmul.f32 v11, v12;
	v11 =	vld [tilespmem:s3+$0x7C40]  }
0x16b: {  	[tilespmem:s3+$0x7BE0] =	vst v8;
	v8 =	vmul.f32 v14, v9;
	v12 =	vld [tilespmem:s3+$0x7C50]  }
0x16c: {  	[tilespmem:s3+$0x7BF0] =	vst v7;
	v7 =	vmul.f32 v10, v9;
	v10 =	vld [tilespmem:s3+$0x7C60]  }
0x16d: {  	[tilespmem:s3+$0x7C00] =	vst v8;
	v8 =	vmul.f32 v13, v9;
	v13 =	vld [tilespmem:s3+$0x7C70]  }
0x16e: {  	[tilespmem:s3+$0x7C10] =	vst v7;
	v7 =	vmul.f32 v15, v9;
	v14 =	vld [tilespmem:s3+$0x7C80]  }
0x16f: {  	[tilespmem:s3+$0x7C20] =	vst v8;
	v8 =	vmul.f32 v11, v9;
	v11 =	vld [tilespmem:s3+$0x7C90]  }
0x170: {  	[tilespmem:s3+$0x7C30] =	vst v7;
	v7 =	vmul.f32 v12, v9;
	v12 =	vld [tilespmem:s3+$0x7CA0]  }
0x171: {  	[tilespmem:s3+$0x7C40] =	vst v8;
	v8 =	vmul.f32 v10, v9;
	v10 =	vbroadcast v1, $0x8;
	v15 =	vld [tilespmem:s3+$0x7CB0]  }
0x172: {  	[tilespmem:s3+$0x7C50] =	vst v7;
	v7 =	vmul.f32 v13, v9;
	v9 =	vld [tilespmem:s3+$0x7CC0]  }
0x173: {  	[tilespmem:s3+$0x7C60] =	vst v8;
	v8 =	vmul.f32 v14, v10;
	v13 =	vld [tilespmem:s3+$0x7CD0]  }
0x174: {  	[tilespmem:s3+$0x7C70] =	vst v7;
	v7 =	vmul.f32 v11, v10;
	v11 =	vld [tilespmem:s3+$0x7CE0]  }
0x175: {  	[tilespmem:s3+$0x7C80] =	vst v8;
	v8 =	vmul.f32 v12, v10;
	v12 =	vld [tilespmem:s3+$0x7CF0]  }
0x176: {  	[tilespmem:s3+$0x7C90] =	vst v7;
	v7 =	vmul.f32 v15, v10;
	v14 =	vld [tilespmem:s3+$0x7D00]  }
0x177: {  	[tilespmem:s3+$0x7CA0] =	vst v8;
	v8 =	vmul.f32 v9, v10;
	v9 =	vld [tilespmem:s3+$0x7D10]  }
0x178: {  	[tilespmem:s3+$0x7CB0] =	vst v7;
	v7 =	vmul.f32 v13, v10;
	v13 =	vld [tilespmem:s3+$0x7D20]  }
0x179: {  	[tilespmem:s3+$0x7CC0] =	vst v8;
	v8 =	vmul.f32 v11, v10;
	v11 =	vbroadcast v1, $0x9;
	v15 =	vld [tilespmem:s3+$0x7D30]  }
0x17a: {  	[tilespmem:s3+$0x7CD0] =	vst v7;
	v7 =	vmul.f32 v12, v10;
	v10 =	vld [tilespmem:s3+$0x7D40]  }
0x17b: {  	[tilespmem:s3+$0x7CE0] =	vst v8;
	v8 =	vmul.f32 v14, v11;
	v12 =	vld [tilespmem:s3+$0x7D50]  }
0x17c: {  	[tilespmem:s3+$0x7CF0] =	vst v7;
	v7 =	vmul.f32 v9, v11;
	v9 =	vld [tilespmem:s3+$0x7D60]  }
0x17d: {  	[tilespmem:s3+$0x7D00] =	vst v8;
	v8 =	vmul.f32 v13, v11;
	v13 =	vld [tilespmem:s3+$0x7D70]  }
0x17e: {  	[tilespmem:s3+$0x7D10] =	vst v7;
	v7 =	vmul.f32 v15, v11;
	v14 =	vld [tilespmem:s3+$0x7D80]  }
0x17f: {  	[tilespmem:s3+$0x7D20] =	vst v8;
	v8 =	vmul.f32 v10, v11;
	v10 =	vld [tilespmem:s3+$0x7D90]  }
0x180: {  	[tilespmem:s3+$0x7D30] =	vst v7;
	v7 =	vmul.f32 v12, v11;
	v12 =	vld [tilespmem:s3+$0x7DA0]  }
0x181: {  	[tilespmem:s3+$0x7D40] =	vst v8;
	v8 =	vmul.f32 v9, v11;
	v9 =	vld [tilespmem:s3+$0x7DB0]  }
0x182: {  	[tilespmem:s3+$0x7D50] =	vst v7;
	v7 =	vmul.f32 v13, v11;
	v11 =	vld [tilespmem:s3+$0x7DC0]  }
0x183: {  	[tilespmem:s3+$0x7D60] =	vst v8;
	v8 =	vmul.f32 v14, v4;
	v13 =	vld [tilespmem:s3+$0x7DD0]  }
0x184: {  	[tilespmem:s3+$0x7D70] =	vst v7;
	v7 =	vmul.f32 v10, v4;
	v10 =	vld [tilespmem:s3+$0x7DE0]  }
0x185: {  	v14 =	vld [tilespmem:s3+$0x7880];
	[tilespmem:s3+$0x7D80] =	vst v8;
	v8 =	vmul.f32 v12, v4  }
0x186: {  	v12 =	vld [tilespmem:s3+$0x7890];
	[tilespmem:s3+$0x7D90] =	vst v7;
	v7 =	vmul.f32 v9, v4  }
0x187: {  	v9 =	vld [tilespmem:s3+$0x78C0];
	[tilespmem:s3+$0x7DA0] =	vst v8;
	v8 =	vmul.f32 v11, v4  }
0x188: {  	v11 =	vld [tilespmem:s3+$0x78D0];
	[tilespmem:s3+$0x7DB0] =	vst v7;
	v7 =	vmul.f32 v13, v4  }
0x189: {  	[tilespmem:s3+$0x7DC0] =	vst v8;
	v8 =	vmul.f32 v10, v4;
	v10 =	vbroadcast v1, $0xB;
	v13 =	vld [tilespmem:s3+$0x7E20]  }
0x18a: {  	v4 =	vbroadcast v1, $0xF;
	v14 =	vmul.f32 v2, v14;
	[tilespmem:s3+$0x7DD0] =	vst v7;
	v7 =	vld [tilespmem:s3+$0x7E30]  }
0x18b: {  	v12 =	vmul.f32 v12, v2;
	[tilespmem:s3+$0x7DE0] =	vst v8;
	v5 =	vmul.f32 v5, v10;
	v8 =	vld [tilespmem:s3+$0x7E40]  }
0x18c: {  	v6 =	vmul.f32 v6, v10;
	[tilespmem:s3+$0x7880] =	vst v14;
	v9 =	vmul.f32 v9, v2;
	v14 =	vld [tilespmem:s3+$0x7E50]  }
0x18d: {  	v3 =	vmul.f32 v3, v4;
	v11 =	vmul.f32 v11, v2;
	[tilespmem:s3+$0x7E00] =	vst v5;
	v2 =	vld [tilespmem:s3+$0x7E60]  }
0x18e: {  	[tilespmem:s3+$0x7E10] =	vst v6;
	v5 =	vmul.f32 v13, v10;
	v6 =	vld [tilespmem:s3+$0x7E70]  }
0x18f: {  	v7 =	vmul.f32 v7, v10;
	v13 =	vld [tilespmem:s3+$0x7E80];
	[tilespmem:s3+$0x8050] =	vst v3  }
0x190: {  	[tilespmem:s3+$0x7890] =	vst v12;
	v3 =	vmul.f32 v8, v10;
	v8 =	vld [tilespmem:s3+$0x7E90]  }
0x191: {  	[tilespmem:s3+$0x78C0] =	vst v9;
	v9 =	vmul.f32 v14, v10;
	v12 =	vld [tilespmem:s3+$0x7EA0]  }
0x192: {  	v14 =	vbroadcast v1, $0xC;
	[tilespmem:s3+$0x7E20] =	vst v5;
	v5 =	vmul.f32 v2, v10;
	v15 =	vld [tilespmem:s3+$0x7EB0]  }
0x193: {  	[tilespmem:s3+$0x7E50] =	vst v9;
	v6 =	vmul.f32 v6, v10;
	v9 =	vld [tilespmem:s3+$0x7EC0]  }
0x194: {  	[tilespmem:s3+$0x7E30] =	vst v7;
	v2 =	vmul.f32 v13, v14;
	v7 =	vld [tilespmem:s3+$0x7ED0]  }
0x195: {  	[tilespmem:s3+$0x7E40] =	vst v3;
	v3 =	vmul.f32 v8, v14;
	v8 =	vld [tilespmem:s3+$0x7EE0]  }
0x196: {  	[tilespmem:s3+$0x7E80] =	vst v2;
	v2 =	vmul.f32 v12, v14;
	v10 =	vld [tilespmem:s3+$0x7EF0]  }
0x197: {  	[tilespmem:s3+$0x7E90] =	vst v3;
	v3 =	vld [tilespmem:s3+$0x7F00]  }
0x198: {  	[tilespmem:s3+$0x78D0] =	vst v11;
	v9 =	vmul.f32 v9, v14;
	v11 =	vld [tilespmem:s3+$0x7F10]  }
0x199: {  	[tilespmem:s3+$0x7E60] =	vst v5;
	v5 =	vmul.f32 v7, v14;
	v7 =	vld [tilespmem:s3+$0x7F20]  }
0x19a: {  	[tilespmem:s3+$0x7EC0] =	vst v9;
	v8 =	vmul.f32 v8, v14;
	v9 =	vbroadcast v1, $0xD;
	v12 =	vld [tilespmem:s3+$0x7F30]  }
0x19b: {  	[tilespmem:s3+$0x7ED0] =	vst v5;
	v5 =	vmul.f32 v10, v14;
	v10 =	vld [tilespmem:s3+$0x7F40]  }
0x19c: {  	[tilespmem:s3+$0x7EE0] =	vst v8;
	v3 =	vmul.f32 v3, v9;
	v8 =	vld [tilespmem:s3+$0x7F50]  }
0x19d: {  	[tilespmem:s3+$0x7EF0] =	vst v5;
	v5 =	vmul.f32 v11, v9;
	v11 =	vld [tilespmem:s3+$0x7F60]  }
0x19e: {  	[tilespmem:s3+$0x7F00] =	vst v3;
	v3 =	vmul.f32 v7, v9;
	v7 =	vld [tilespmem:s3+$0x7F70]  }
0x19f: {  	[tilespmem:s3+$0x7F10] =	vst v5;
	v5 =	vmul.f32 v12, v9;
	v12 =	vld [tilespmem:s3+$0x7F80]  }
0x1a0: {  	[tilespmem:s3+$0x7F20] =	vst v3;
	v3 =	vmul.f32 v10, v9;
	v10 =	vld [tilespmem:s3+$0x7F90]  }
0x1a1: {  	[tilespmem:s3+$0x7F30] =	vst v5;
	v5 =	vmul.f32 v8, v9;
	v8 =	vld [tilespmem:s3+$0x7FA0]  }
0x1a2: {  	v1 =	vbroadcast v1, $0xE;
	[tilespmem:s3+$0x7E70] =	vst v6;
	v6 =	vmul.f32 v11, v9;
	v11 =	vld [tilespmem:s3+$0x7FB0]  }
0x1a3: {  	[tilespmem:s3+$0x7F50] =	vst v5;
	v5 =	vmul.f32 v7, v9;
	v7 =	vld [tilespmem:s3+$0x7FC0]  }
0x1a4: {  	[tilespmem:s3+$0x7F60] =	vst v6;
	v6 =	vmul.f32 v12, v1;
	v9 =	vld [tilespmem:s3+$0x7FD0]  }
0x1a5: {  	[tilespmem:s3+$0x7F70] =	vst v5;
	v5 =	vmul.f32 v10, v1;
	v10 =	vld [tilespmem:s3+$0x7FE0]  }
0x1a6: {  	[tilespmem:s3+$0x7F80] =	vst v6;
	v6 =	vmul.f32 v8, v1;
	v8 =	vld [tilespmem:s3+$0x7FF0]  }
0x1a7: {  	[tilespmem:s3+$0x7F90] =	vst v5;
	v5 =	vmul.f32 v11, v1;
	v11 =	vld [tilespmem:s3+$0x8000]  }
0x1a8: {  	[tilespmem:s3+$0x7FA0] =	vst v6;
	v6 =	vmul.f32 v7, v1;
	v7 =	vld [tilespmem:s3+$0x8010]  }
0x1a9: {  	[tilespmem:s3+$0x7FB0] =	vst v5;
	v5 =	vmul.f32 v9, v1;
	v9 =	vld [tilespmem:s3+$0x8020]  }
0x1aa: {  	[tilespmem:s3+$0x7FC0] =	vst v6;
	v6 =	vmul.f32 v10, v1;
	v10 =	vld [tilespmem:s3+$0x8030]  }
0x1ab: {  	[tilespmem:s3+$0x7F40] =	vst v3;
	v1 =	vmul.f32 v8, v1;
	v3 =	vld [tilespmem:s3+$0x8040]  }
0x1ac: {  	[tilespmem:s3+$0x7FE0] =	vst v6;
	v6 =	vmul.f32 v11, v4;
	v8 =	vld [tilespmem:s3+$0x8060]  }
0x1ad: {  	[tilespmem:s3+$0x7FF0] =	vst v1;
	v1 =	vmul.f32 v7, v4;
	v7 =	vld [tilespmem:s3+$0x8070]  }
0x1ae: {  	[tilespmem:s3+$0x8000] =	vst v6;
	v6 =	vmul.f32 v9, v4  }
0x1af: {  	[tilespmem:s3+$0x8010] =	vst v1;
	v1 =	vmul.f32 v10, v4  }
0x1b0: {  	v9 =	vmul.f32 v15, v14;
	[tilespmem:s3+$0x8020] =	vst v6  }
0x1b1: {  	[tilespmem:s3+$0x8030] =	vst v1;
	v1 =	vmul.f32 v3, v4  }
.Ltmp2:
0x1b2: {  	[tilespmem:s3+$0x7EB0] =	vst v9;
	v3 =	vmul.f32 v7, v4;
	(pc) =	sbr.rel @p0 .LBB2_7-.Ltmp2, $4  }
0x1b3: {  	[tilespmem:s3+$0x8040] =	vst v1  }
0x1b4: {  	v1 =	vmul.f32 v8, v4;
	[tilespmem:s3+$0x8070] =	vst v3  }
0x1b5: {  	[tilespmem:s3+$0x7FD0] =	vst v5  }
0x1b6: {  	[tilespmem:s3+$0x8060] =	vst v1  }
0x1b7: {  	s31 =	sadd.s32 $0x1, s31  }
0x1b8: {  	p0 =	sne.s32 s31, $0x7D  }
.Ltmp3:
0x1b9: {  	[tilespmem:s3+$0x7EA0] =	vst v2;
	(pc) =	sbr.rel @p0 .LBB2_6-.Ltmp3, $4  }
0x1ba: {  	[spmem:s2] =	stream.indirect.scatter.add.f32 [tilespmem:s23], [sflag:$0x2], $0x80, s25, s26, $0xb8;
	[tilespmem:$0x1E080] =	vst v63  }
0x1bb: {  	_ =	swait.ge [sflag:s21], $0x2800  }
0x1bc: {  	[sflag:s21] =	ssyncset.done $0x0  }
0x1bd: {  	[sflag:s21] =	ssyncadd.s32 $0xFFFFD800  }
0x1be: {  	s3 =	simm.s32 $0x80;
	s4 =	simm.s32 $0x400  }
0x1bf: {  	[hbm4b:s18+s3] =	stream.strided.scatter [tilespmem:s28], [sflag:$0x2], $0x2800, s4, s3, $0x38;
	[tilespmem:$0x1E080] =	vst v63  }
0x1c0: {  	s30 =	stileid.u32;
	_ =	swait.ge [sflag:s21], $0x2800  }
0x1c1: {  	s31 =	sshrl.u32 s9, $0x3;
	s0 =	sadd.s32 $0x1, s0;
	[sflag:s21] =	ssyncset.done $0x0  }
0x1c2: {  	s3 =	sshll.u32 s30, $0x6;
	p0 =	sne.s32 s0, s20;
	[sflag:s21] =	ssyncadd.s32 $0xFFFFD800  }
.Ltmp4:
0x1c3: {  	s3 =	sor.u32 $0x1C02, s3;
	[bflag:$0x0] =	sbarrier.arrive $0xFFFF;
	(pc) =	sbr.rel @p0 .LBB2_1-.Ltmp4, $4  }
0x1c4: {  	[hbm:s19], [sflag:s3] =	dma.local [spmem:s31], $0x2800  }
0x1c5: {  	_ =	swait.ge [sflag:s21], $0x2800  }
0x1c6: {  	[sflag:s21] =	ssyncset.done $0x0  }
0x1c7: {  	[sflag:s21] =	ssyncadd.s32 $0xFFFFD800  }
0x1c8: {  	_ =	sfence.sel $0x180000  }
0x1c9: {  	[bflag:$0x0] =	sbarrier.arrive $0xFFFF  }
0x1ca: {  	_ =	strace $0x90000047  }
0x1cb: {  	s0 =	stileid.u32;
	[bflag:$0x2] =	sbarrier.arrive $0xFFFF  }
0x1cc: {  	p0 =	sne.s32 s0, $0x0;
	s0 =	rddreg [dreg:$0x3]  }
0x1cd: {  	s0 =	sadd.s32 @!p0 $0x100000, s0  }
0x1ce: {  	[sflag:s0] =	ssyncadd.tile.s32 @!p0 $0x1;
	_ =	shalt  }
.Lfunc_end2:
_tile_overlayer_lowered:
.L_overlay_start_2:
0x1cf: {  	(tag) =	ssettag $0x2  }
0x1d0: {  	s0 =	rddreg [dreg:$0x0];
	s2 =	stileid.u32  }
0x1d1: {  	s1 =	rddreg [dreg:$0x1];
	p0 =	sne.s32 s2, $0x0  }
0x1d2: {  	s3 =	rddreg [dreg:$0x2];
	[bflag:$0x3] =	sbarrier.arrive $0xFFFF;
	s2 =	simm.s32 @!p0 $0x1C02  }
0x1d3: {  	[timem:s3], [sflag:s2] =	dma.local @!p0 [hbm:s0], s1  }
0x1d4: {  	s0 =	simm.s32 @!p0 $0x2  }
0x1d5: {  	_ =	swait.ge @!p0 [sflag:s0], s1  }
0x1d6: {  	s1 =	ssub.s32 @!p0 $0x0, s1;
	[sflag:s0] =	ssyncset.done @!p0 $0x0  }
0x1d7: {  	[sflag:s0] =	ssyncadd.s32 @!p0 s1  }
0x1d8: {  	[bflag:$0x3] =	sbarrier.arrive $0xFFFF  }
0x1d9: {  	_ =	shalt  }

</sc_bundles>
